<compile_context>
chip_gen: v7x
topology: tpu7x:2x2x1
jax: 0.10.2.dev20260603
libtpu: 0.0.44.dev20260713+nightly
codegen_flags: <defaults>
</compile_context>

<pallas_src>
import functools

import jax
import jax.numpy as jnp
from jax import lax
from jax.experimental import pallas as pl
from jax.experimental.pallas import tpu as pltpu
from jax.experimental.pallas import tpu_sc as plsc

NG = 128
NP = 100
EP = 1600
DN = 128
DE = 16
DG = 693
H = 128
GB = 4


def _ln(x, g, b):
    mu = jnp.mean(x, axis=-1, keepdims=True)
    m2 = jnp.mean(x * x, axis=-1, keepdims=True)
    var = m2 - mu * mu
    return (x - mu) * jax.lax.rsqrt(var + 1e-5) * g + b


def _dot(a, b):
    return jax.lax.dot_general(a.astype(jnp.bfloat16), b.astype(jnp.bfloat16),
                               (((1,), (0,)), ((), ())),
                               preferred_element_type=jnp.float32,
                               precision=jax.lax.Precision.DEFAULT)


def _dotT(a, b):
    return jax.lax.dot_general(a.astype(jnp.bfloat16), b.astype(jnp.bfloat16),
                               (((0,), (0,)), ((), ())),
                               preferred_element_type=jnp.float32,
                               precision=jax.lax.Precision.DEFAULT)


def _fold(p, slices, ones_slices=()):
    W1 = p['W1']
    bn_g = p['bn_g']
    bn_b = p['bn_b']
    const = p['b1'] + bn_b @ W1
    for (s, n) in ones_slices:
        const = const + bn_g[s:s + n] @ W1[s:s + n]
    Ws = [bn_g[s:s + n][:, None] * W1[s:s + n] for (s, n) in slices]
    return Ws, const[None, :]


def _proj(x, W):
    def b(x_ref, w_ref, o_ref):
        o_ref[...] = _dot(x_ref[...], w_ref[...])
    return pl.pallas_call(
        b, grid=(8,),
        in_specs=[pl.BlockSpec((NG * NP // 8, DN), lambda i: (i, 0)),
                  pl.BlockSpec((DN, H), lambda i: (0, 0))],
        out_specs=pl.BlockSpec((NG * NP // 8, H), lambda i: (i, 0)),
        out_shape=jax.ShapeDtypeStruct((NG * NP, H), jnp.float32))(x, W)


def _sc_gather(table, idx):
    info = plsc.get_sparse_core_info()
    NW = info.num_cores * info.num_subcores
    B = idx.shape[0]
    b_w = B // NW
    CH = 128
    n_ch = b_w // CH
    mesh = plsc.VectorSubcoreMesh(core_axis_name="c", subcore_axis_name="s")

    @functools.partial(
        pl.kernel, mesh=mesh,
        out_type=jax.ShapeDtypeStruct((B, H), jnp.float32),
        scratch_types=[pltpu.VMEM((CH,), jnp.int32),
                       pltpu.VMEM((CH, H), jnp.float32),
                       pltpu.SemaphoreType.DMA])
    def k(tab_hbm, idx_hbm, out_hbm, idx_v, rows_v, sem):
        wid = lax.axis_index("s") * info.num_cores + lax.axis_index("c")

        def step(j, c):
            off = wid * b_w + j * CH
            pltpu.sync_copy(idx_hbm.at[pl.ds(off, CH)], idx_v)
            pltpu.async_copy(tab_hbm.at[idx_v], rows_v, sem).wait()
            pltpu.sync_copy(rows_v, out_hbm.at[pl.ds(off, CH)])
            return c

        lax.fori_loop(0, n_ch, step, 0)

    return k(table, idx)


def kernel(nodes, edges, senders, receivers, node_gid, edge_gid, params):
    f32 = jnp.float32

    p1e, p1n, p1g = params['dec1']['edge'], params['dec1']['node'], params['dec1']['glob']
    p2e, p2n, p2g = params['dec2']['edge'], params['dec2']['node'], params['dec2']['glob']

    (We1e, We1r, We1s), c_e1 = _fold(
        p1e, [(0, DE), (DE, DN), (DE + DN, DN)], [(DE + 2 * DN, DG)])
    (Wn1a, Wn1n), c_n1 = _fold(
        p1n, [(0, H), (H, DN)], [(H + DN, DG)])
    (Wg1e, Wg1n), c_g1 = _fold(
        p1g, [(0, H), (H, H)], [(2 * H, DG)])
    (We2e, We2r, We2s, We2g), c_e2 = _fold(
        p2e, [(0, H), (H, H), (2 * H, H), (3 * H, DG)])
    (Wn2a, Wn2n, Wn2g), c_n2 = _fold(
        p2n, [(0, H), (H, H), (2 * H, DG)])
    (Wg2e, Wg2n, Wg2g), c_g2 = _fold(
        p2g, [(0, H), (H, H), (2 * H, DG)])

    def tail(p):
        return [p['W2'], p['b2'][None, :], p['ln_g'][None, :], p['ln_b'][None, :]]

    weights = (
        [We1e, We1r, We1s, c_e1] + tail(p1e) +
        [Wn1a, Wn1n, c_n1] + tail(p1n) +
        [Wg1e, Wg1n, c_g1] + tail(p1g) +
        [We2e, We2r, We2s, We2g, c_e2] + tail(p2e) +
        [Wn2a, Wn2n, Wn2g, c_n2] + tail(p2n) +
        [Wg2e, Wg2n, Wg2g, c_g2] + tail(p2g)
    )

    base = edge_gid * NP
    r_row = (receivers - base).astype(jnp.int32).reshape(NG, 1, EP)
    s_row = (senders - base).astype(jnp.int32).reshape(NG, 1, EP)

    def body(nodes_ref, edges_ref, rrow_ref, srow_ref, gr_ref,
             We1e_ref, We1r_ref, We1s_ref, ce1_ref, W2e1_ref, be1_ref, ge1_ref, le1_ref,
             Wn1a_ref, Wn1n_ref, cn1_ref, W2n1_ref, bn1_ref, gn1_ref, ln1_ref,
             Wg1e_ref, Wg1n_ref, cg1_ref, W2g1_ref, bg1_ref, gg1_ref, lg1_ref,
             We2e_ref, We2r_ref, We2s_ref, We2g_ref, ce2_ref, W2e2_ref, be2_ref, ge2_ref, le2_ref,
             Wn2a_ref, Wn2n_ref, Wn2g_ref, cn2_ref, W2n2_ref, bn2_ref, gn2_ref, ln2_ref,
             Wg2e_ref, Wg2n_ref, Wg2g_ref, cg2_ref, W2g2_ref, bg2_ref, gg2_ref, lg2_ref,
             n2_ref, e2_ref, g2_ref):
      for i in range(GB):
        nod = nodes_ref[pl.ds(i * NP, NP), :]
        edgT = edges_ref[:, pl.ds(i * EP, EP)]
        rrow = rrow_ref[i]
        srow = srow_ref[i]

        sub_n = jax.lax.broadcasted_iota(jnp.int32, (NP, EP), 0)
        ohT_r = (sub_n == rrow).astype(f32)
        ohT_s = (sub_n == srow).astype(f32)

        gr = gr_ref[pl.ds(i * EP, EP), :]
        Ps = _dot(nod, We1s_ref[...])
        h = _dotT(edgT, We1e_ref[...]) + gr + _dotT(ohT_s, Ps) + ce1_ref[...]
        h = jnp.maximum(h, 0.0)
        h = jnp.maximum(_dot(h, W2e1_ref[...]) + be1_ref[...], 0.0)
        e1 = _ln(h, ge1_ref[...], le1_ref[...])

        agg_e2n = _dot(ohT_r, e1)
        agg_e2g = jnp.sum(e1, axis=0, keepdims=True)

        h = _dot(agg_e2n, Wn1a_ref[...]) + _dot(nod, Wn1n_ref[...]) + cn1_ref[...]
        h = jnp.maximum(h, 0.0)
        h = jnp.maximum(_dot(h, W2n1_ref[...]) + bn1_ref[...], 0.0)
        n1 = _ln(h, gn1_ref[...], ln1_ref[...])
        agg_n2g = jnp.sum(n1, axis=0, keepdims=True)

        h = _dot(agg_e2g, Wg1e_ref[...]) + _dot(agg_n2g, Wg1n_ref[...]) + cg1_ref[...]
        h = jnp.maximum(h, 0.0)
        h = jnp.maximum(_dot(h, W2g1_ref[...]) + bg1_ref[...], 0.0)
        g1 = _ln(h, gg1_ref[...], lg1_ref[...])

        Pr2 = _dot(n1, We2r_ref[...])
        Ps2 = _dot(n1, We2s_ref[...])
        gproj = _dot(g1, We2g_ref[...])
        h = (_dot(e1, We2e_ref[...]) + _dotT(ohT_r, Pr2) + _dotT(ohT_s, Ps2)
             + gproj + ce2_ref[...])
        h = jnp.maximum(h, 0.0)
        h = jnp.maximum(_dot(h, W2e2_ref[...]) + be2_ref[...], 0.0)
        e2 = _ln(h, ge2_ref[...], le2_ref[...])

        agg2_e2n = _dot(ohT_r, e2)
        agg2_e2g = jnp.sum(e2, axis=0, keepdims=True)

        gprojn = _dot(g1, Wn2g_ref[...])
        h = (_dot(agg2_e2n, Wn2a_ref[...]) + _dot(n1, Wn2n_ref[...])
             + gprojn + cn2_ref[...])
        h = jnp.maximum(h, 0.0)
        h = jnp.maximum(_dot(h, W2n2_ref[...]) + bn2_ref[...], 0.0)
        n2 = _ln(h, gn2_ref[...], ln2_ref[...])
        agg2_n2g = jnp.sum(n2, axis=0, keepdims=True)

        h = (_dot(agg2_e2g, Wg2e_ref[...]) + _dot(agg2_n2g, Wg2n_ref[...])
             + _dot(g1, Wg2g_ref[...]) + cg2_ref[...])
        h = jnp.maximum(h, 0.0)
        h = jnp.maximum(_dot(h, W2g2_ref[...]) + bg2_ref[...], 0.0)
        g2 = _ln(h, gg2_ref[...], lg2_ref[...])

        lane_h = jax.lax.broadcasted_iota(jnp.int32, (EP, H), 1)
        e2_out = jnp.where(lane_h == 0, jax.nn.sigmoid(e2), e2)

        n2_ref[pl.ds(i * NP, NP), :] = n2
        e2_ref[pl.ds(i * EP, EP), :] = e2_out
        g2_ref[i] = g2

    def rspec(rows, cols):
        return pl.BlockSpec((GB * rows, cols), lambda g: (g, 0))

    def wspec(w):
        return pl.BlockSpec(w.shape, lambda g: (0, 0))

    ispec = pl.BlockSpec((GB, 1, EP), lambda g: (g, 0, 0))
    espec = pl.BlockSpec((DE, GB * EP), lambda g: (0, g))
    in_specs = ([rspec(NP, DN), espec, ispec, ispec, rspec(EP, H)] +
                [wspec(w) for w in weights])
    out_specs = [rspec(NP, H), rspec(EP, H),
                 pl.BlockSpec((GB, 1, DG), lambda g: (g, 0, 0))]
    out_shapes = [jax.ShapeDtypeStruct((NG * NP, H), f32),
                  jax.ShapeDtypeStruct((NG * EP, H), f32),
                  jax.ShapeDtypeStruct((NG, 1, DG), f32)]

    Pr_full = _proj(nodes, We1r)
    gath_r = _sc_gather(Pr_full, receivers.astype(jnp.int32))

    n2, e2, g2p = pl.pallas_call(
        body,
        grid=(NG // GB,),
        in_specs=in_specs,
        out_specs=out_specs,
        out_shape=out_shapes,
    )(nodes, edges.T, r_row, s_row, gath_r, *weights)

    g2 = g2p.reshape(NG, DG)
    mu = jnp.ones((NG, DG), f32)
    logvar = jnp.ones((NG, DG), f32)
    return (n2, e2, g2, mu, logvar)

# --- scband reference (transcript-rebuilt; emitter-appended) ---
"""Pipeline reference for scband-graph-vae-65249143160984 (READ-ONLY COPY).

The authoritative reference and input builder live on the scoring server;
editing this copy changes nothing except your own understanding.
"""

import jax, jax.numpy as jnp
import numpy as np

N_GRAPH = 128
NODES_PER = 100
EDGES_PER = 1600
N_NODE = N_GRAPH * NODES_PER
N_EDGE = N_GRAPH * EDGES_PER
D_NODE = 128
D_EDGE = 16
D_GLOBAL = 693
HID = 128


def mlp_params(key, din, dout):
    k1, k2 = jax.random.split(key)
    s1 = 1.0 / np.sqrt(din)
    s2 = 1.0 / np.sqrt(dout)
    return {
        'bn_g': jnp.ones((din,), jnp.float32),
        'bn_b': jnp.zeros((din,), jnp.float32),
        'W1': jax.random.uniform(k1, (din, dout), jnp.float32, -s1, s1),
        'b1': jnp.zeros((dout,), jnp.float32),
        'W2': jax.random.uniform(k2, (dout, dout), jnp.float32, -s2, s2),
        'b2': jnp.zeros((dout,), jnp.float32),
        'ln_g': jnp.ones((dout,), jnp.float32),
        'ln_b': jnp.zeros((dout,), jnp.float32),
    }


def mlp_apply(p, x):
    # BatchNorm1d in eval mode with running_mean=0, running_var=1 -> affine only
    x = x * p['bn_g'] + p['bn_b']
    # Linear -> Dropout(eval=identity) -> ReLU
    x = jnp.maximum(x @ p['W1'] + p['b1'], 0.0)
    x = jnp.maximum(x @ p['W2'] + p['b2'], 0.0)
    # LayerNorm
    mu = jnp.mean(x, axis=-1, keepdims=True)
    var = jnp.var(x, axis=-1, keepdims=True)
    return (x - mu) / jnp.sqrt(var + 1e-5) * p['ln_g'] + p['ln_b']


def gn_block(p, nodes, edges, globals_, senders, receivers, node_gid, edge_gid):
    # Edge block: concat(edges, nodes[receivers], nodes[senders], globals broadcast to edges)
    edge_in = jnp.concatenate([edges, jnp.take(nodes, receivers, axis=0), jnp.take(nodes, senders, axis=0), jnp.take(globals_, edge_gid, axis=0)], axis=-1)
    edges2 = mlp_apply(p['edge'], edge_in)
    # Node block: concat(sum of received edges, nodes, globals broadcast to nodes)
    agg_e2n = jax.ops.segment_sum(edges2, receivers, num_segments=nodes.shape[0])
    node_in = jnp.concatenate([agg_e2n, nodes, jnp.take(globals_, node_gid, axis=0)], axis=-1)
    nodes2 = mlp_apply(p['node'], node_in)
    # Global block: concat(sum edges per graph, sum nodes per graph, globals)
    agg_e2g = jax.ops.segment_sum(edges2, edge_gid, num_segments=N_GRAPH)
    agg_n2g = jax.ops.segment_sum(nodes2, node_gid, num_segments=N_GRAPH)
    glob_in = jnp.concatenate([agg_e2g, agg_n2g, globals_], axis=-1)
    globals2 = mlp_apply(p['glob'], glob_in)
    return nodes2, edges2, globals2


def setup_inputs(seed: int = 0) -> dict:
    key = jax.random.key(seed)
    ks = jax.random.split(key, 10)
    nodes = jax.random.normal(ks[0], (N_NODE, D_NODE), jnp.float32)
    edges = jax.random.normal(ks[1], (N_EDGE, D_EDGE), jnp.float32)
    node_gid = jnp.arange(N_NODE, dtype=jnp.int32) // NODES_PER
    edge_gid = jnp.arange(N_EDGE, dtype=jnp.int32) // EDGES_PER
    senders = edge_gid * NODES_PER + jax.random.randint(ks[2], (N_EDGE,), 0, NODES_PER, dtype=jnp.int32)
    receivers = edge_gid * NODES_PER + jax.random.randint(ks[3], (N_EDGE,), 0, NODES_PER, dtype=jnp.int32)
    params = {
        'dec1': {
            'edge': mlp_params(ks[4], D_EDGE + 2 * D_NODE + D_GLOBAL, HID),
            'node': mlp_params(ks[5], HID + D_NODE + D_GLOBAL, HID),
            'glob': mlp_params(ks[6], HID + HID + D_GLOBAL, D_GLOBAL),
        },
        'dec2': {
            'edge': mlp_params(ks[7], HID + 2 * HID + D_GLOBAL, HID),
            'node': mlp_params(ks[8], HID + HID + D_GLOBAL, HID),
            'glob': mlp_params(ks[9], HID + HID + D_GLOBAL, D_GLOBAL),
        },
    }
    return {'nodes': nodes, 'edges': edges, 'senders': senders, 'receivers': receivers, 'node_gid': node_gid, 'edge_gid': edge_gid, 'params': params}


def reference(nodes, edges, senders, receivers, node_gid, edge_gid, params):
    # GraphVAE.forward: globals are overwritten with ones(128, 693); mu/logvar hardcoded ones
    g0 = jnp.ones((N_GRAPH, D_GLOBAL), jnp.float32)
    mu = jnp.ones((N_GRAPH, D_GLOBAL), jnp.float32)
    logvar = jnp.ones((N_GRAPH, D_GLOBAL), jnp.float32)
    # decoder1 (binar=False)
    n1, e1, g1 = gn_block(params['dec1'], nodes, edges, g0, senders, receivers, node_gid, edge_gid)
    # decoder2 (binar=True): sigmoid on first edge channel
    n2, e2, g2 = gn_block(params['dec2'], n1, e1, g1, senders, receivers, node_gid, edge_gid)
    e2 = jnp.concatenate([jax.nn.sigmoid(e2[:, :1]), e2[:, 1:]], axis=-1)
    return (n2, e2, g2, mu, logvar)

if __name__ == "__main__":
    import jax
    _d = setup_inputs()
    print(jax.jit(kernel)(*tuple(_d.values())))

</pallas_src>

<mosaic_0001>
#map = affine_map<(d0, d1) -> (0, 0)>
#map1 = affine_map<(d0, d1) -> (0)>
module attributes {stable_mosaic.version = 14 : i64} {
  func.func @k(%arg0: i32, %arg1: i32, %arg2: memref<12800x128xf32, #tpu.memory_space<hbm>>, %arg3: memref<204800xi32, #tpu.memory_space<hbm>>, %arg4: memref<204800x128xf32, #tpu.memory_space<hbm>>, %arg5: memref<128xi32, #tpu.memory_space<vmem>>, %arg6: memref<128x128xf32, #tpu.memory_space<vmem>>, %arg7: memref<!tpu.dma_semaphore, #tpu.memory_space<semaphore_mem>>) attributes {dimension_semantics = [#tpu.dimension_semantics<core_parallel>, #tpu.dimension_semantics<subcore_parallel>], iteration_bounds = array<i64: 2, 16>, scalar_prefetch = 0 : i64, scratch_operands = 3 : i64, tpu.core_type = #tpu.core_type<sc_vector_subcore>, window_params = [{transform_indices = #map}, {transform_indices = #map1}, {transform_indices = #map}]} {
    %mul3A = arith.constant 2 : i32
    %mul3A_0 = arith.muli %arg1, %mul3A : i32
    %add3A = arith.addi %mul3A_0, %arg0 : i32
    %scan3A = arith.constant 0 : i32
    %scan3A_1 = arith.constant 0 : i32
    %scan3A_2 = arith.constant 50 : i32
    %scan3A_3 = arith.addi %scan3A_1, %scan3A_2 : i32
    %scan3A_4 = arith.constant 1 : i32
    scf.for %scan3A_6 = %scan3A_1 to %scan3A_3 step %scan3A_4  : i32 {
      %mul3A_7 = arith.constant 6400 : i32
      %mul3A_8 = arith.muli %add3A, %mul3A_7 : i32
      %mul3A_9 = arith.constant 128 : i32
      %mul3A_10 = arith.muli %scan3A_6, %mul3A_9 : i32
      %add3A_11 = arith.addi %mul3A_8, %mul3A_10 : i32
      "tpu.region"() ({
        %run_scoped3A = tpu.sem_alloc : memref<!tpu.dma_semaphore, #tpu.memory_space<semaphore_mem>>
        %dma_start3A_16 = tpu.memref_slice %arg3[%add3A_11] : memref<204800xi32, #tpu.memory_space<hbm>> -> memref<128xi32, #tpu.memory_space<hbm>>
        %dma_start3A_17 = tpu.memref_slice %arg3[%add3A_11] : memref<204800xi32, #tpu.memory_space<hbm>> -> memref<128xi32, #tpu.memory_space<hbm>>
        tpu.enqueue_dma source(%dma_start3A_17 : memref<128xi32, #tpu.memory_space<hbm>>) target(%arg5 : memref<128xi32, #tpu.memory_space<vmem>>) target_semaphore(%run_scoped3A : memref<!tpu.dma_semaphore, #tpu.memory_space<semaphore_mem>>)
        %dma_wait3A_18 = tpu.memref_slice %arg3[%add3A_11] : memref<204800xi32, #tpu.memory_space<hbm>> -> memref<128xi32, #tpu.memory_space<hbm>>
        %dma_wait3A_19 = tpu.memref_slice %arg3[%add3A_11] : memref<204800xi32, #tpu.memory_space<hbm>> -> memref<128xi32, #tpu.memory_space<hbm>>
        tpu.wait_dma2 semaphore(%run_scoped3A : memref<!tpu.dma_semaphore, #tpu.memory_space<semaphore_mem>>) src(%dma_wait3A_19 : memref<128xi32, #tpu.memory_space<hbm>>) dst(%arg5 : memref<128xi32, #tpu.memory_space<vmem>>)
        tpu.yield
      }) : () -> ()
      %dma_start3A = arith.constant 0 : i32
      %dma_start3A_12 = arith.constant 0 : i32
      %dma_start3A_13 = tpu.memref_slice %arg2[%dma_start3A, %dma_start3A_12] : memref<12800x128xf32, #tpu.memory_space<hbm>> -> memref<12800x128xf32, #tpu.memory_space<hbm>>
      tpu.enqueue_indirect_dma source(%dma_start3A_13 : memref<12800x128xf32, #tpu.memory_space<hbm>>) target(%arg6 : memref<128x128xf32, #tpu.memory_space<vmem>>) offsets(%arg5 : memref<128xi32, #tpu.memory_space<vmem>>) semaphore(%arg7 : memref<!tpu.dma_semaphore, #tpu.memory_space<semaphore_mem>>)
      %dma_wait3A = arith.constant 0 : i32
      %dma_wait3A_14 = arith.constant 0 : i32
      %dma_wait3A_15 = tpu.memref_slice %arg2[%dma_wait3A, %dma_wait3A_14] : memref<12800x128xf32, #tpu.memory_space<hbm>> -> memref<12800x128xf32, #tpu.memory_space<hbm>>
      tpu.wait_indirect_dma semaphore(%arg7 : memref<!tpu.dma_semaphore, #tpu.memory_space<semaphore_mem>>) src(%dma_wait3A_15 : memref<12800x128xf32, #tpu.memory_space<hbm>>) dst(%arg6 : memref<128x128xf32, #tpu.memory_space<vmem>>)
      "tpu.region"() ({
        %run_scoped3A = tpu.sem_alloc : memref<!tpu.dma_semaphore, #tpu.memory_space<semaphore_mem>>
        %dma_start3A_16 = arith.constant 0 : i32
        %dma_start3A_17 = tpu.memref_slice %arg4[%add3A_11, %dma_start3A_16] : memref<204800x128xf32, #tpu.memory_space<hbm>> -> memref<128x128xf32, #tpu.memory_space<hbm>>
        %dma_start3A_18 = arith.constant 0 : i32
        %dma_start3A_19 = tpu.memref_slice %arg4[%add3A_11, %dma_start3A_18] : memref<204800x128xf32, #tpu.memory_space<hbm>> -> memref<128x128xf32, #tpu.memory_space<hbm>>
        tpu.enqueue_dma source(%arg6 : memref<128x128xf32, #tpu.memory_space<vmem>>) target(%dma_start3A_19 : memref<128x128xf32, #tpu.memory_space<hbm>>) target_semaphore(%run_scoped3A : memref<!tpu.dma_semaphore, #tpu.memory_space<semaphore_mem>>)
        %dma_wait3A_20 = arith.constant 0 : i32
        %dma_wait3A_21 = tpu.memref_slice %arg4[%add3A_11, %dma_wait3A_20] : memref<204800x128xf32, #tpu.memory_space<hbm>> -> memref<128x128xf32, #tpu.memory_space<hbm>>
        %dma_wait3A_22 = arith.constant 0 : i32
        %dma_wait3A_23 = tpu.memref_slice %arg4[%add3A_11, %dma_wait3A_22] : memref<204800x128xf32, #tpu.memory_space<hbm>> -> memref<128x128xf32, #tpu.memory_space<hbm>>
        tpu.wait_dma2 semaphore(%run_scoped3A : memref<!tpu.dma_semaphore, #tpu.memory_space<semaphore_mem>>) src(%arg6 : memref<128x128xf32, #tpu.memory_space<vmem>>) dst(%dma_wait3A_23 : memref<128x128xf32, #tpu.memory_space<hbm>>)
        tpu.yield
      }) : () -> ()
    }
    %scan3A_5 = arith.constant 50 : i32
    return
  }
}

module attributes {stable_mosaic.version = 14 : i64} {
  func.func @b(%arg0: i32, %arg1: memref<1600x128xf32, #tpu.memory_space<vmem>>, %arg2: memref<128x128xf32, #tpu.memory_space<vmem>>, %arg3: memref<1600x128xf32, #tpu.memory_space<vmem>>) attributes {dimension_semantics = [#tpu.dimension_semantics<arbitrary>], iteration_bounds = array<i64: 8>, scalar_prefetch = 0 : i64, scratch_operands = 0 : i64, tpu.core_type = #tpu.core_type<tc>, window_params = [{transform_indices = @transform_0, window_bounds = array<i64: 1600, 128>}, {pipeline_mode = #tpu.pipeline_mode<synchronous>, transform_indices = @transform_1, window_bounds = array<i64: 128, 128>}, {transform_indices = @transform_2, window_bounds = array<i64: 1600, 128>}]} {
    %get3A = arith.constant 0 : index
    %get3A_0 = arith.constant 0 : index
    %get3A_1 = vector.load %arg1[%get3A, %get3A_0] : memref<1600x128xf32, #tpu.memory_space<vmem>>, vector<1600x128xf32>
    %get3A_2 = arith.constant 0 : index
    %get3A_3 = arith.constant 0 : index
    %get3A_4 = vector.load %arg2[%get3A_2, %get3A_3] : memref<128x128xf32, #tpu.memory_space<vmem>>, vector<128x128xf32>
    %convert_element_type3A = arith.truncf %get3A_1 : vector<1600x128xf32> to vector<1600x128xbf16>
    %convert_element_type3A_5 = arith.truncf %get3A_4 : vector<128x128xf32> to vector<128x128xbf16>
    %dot_general3A = arith.constant dense<0.000000e+00> : vector<1600x128xf32>
    %dot_general3A_6 = tpu.matmul %convert_element_type3A, %convert_element_type3A_5, %dot_general3A {dimension_numbers = #tpu.dot_dimension_numbers<[1], [0], [0], [1], [0, 0, 1, 1], [], []>, transpose_lhs_hint = false} : vector<1600x128xbf16>, vector<128x128xbf16>, vector<1600x128xf32> -> vector<1600x128xf32>
    %swap3A = arith.constant 0 : index
    %swap3A_7 = arith.constant 0 : index
    %swap3A_8 = vector.load %arg3[%swap3A, %swap3A_7] : memref<1600x128xf32, #tpu.memory_space<vmem>>, vector<1600x128xf32>
    tpu.vector_store %arg3[%swap3A, %swap3A_7], %dot_general3A_6 {strides = array<i32>} : memref<1600x128xf32, #tpu.memory_space<vmem>>, vector<1600x128xf32>,
    return
  }
  func.func @transform_0(%arg0: i32) -> (i32, i32) {
    %c0_i32 = arith.constant 0 : i32
    %c0_i32_0 = arith.constant 0 : i32
    return %arg0, %c0_i32 : i32, i32
  }
  func.func @transform_1(%arg0: i32) -> (i32, i32) {
    %c0_i32 = arith.constant 0 : i32
    %c0_i32_0 = arith.constant 0 : i32
    %c0_i32_1 = arith.constant 0 : i32
    return %c0_i32, %c0_i32_0 : i32, i32
  }
  func.func @transform_2(%arg0: i32) -> (i32, i32) {
    %c0_i32 = arith.constant 0 : i32
    %c0_i32_0 = arith.constant 0 : i32
    return %arg0, %c0_i32 : i32, i32
  }
}

module attributes {stable_mosaic.version = 14 : i64} {
  func.func @body(%arg0: i32, %arg1: memref<400x128xf32, #tpu.memory_space<vmem>>, %arg2: memref<16x6400xf32, #tpu.memory_space<vmem>>, %arg3: memref<4x1x1600xi32, #tpu.memory_space<vmem>>, %arg4: memref<4x1x1600xi32, #tpu.memory_space<vmem>>, %arg5: memref<6400x128xf32, #tpu.memory_space<vmem>>, %arg6: memref<16x128xf32, #tpu.memory_space<vmem>>, %arg7: memref<128x128xf32, #tpu.memory_space<vmem>>, %arg8: memref<128x128xf32, #tpu.memory_space<vmem>>, %arg9: memref<1x128xf32, #tpu.memory_space<vmem>>, %arg10: memref<128x128xf32, #tpu.memory_space<vmem>>, %arg11: memref<1x128xf32, #tpu.memory_space<vmem>>, %arg12: memref<1x128xf32, #tpu.memory_space<vmem>>, %arg13: memref<1x128xf32, #tpu.memory_space<vmem>>, %arg14: memref<128x128xf32, #tpu.memory_space<vmem>>, %arg15: memref<128x128xf32, #tpu.memory_space<vmem>>, %arg16: memref<1x128xf32, #tpu.memory_space<vmem>>, %arg17: memref<128x128xf32, #tpu.memory_space<vmem>>, %arg18: memref<1x128xf32, #tpu.memory_space<vmem>>, %arg19: memref<1x128xf32, #tpu.memory_space<vmem>>, %arg20: memref<1x128xf32, #tpu.memory_space<vmem>>, %arg21: memref<128x693xf32, #tpu.memory_space<vmem>>, %arg22: memref<128x693xf32, #tpu.memory_space<vmem>>, %arg23: memref<1x693xf32, #tpu.memory_space<vmem>>, %arg24: memref<693x693xf32, #tpu.memory_space<vmem>>, %arg25: memref<1x693xf32, #tpu.memory_space<vmem>>, %arg26: memref<1x693xf32, #tpu.memory_space<vmem>>, %arg27: memref<1x693xf32, #tpu.memory_space<vmem>>, %arg28: memref<128x128xf32, #tpu.memory_space<vmem>>, %arg29: memref<128x128xf32, #tpu.memory_space<vmem>>, %arg30: memref<128x128xf32, #tpu.memory_space<vmem>>, %arg31: memref<693x128xf32, #tpu.memory_space<vmem>>, %arg32: memref<1x128xf32, #tpu.memory_space<vmem>>, %arg33: memref<128x128xf32, #tpu.memory_space<vmem>>, %arg34: memref<1x128xf32, #tpu.memory_space<vmem>>, %arg35: memref<1x128xf32, #tpu.memory_space<vmem>>, %arg36: memref<1x128xf32, #tpu.memory_space<vmem>>, %arg37: memref<128x128xf32, #tpu.memory_space<vmem>>, %arg38: memref<128x128xf32, #tpu.memory_space<vmem>>, %arg39: memref<693x128xf32, #tpu.memory_space<vmem>>, %arg40: memref<1x128xf32, #tpu.memory_space<vmem>>, %arg41: memref<128x128xf32, #tpu.memory_space<vmem>>, %arg42: memref<1x128xf32, #tpu.memory_space<vmem>>, %arg43: memref<1x128xf32, #tpu.memory_space<vmem>>, %arg44: memref<1x128xf32, #tpu.memory_space<vmem>>, %arg45: memref<128x693xf32, #tpu.memory_space<vmem>>, %arg46: memref<128x693xf32, #tpu.memory_space<vmem>>, %arg47: memref<693x693xf32, #tpu.memory_space<vmem>>, %arg48: memref<1x693xf32, #tpu.memory_space<vmem>>, %arg49: memref<693x693xf32, #tpu.memory_space<vmem>>, %arg50: memref<1x693xf32, #tpu.memory_space<vmem>>, %arg51: memref<1x693xf32, #tpu.memory_space<vmem>>, %arg52: memref<1x693xf32, #tpu.memory_space<vmem>>, %arg53: memref<400x128xf32, #tpu.memory_space<vmem>>, %arg54: memref<6400x128xf32, #tpu.memory_space<vmem>>, %arg55: memref<4x1x693xf32, #tpu.memory_space<vmem>>) attributes {dimension_semantics = [#tpu.dimension_semantics<arbitrary>], iteration_bounds = array<i64: 32>, scalar_prefetch = 0 : i64, scratch_operands = 0 : i64, tpu.core_type = #tpu.core_type<tc>, window_params = [{transform_indices = @transform_0, window_bounds = array<i64: 400, 128>}, {transform_indices = @transform_1, window_bounds = array<i64: 16, 6400>}, {transform_indices = @transform_2, window_bounds = array<i64: 4, 1, 1600>}, {transform_indices = @transform_3, window_bounds = array<i64: 4, 1, 1600>}, {transform_indices = @transform_4, window_bounds = array<i64: 6400, 128>}, {pipeline_mode = #tpu.pipeline_mode<synchronous>, transform_indices = @transform_5, window_bounds = array<i64: 16, 128>}, {pipeline_mode = #tpu.pipeline_mode<synchronous>, transform_indices = @transform_6, window_bounds = array<i64: 128, 128>}, {pipeline_mode = #tpu.pipeline_mode<synchronous>, transform_indices = @transform_7, window_bounds = array<i64: 128, 128>}, {pipeline_mode = #tpu.pipeline_mode<synchronous>, transform_indices = @transform_8, window_bounds = array<i64: 1, 128>}, {pipeline_mode = #tpu.pipeline_mode<synchronous>, transform_indices = @transform_9, window_bounds = array<i64: 128, 128>}, {pipeline_mode = #tpu.pipeline_mode<synchronous>, transform_indices = @transform_10, window_bounds = array<i64: 1, 128>}, {pipeline_mode = #tpu.pipeline_mode<synchronous>, transform_indices = @transform_11, window_bounds = array<i64: 1, 128>}, {pipeline_mode = #tpu.pipeline_mode<synchronous>, transform_indices = @transform_12, window_bounds = array<i64: 1, 128>}, {pipeline_mode = #tpu.pipeline_mode<synchronous>, transform_indices = @transform_13, window_bounds = array<i64: 128, 128>}, {pipeline_mode = #tpu.pipeline_mode<synchronous>, transform_indices = @transform_14, window_bounds = array<i64: 128, 128>}, {pipeline_mode = #tpu.pipeline_mode<synchronous>, transform_indices = @transform_15, window_bounds = array<i64: 1, 128>}, {pipeline_mode = #tpu.pipeline_mode<synchronous>, transform_indices = @transform_16, window_bounds = array<i64: 128, 128>}, {pipeline_mode = #tpu.pipeline_mode<synchronous>, transform_indices = @transform_17, window_bounds = array<i64: 1, 128>}, {pipeline_mode = #tpu.pipeline_mode<synchronous>, transform_indices = @transform_18, window_bounds = array<i64: 1, 128>}, {pipeline_mode = #tpu.pipeline_mode<synchronous>, transform_indices = @transform_19, window_bounds = array<i64: 1, 128>}, {pipeline_mode = #tpu.pipeline_mode<synchronous>, transform_indices = @transform_20, window_bounds = array<i64: 128, 693>}, {pipeline_mode = #tpu.pipeline_mode<synchronous>, transform_indices = @transform_21, window_bounds = array<i64: 128, 693>}, {pipeline_mode = #tpu.pipeline_mode<synchronous>, transform_indices = @transform_22, window_bounds = array<i64: 1, 693>}, {pipeline_mode = #tpu.pipeline_mode<synchronous>, transform_indices = @transform_23, window_bounds = array<i64: 693, 693>}, {pipeline_mode = #tpu.pipeline_mode<synchronous>, transform_indices = @transform_24, window_bounds = array<i64: 1, 693>}, {pipeline_mode = #tpu.pipeline_mode<synchronous>, transform_indices = @transform_25, window_bounds = array<i64: 1, 693>}, {pipeline_mode = #tpu.pipeline_mode<synchronous>, transform_indices = @transform_26, window_bounds = array<i64: 1, 693>}, {pipeline_mode = #tpu.pipeline_mode<synchronous>, transform_indices = @transform_27, window_bounds = array<i64: 128, 128>}, {pipeline_mode = #tpu.pipeline_mode<synchronous>, transform_indices = @transform_28, window_bounds = array<i64: 128, 128>}, {pipeline_mode = #tpu.pipeline_mode<synchronous>, transform_indices = @transform_29, window_bounds = array<i64: 128, 128>}, {pipeline_mode = #tpu.pipeline_mode<synchronous>, transform_indices = @transform_30, window_bounds = array<i64: 693, 128>}, {pipeline_mode = #tpu.pipeline_mode<synchronous>, transform_indices = @transform_31, window_bounds = array<i64: 1, 128>}, {pipeline_mode = #tpu.pipeline_mode<synchronous>, transform_indices = @transform_32, window_bounds = array<i64: 128, 128>}, {pipeline_mode = #tpu.pipeline_mode<synchronous>, transform_indices = @transform_33, window_bounds = array<i64: 1, 128>}, {pipeline_mode = #tpu.pipeline_mode<synchronous>, transform_indices = @transform_34, window_bounds = array<i64: 1, 128>}, {pipeline_mode = #tpu.pipeline_mode<synchronous>, transform_indices = @transform_35, window_bounds = array<i64: 1, 128>}, {pipeline_mode = #tpu.pipeline_mode<synchronous>, transform_indices = @transform_36, window_bounds = array<i64: 128, 128>}, {pipeline_mode = #tpu.pipeline_mode<synchronous>, transform_indices = @transform_37, window_bounds = array<i64: 128, 128>}, {pipeline_mode = #tpu.pipeline_mode<synchronous>, transform_indices = @transform_38, window_bounds = array<i64: 693, 128>}, {pipeline_mode = #tpu.pipeline_mode<synchronous>, transform_indices = @transform_39, window_bounds = array<i64: 1, 128>}, {pipeline_mode = #tpu.pipeline_mode<synchronous>, transform_indices = @transform_40, window_bounds = array<i64: 128, 128>}, {pipeline_mode = #tpu.pipeline_mode<synchronous>, transform_indices = @transform_41, window_bounds = array<i64: 1, 128>}, {pipeline_mode = #tpu.pipeline_mode<synchronous>, transform_indices = @transform_42, window_bounds = array<i64: 1, 128>}, {pipeline_mode = #tpu.pipeline_mode<synchronous>, transform_indices = @transform_43, window_bounds = array<i64: 1, 128>}, {pipeline_mode = #tpu.pipeline_mode<synchronous>, transform_indices = @transform_44, window_bounds = array<i64: 128, 693>}, {pipeline_mode = #tpu.pipeline_mode<synchronous>, transform_indices = @transform_45, window_bounds = array<i64: 128, 693>}, {pipeline_mode = #tpu.pipeline_mode<synchronous>, transform_indices = @transform_46, window_bounds = array<i64: 693, 693>}, {pipeline_mode = #tpu.pipeline_mode<synchronous>, transform_indices = @transform_47, window_bounds = array<i64: 1, 693>}, {pipeline_mode = #tpu.pipeline_mode<synchronous>, transform_indices = @transform_48, window_bounds = array<i64: 693, 693>}, {pipeline_mode = #tpu.pipeline_mode<synchronous>, transform_indices = @transform_49, window_bounds = array<i64: 1, 693>}, {pipeline_mode = #tpu.pipeline_mode<synchronous>, transform_indices = @transform_50, window_bounds = array<i64: 1, 693>}, {pipeline_mode = #tpu.pipeline_mode<synchronous>, transform_indices = @transform_51, window_bounds = array<i64: 1, 693>}, {transform_indices = @transform_52, window_bounds = array<i64: 400, 128>}, {transform_indices = @transform_53, window_bounds = array<i64: 6400, 128>}, {transform_indices = @transform_54, window_bounds = array<i64: 4, 1, 693>}]} {
    %get3A = arith.constant 0 : index
    %get3A_0 = arith.constant 0 : index
    %get3A_1 = vector.load %arg1[%get3A, %get3A_0] : memref<400x128xf32, #tpu.memory_space<vmem>>, vector<100x128xf32>
    %get3A_2 = arith.constant 0 : index
    %get3A_3 = arith.constant 0 : index
    %get3A_4 = vector.load %arg2[%get3A_2, %get3A_3] : memref<16x6400xf32, #tpu.memory_space<vmem>>, vector<16x1600xf32>
    %get3A_5 = arith.constant 0 : index
    %get3A_6 = arith.constant 0 : index
    %get3A_7 = arith.constant 0 : index
    %get3A_8 = vector.load %arg3[%get3A_5, %get3A_6, %get3A_7] : memref<4x1x1600xi32, #tpu.memory_space<vmem>>, vector<1x1x1600xi32>
    %get3A_9 = vector.shape_cast %get3A_8 : vector<1x1x1600xi32> to vector<1x1600xi32>
    %get3A_10 = arith.constant 0 : index
    %get3A_11 = arith.constant 0 : index
    %get3A_12 = arith.constant 0 : index
    %get3A_13 = vector.load %arg4[%get3A_10, %get3A_11, %get3A_12] : memref<4x1x1600xi32, #tpu.memory_space<vmem>>, vector<1x1x1600xi32>
    %get3A_14 = vector.shape_cast %get3A_13 : vector<1x1x1600xi32> to vector<1x1600xi32>
    %iota3A = tpu.iota {dimensions = array<i32: 0>} : vector<100x1600xi32>
    %eq3A = vector.broadcast %get3A_9 : vector<1x1600xi32> to vector<100x1600xi32>
    %eq3A_15 = arith.cmpi eq, %iota3A, %eq3A : vector<100x1600xi32>
    %convert_element_type3A = arith.extui %eq3A_15 : vector<100x1600xi1> to vector<100x1600xi32>
    %convert_element_type3A_16 = arith.sitofp %convert_element_type3A : vector<100x1600xi32> to vector<100x1600xf32>
    %eq3A_17 = vector.broadcast %get3A_14 : vector<1x1600xi32> to vector<100x1600xi32>
    %eq3A_18 = arith.cmpi eq, %iota3A, %eq3A_17 : vector<100x1600xi32>
    %convert_element_type3A_19 = arith.extui %eq3A_18 : vector<100x1600xi1> to vector<100x1600xi32>
    %convert_element_type3A_20 = arith.sitofp %convert_element_type3A_19 : vector<100x1600xi32> to vector<100x1600xf32>
    %get3A_21 = arith.constant 0 : index
    %get3A_22 = arith.constant 0 : index
    %get3A_23 = vector.load %arg5[%get3A_21, %get3A_22] : memref<6400x128xf32, #tpu.memory_space<vmem>>, vector<1600x128xf32>
    %get3A_24 = arith.constant 0 : index
    %get3A_25 = arith.constant 0 : index
    %get3A_26 = vector.load %arg8[%get3A_24, %get3A_25] : memref<128x128xf32, #tpu.memory_space<vmem>>, vector<128x128xf32>
    %convert_element_type3A_27 = arith.truncf %get3A_1 : vector<100x128xf32> to vector<100x128xbf16>
    %convert_element_type3A_28 = arith.truncf %get3A_26 : vector<128x128xf32> to vector<128x128xbf16>
    %dot_general3A = arith.constant dense<0.000000e+00> : vector<100x128xf32>
    %dot_general3A_29 = tpu.matmul %convert_element_type3A_27, %convert_element_type3A_28, %dot_general3A {dimension_numbers = #tpu.dot_dimension_numbers<[1], [0], [0], [1], [0, 0, 1, 1], [], []>, transpose_lhs_hint = false} : vector<100x128xbf16>, vector<128x128xbf16>, vector<100x128xf32> -> vector<100x128xf32>
    %get3A_30 = arith.constant 0 : index
    %get3A_31 = arith.constant 0 : index
    %get3A_32 = vector.load %arg6[%get3A_30, %get3A_31] : memref<16x128xf32, #tpu.memory_space<vmem>>, vector<16x128xf32>
    %convert_element_type3A_33 = arith.truncf %get3A_4 : vector<16x1600xf32> to vector<16x1600xbf16>
    %convert_element_type3A_34 = arith.truncf %get3A_32 : vector<16x128xf32> to vector<16x128xbf16>
    %dot_general3A_35 = arith.constant dense<0.000000e+00> : vector<1600x128xf32>
    %dot_general3A_36 = tpu.matmul %convert_element_type3A_33, %convert_element_type3A_34, %dot_general3A_35 {dimension_numbers = #tpu.dot_dimension_numbers<[0], [0], [1], [1], [0, 1, 1, 1], [], []>, transpose_lhs_hint = false} : vector<16x1600xbf16>, vector<16x128xbf16>, vector<1600x128xf32> -> vector<1600x128xf32>
    %add3A = arith.addf %dot_general3A_36, %get3A_23 : vector<1600x128xf32>
    %convert_element_type3A_37 = arith.truncf %convert_element_type3A_20 : vector<100x1600xf32> to vector<100x1600xbf16>
    %convert_element_type3A_38 = arith.truncf %dot_general3A_29 : vector<100x128xf32> to vector<100x128xbf16>
    %dot_general3A_39 = arith.constant dense<0.000000e+00> : vector<1600x128xf32>
    %dot_general3A_40 = tpu.matmul %convert_element_type3A_37, %convert_element_type3A_38, %dot_general3A_39 {dimension_numbers = #tpu.dot_dimension_numbers<[0], [0], [1], [1], [0, 1, 1, 1], [], []>, transpose_lhs_hint = false} : vector<100x1600xbf16>, vector<100x128xbf16>, vector<1600x128xf32> -> vector<1600x128xf32>
    %add3A_41 = arith.addf %add3A, %dot_general3A_40 : vector<1600x128xf32>
    %get3A_42 = arith.constant 0 : index
    %get3A_43 = arith.constant 0 : index
    %get3A_44 = vector.load %arg9[%get3A_42, %get3A_43] : memref<1x128xf32, #tpu.memory_space<vmem>>, vector<1x128xf32>
    %add3A_45 = vector.broadcast %get3A_44 : vector<1x128xf32> to vector<1600x128xf32>
    %add3A_46 = arith.addf %add3A_41, %add3A_45 : vector<1600x128xf32>
    %max3A = arith.constant 0.000000e+00 : f32
    %max3A_47 = vector.broadcast %max3A : f32 to vector<1600x128xf32>
    %max3A_48 = arith.maximumf %add3A_46, %max3A_47 : vector<1600x128xf32>
    %get3A_49 = arith.constant 0 : index
    %get3A_50 = arith.constant 0 : index
    %get3A_51 = vector.load %arg10[%get3A_49, %get3A_50] : memref<128x128xf32, #tpu.memory_space<vmem>>, vector<128x128xf32>
    %convert_element_type3A_52 = arith.truncf %max3A_48 : vector<1600x128xf32> to vector<1600x128xbf16>
    %convert_element_type3A_53 = arith.truncf %get3A_51 : vector<128x128xf32> to vector<128x128xbf16>
    %dot_general3A_54 = arith.constant dense<0.000000e+00> : vector<1600x128xf32>
    %dot_general3A_55 = tpu.matmul %convert_element_type3A_52, %convert_element_type3A_53, %dot_general3A_54 {dimension_numbers = #tpu.dot_dimension_numbers<[1], [0], [0], [1], [0, 0, 1, 1], [], []>, transpose_lhs_hint = false} : vector<1600x128xbf16>, vector<128x128xbf16>, vector<1600x128xf32> -> vector<1600x128xf32>
    %get3A_56 = arith.constant 0 : index
    %get3A_57 = arith.constant 0 : index
    %get3A_58 = vector.load %arg11[%get3A_56, %get3A_57] : memref<1x128xf32, #tpu.memory_space<vmem>>, vector<1x128xf32>
    %add3A_59 = vector.broadcast %get3A_58 : vector<1x128xf32> to vector<1600x128xf32>
    %add3A_60 = arith.addf %dot_general3A_55, %add3A_59 : vector<1600x128xf32>
    %max3A_61 = arith.constant 0.000000e+00 : f32
    %max3A_62 = vector.broadcast %max3A_61 : f32 to vector<1600x128xf32>
    %max3A_63 = arith.maximumf %add3A_60, %max3A_62 : vector<1600x128xf32>
    %get3A_64 = arith.constant 0 : index
    %get3A_65 = arith.constant 0 : index
    %get3A_66 = vector.load %arg12[%get3A_64, %get3A_65] : memref<1x128xf32, #tpu.memory_space<vmem>>, vector<1x128xf32>
    %get3A_67 = arith.constant 0 : index
    %get3A_68 = arith.constant 0 : index
    %get3A_69 = vector.load %arg13[%get3A_67, %get3A_68] : memref<1x128xf32, #tpu.memory_space<vmem>>, vector<1x128xf32>
    %reduce_sum3A = arith.constant dense<0.000000e+00> : vector<1600xf32>
    %reduce_sum3A_70 = vector.multi_reduction <add>, %max3A_63, %reduce_sum3A [1] : vector<1600x128xf32> to vector<1600xf32>
    %broadcast_in_dim3A = vector.shape_cast %reduce_sum3A_70 : vector<1600xf32> to vector<1600x1xf32>
    %div3A = arith.constant 1.280000e+02 : f32
    %div3A_71 = vector.broadcast %div3A : f32 to vector<1600x1xf32>
    %div3A_72 = arith.divf %broadcast_in_dim3A, %div3A_71 : vector<1600x1xf32>
    %mul3A = arith.mulf %max3A_63, %max3A_63 : vector<1600x128xf32>
    %reduce_sum3A_73 = arith.constant dense<0.000000e+00> : vector<1600xf32>
    %reduce_sum3A_74 = vector.multi_reduction <add>, %mul3A, %reduce_sum3A_73 [1] : vector<1600x128xf32> to vector<1600xf32>
    %broadcast_in_dim3A_75 = vector.shape_cast %reduce_sum3A_74 : vector<1600xf32> to vector<1600x1xf32>
    %div3A_76 = arith.constant 1.280000e+02 : f32
    %div3A_77 = vector.broadcast %div3A_76 : f32 to vector<1600x1xf32>
    %div3A_78 = arith.divf %broadcast_in_dim3A_75, %div3A_77 : vector<1600x1xf32>
    %mul3A_79 = arith.mulf %div3A_72, %div3A_72 : vector<1600x1xf32>
    %sub3A = arith.subf %div3A_78, %mul3A_79 : vector<1600x1xf32>
    %sub3A_80 = vector.broadcast %div3A_72 : vector<1600x1xf32> to vector<1600x128xf32>
    %sub3A_81 = arith.subf %max3A_63, %sub3A_80 : vector<1600x128xf32>
    %add3A_82 = arith.constant 9.99999974E-6 : f32
    %add3A_83 = vector.broadcast %add3A_82 : f32 to vector<1600x1xf32>
    %add3A_84 = arith.addf %sub3A, %add3A_83 : vector<1600x1xf32>
    %rsqrt3A = math.rsqrt %add3A_84 : vector<1600x1xf32>
    %mul3A_85 = vector.broadcast %rsqrt3A : vector<1600x1xf32> to vector<1600x128xf32>
    %mul3A_86 = arith.mulf %sub3A_81, %mul3A_85 : vector<1600x128xf32>
    %mul3A_87 = vector.broadcast %get3A_66 : vector<1x128xf32> to vector<1600x128xf32>
    %mul3A_88 = arith.mulf %mul3A_86, %mul3A_87 : vector<1600x128xf32>
    %add3A_89 = vector.broadcast %get3A_69 : vector<1x128xf32> to vector<1600x128xf32>
    %add3A_90 = arith.addf %mul3A_88, %add3A_89 : vector<1600x128xf32>
    %convert_element_type3A_91 = arith.truncf %convert_element_type3A_16 : vector<100x1600xf32> to vector<100x1600xbf16>
    %convert_element_type3A_92 = arith.truncf %add3A_90 : vector<1600x128xf32> to vector<1600x128xbf16>
    %dot_general3A_93 = arith.constant dense<0.000000e+00> : vector<100x128xf32>
    %dot_general3A_94 = tpu.matmul %convert_element_type3A_91, %convert_element_type3A_92, %dot_general3A_93 {dimension_numbers = #tpu.dot_dimension_numbers<[1], [0], [0], [1], [0, 0, 1, 1], [], []>, transpose_lhs_hint = false} : vector<100x1600xbf16>, vector<1600x128xbf16>, vector<100x128xf32> -> vector<100x128xf32>
    %reduce_sum3A_95 = arith.constant dense<0.000000e+00> : vector<128xf32>
    %reduce_sum3A_96 = vector.multi_reduction <add>, %add3A_90, %reduce_sum3A_95 [0] : vector<1600x128xf32> to vector<128xf32>
    %broadcast_in_dim3A_97 = vector.shape_cast %reduce_sum3A_96 : vector<128xf32> to vector<1x128xf32>
    %get3A_98 = arith.constant 0 : index
    %get3A_99 = arith.constant 0 : index
    %get3A_100 = vector.load %arg14[%get3A_98, %get3A_99] : memref<128x128xf32, #tpu.memory_space<vmem>>, vector<128x128xf32>
    %convert_element_type3A_101 = arith.truncf %dot_general3A_94 : vector<100x128xf32> to vector<100x128xbf16>
    %convert_element_type3A_102 = arith.truncf %get3A_100 : vector<128x128xf32> to vector<128x128xbf16>
    %dot_general3A_103 = arith.constant dense<0.000000e+00> : vector<100x128xf32>
    %dot_general3A_104 = tpu.matmul %convert_element_type3A_101, %convert_element_type3A_102, %dot_general3A_103 {dimension_numbers = #tpu.dot_dimension_numbers<[1], [0], [0], [1], [0, 0, 1, 1], [], []>, transpose_lhs_hint = false} : vector<100x128xbf16>, vector<128x128xbf16>, vector<100x128xf32> -> vector<100x128xf32>
    %get3A_105 = arith.constant 0 : index
    %get3A_106 = arith.constant 0 : index
    %get3A_107 = vector.load %arg15[%get3A_105, %get3A_106] : memref<128x128xf32, #tpu.memory_space<vmem>>, vector<128x128xf32>
    %convert_element_type3A_108 = arith.truncf %get3A_1 : vector<100x128xf32> to vector<100x128xbf16>
    %convert_element_type3A_109 = arith.truncf %get3A_107 : vector<128x128xf32> to vector<128x128xbf16>
    %dot_general3A_110 = arith.constant dense<0.000000e+00> : vector<100x128xf32>
    %dot_general3A_111 = tpu.matmul %convert_element_type3A_108, %convert_element_type3A_109, %dot_general3A_110 {dimension_numbers = #tpu.dot_dimension_numbers<[1], [0], [0], [1], [0, 0, 1, 1], [], []>, transpose_lhs_hint = false} : vector<100x128xbf16>, vector<128x128xbf16>, vector<100x128xf32> -> vector<100x128xf32>
    %add3A_112 = arith.addf %dot_general3A_104, %dot_general3A_111 : vector<100x128xf32>
    %get3A_113 = arith.constant 0 : index
    %get3A_114 = arith.constant 0 : index
    %get3A_115 = vector.load %arg16[%get3A_113, %get3A_114] : memref<1x128xf32, #tpu.memory_space<vmem>>, vector<1x128xf32>
    %add3A_116 = vector.broadcast %get3A_115 : vector<1x128xf32> to vector<100x128xf32>
    %add3A_117 = arith.addf %add3A_112, %add3A_116 : vector<100x128xf32>
    %max3A_118 = arith.constant 0.000000e+00 : f32
    %max3A_119 = vector.broadcast %max3A_118 : f32 to vector<100x128xf32>
    %max3A_120 = arith.maximumf %add3A_117, %max3A_119 : vector<100x128xf32>
    %get3A_121 = arith.constant 0 : index
    %get3A_122 = arith.constant 0 : index
    %get3A_123 = vector.load %arg17[%get3A_121, %get3A_122] : memref<128x128xf32, #tpu.memory_space<vmem>>, vector<128x128xf32>
    %convert_element_type3A_124 = arith.truncf %max3A_120 : vector<100x128xf32> to vector<100x128xbf16>
    %convert_element_type3A_125 = arith.truncf %get3A_123 : vector<128x128xf32> to vector<128x128xbf16>
    %dot_general3A_126 = arith.constant dense<0.000000e+00> : vector<100x128xf32>
    %dot_general3A_127 = tpu.matmul %convert_element_type3A_124, %convert_element_type3A_125, %dot_general3A_126 {dimension_numbers = #tpu.dot_dimension_numbers<[1], [0], [0], [1], [0, 0, 1, 1], [], []>, transpose_lhs_hint = false} : vector<100x128xbf16>, vector<128x128xbf16>, vector<100x128xf32> -> vector<100x128xf32>
    %get3A_128 = arith.constant 0 : index
    %get3A_129 = arith.constant 0 : index
    %get3A_130 = vector.load %arg18[%get3A_128, %get3A_129] : memref<1x128xf32, #tpu.memory_space<vmem>>, vector<1x128xf32>
    %add3A_131 = vector.broadcast %get3A_130 : vector<1x128xf32> to vector<100x128xf32>
    %add3A_132 = arith.addf %dot_general3A_127, %add3A_131 : vector<100x128xf32>
    %max3A_133 = arith.constant 0.000000e+00 : f32
    %max3A_134 = vector.broadcast %max3A_133 : f32 to vector<100x128xf32>
    %max3A_135 = arith.maximumf %add3A_132, %max3A_134 : vector<100x128xf32>
    %get3A_136 = arith.constant 0 : index
    %get3A_137 = arith.constant 0 : index
    %get3A_138 = vector.load %arg19[%get3A_136, %get3A_137] : memref<1x128xf32, #tpu.memory_space<vmem>>, vector<1x128xf32>
    %get3A_139 = arith.constant 0 : index
    %get3A_140 = arith.constant 0 : index
    %get3A_141 = vector.load %arg20[%get3A_139, %get3A_140] : memref<1x128xf32, #tpu.memory_space<vmem>>, vector<1x128xf32>
    %reduce_sum3A_142 = arith.constant dense<0.000000e+00> : vector<100xf32>
    %reduce_sum3A_143 = vector.multi_reduction <add>, %max3A_135, %reduce_sum3A_142 [1] : vector<100x128xf32> to vector<100xf32>
    %broadcast_in_dim3A_144 = vector.shape_cast %reduce_sum3A_143 : vector<100xf32> to vector<100x1xf32>
    %div3A_145 = arith.constant 1.280000e+02 : f32
    %div3A_146 = vector.broadcast %div3A_145 : f32 to vector<100x1xf32>
    %div3A_147 = arith.divf %broadcast_in_dim3A_144, %div3A_146 : vector<100x1xf32>
    %mul3A_148 = arith.mulf %max3A_135, %max3A_135 : vector<100x128xf32>
    %reduce_sum3A_149 = arith.constant dense<0.000000e+00> : vector<100xf32>
    %reduce_sum3A_150 = vector.multi_reduction <add>, %mul3A_148, %reduce_sum3A_149 [1] : vector<100x128xf32> to vector<100xf32>
    %broadcast_in_dim3A_151 = vector.shape_cast %reduce_sum3A_150 : vector<100xf32> to vector<100x1xf32>
    %div3A_152 = arith.constant 1.280000e+02 : f32
    %div3A_153 = vector.broadcast %div3A_152 : f32 to vector<100x1xf32>
    %div3A_154 = arith.divf %broadcast_in_dim3A_151, %div3A_153 : vector<100x1xf32>
    %mul3A_155 = arith.mulf %div3A_147, %div3A_147 : vector<100x1xf32>
    %sub3A_156 = arith.subf %div3A_154, %mul3A_155 : vector<100x1xf32>
    %sub3A_157 = vector.broadcast %div3A_147 : vector<100x1xf32> to vector<100x128xf32>
    %sub3A_158 = arith.subf %max3A_135, %sub3A_157 : vector<100x128xf32>
    %add3A_159 = arith.constant 9.99999974E-6 : f32
    %add3A_160 = vector.broadcast %add3A_159 : f32 to vector<100x1xf32>
    %add3A_161 = arith.addf %sub3A_156, %add3A_160 : vector<100x1xf32>
    %rsqrt3A_162 = math.rsqrt %add3A_161 : vector<100x1xf32>
    %mul3A_163 = vector.broadcast %rsqrt3A_162 : vector<100x1xf32> to vector<100x128xf32>
    %mul3A_164 = arith.mulf %sub3A_158, %mul3A_163 : vector<100x128xf32>
    %mul3A_165 = vector.broadcast %get3A_138 : vector<1x128xf32> to vector<100x128xf32>
    %mul3A_166 = arith.mulf %mul3A_164, %mul3A_165 : vector<100x128xf32>
    %add3A_167 = vector.broadcast %get3A_141 : vector<1x128xf32> to vector<100x128xf32>
    %add3A_168 = arith.addf %mul3A_166, %add3A_167 : vector<100x128xf32>
    %reduce_sum3A_169 = arith.constant dense<0.000000e+00> : vector<128xf32>
    %reduce_sum3A_170 = vector.multi_reduction <add>, %add3A_168, %reduce_sum3A_169 [0] : vector<100x128xf32> to vector<128xf32>
    %broadcast_in_dim3A_171 = vector.shape_cast %reduce_sum3A_170 : vector<128xf32> to vector<1x128xf32>
    %get3A_172 = arith.constant 0 : index
    %get3A_173 = arith.constant 0 : index
    %get3A_174 = vector.load %arg21[%get3A_172, %get3A_173] : memref<128x693xf32, #tpu.memory_space<vmem>>, vector<128x693xf32>
    %convert_element_type3A_175 = arith.truncf %broadcast_in_dim3A_97 : vector<1x128xf32> to vector<1x128xbf16>
    %convert_element_type3A_176 = arith.truncf %get3A_174 : vector<128x693xf32> to vector<128x693xbf16>
    %dot_general3A_177 = arith.constant dense<0.000000e+00> : vector<1x693xf32>
    %dot_general3A_178 = tpu.matmul %convert_element_type3A_175, %convert_element_type3A_176, %dot_general3A_177 {dimension_numbers = #tpu.dot_dimension_numbers<[1], [0], [0], [1], [0, 0, 1, 1], [], []>, transpose_lhs_hint = false} : vector<1x128xbf16>, vector<128x693xbf16>, vector<1x693xf32> -> vector<1x693xf32>
    %get3A_179 = arith.constant 0 : index
    %get3A_180 = arith.constant 0 : index
    %get3A_181 = vector.load %arg22[%get3A_179, %get3A_180] : memref<128x693xf32, #tpu.memory_space<vmem>>, vector<128x693xf32>
    %convert_element_type3A_182 = arith.truncf %broadcast_in_dim3A_171 : vector<1x128xf32> to vector<1x128xbf16>
    %convert_element_type3A_183 = arith.truncf %get3A_181 : vector<128x693xf32> to vector<128x693xbf16>
    %dot_general3A_184 = arith.constant dense<0.000000e+00> : vector<1x693xf32>
    %dot_general3A_185 = tpu.matmul %convert_element_type3A_182, %convert_element_type3A_183, %dot_general3A_184 {dimension_numbers = #tpu.dot_dimension_numbers<[1], [0], [0], [1], [0, 0, 1, 1], [], []>, transpose_lhs_hint = false} : vector<1x128xbf16>, vector<128x693xbf16>, vector<1x693xf32> -> vector<1x693xf32>
    %add3A_186 = arith.addf %dot_general3A_178, %dot_general3A_185 : vector<1x693xf32>
    %get3A_187 = arith.constant 0 : index
    %get3A_188 = arith.constant 0 : index
    %get3A_189 = vector.load %arg23[%get3A_187, %get3A_188] : memref<1x693xf32, #tpu.memory_space<vmem>>, vector<1x693xf32>
    %add3A_190 = arith.addf %add3A_186, %get3A_189 : vector<1x693xf32>
    %max3A_191 = arith.constant 0.000000e+00 : f32
    %max3A_192 = vector.broadcast %max3A_191 : f32 to vector<1x693xf32>
    %max3A_193 = arith.maximumf %add3A_190, %max3A_192 : vector<1x693xf32>
    %get3A_194 = arith.constant 0 : index
    %get3A_195 = arith.constant 0 : index
    %get3A_196 = vector.load %arg24[%get3A_194, %get3A_195] : memref<693x693xf32, #tpu.memory_space<vmem>>, vector<693x693xf32>
    %convert_element_type3A_197 = arith.truncf %max3A_193 : vector<1x693xf32> to vector<1x693xbf16>
    %convert_element_type3A_198 = arith.truncf %get3A_196 : vector<693x693xf32> to vector<693x693xbf16>
    %dot_general3A_199 = arith.constant dense<0.000000e+00> : vector<1x693xf32>
    %dot_general3A_200 = tpu.matmul %convert_element_type3A_197, %convert_element_type3A_198, %dot_general3A_199 {dimension_numbers = #tpu.dot_dimension_numbers<[1], [0], [0], [1], [0, 0, 1, 1], [], []>, transpose_lhs_hint = false} : vector<1x693xbf16>, vector<693x693xbf16>, vector<1x693xf32> -> vector<1x693xf32>
    %get3A_201 = arith.constant 0 : index
    %get3A_202 = arith.constant 0 : index
    %get3A_203 = vector.load %arg25[%get3A_201, %get3A_202] : memref<1x693xf32, #tpu.memory_space<vmem>>, vector<1x693xf32>
    %add3A_204 = arith.addf %dot_general3A_200, %get3A_203 : vector<1x693xf32>
    %max3A_205 = arith.constant 0.000000e+00 : f32
    %max3A_206 = vector.broadcast %max3A_205 : f32 to vector<1x693xf32>
    %max3A_207 = arith.maximumf %add3A_204, %max3A_206 : vector<1x693xf32>
    %get3A_208 = arith.constant 0 : index
    %get3A_209 = arith.constant 0 : index
    %get3A_210 = vector.load %arg26[%get3A_208, %get3A_209] : memref<1x693xf32, #tpu.memory_space<vmem>>, vector<1x693xf32>
    %get3A_211 = arith.constant 0 : index
    %get3A_212 = arith.constant 0 : index
    %get3A_213 = vector.load %arg27[%get3A_211, %get3A_212] : memref<1x693xf32, #tpu.memory_space<vmem>>, vector<1x693xf32>
    %reduce_sum3A_214 = arith.constant dense<0.000000e+00> : vector<1xf32>
    %reduce_sum3A_215 = vector.multi_reduction <add>, %max3A_207, %reduce_sum3A_214 [1] : vector<1x693xf32> to vector<1xf32>
    %broadcast_in_dim3A_216 = vector.shape_cast %reduce_sum3A_215 : vector<1xf32> to vector<1x1xf32>
    %div3A_217 = arith.constant 6.930000e+02 : f32
    %div3A_218 = vector.broadcast %div3A_217 : f32 to vector<1x1xf32>
    %div3A_219 = arith.divf %broadcast_in_dim3A_216, %div3A_218 : vector<1x1xf32>
    %mul3A_220 = arith.mulf %max3A_207, %max3A_207 : vector<1x693xf32>
    %reduce_sum3A_221 = arith.constant dense<0.000000e+00> : vector<1xf32>
    %reduce_sum3A_222 = vector.multi_reduction <add>, %mul3A_220, %reduce_sum3A_221 [1] : vector<1x693xf32> to vector<1xf32>
    %broadcast_in_dim3A_223 = vector.shape_cast %reduce_sum3A_222 : vector<1xf32> to vector<1x1xf32>
    %div3A_224 = arith.constant 6.930000e+02 : f32
    %div3A_225 = vector.broadcast %div3A_224 : f32 to vector<1x1xf32>
    %div3A_226 = arith.divf %broadcast_in_dim3A_223, %div3A_225 : vector<1x1xf32>
    %mul3A_227 = arith.mulf %div3A_219, %div3A_219 : vector<1x1xf32>
    %sub3A_228 = arith.subf %div3A_226, %mul3A_227 : vector<1x1xf32>
    %sub3A_229 = vector.broadcast %div3A_219 : vector<1x1xf32> to vector<1x693xf32>
    %sub3A_230 = arith.subf %max3A_207, %sub3A_229 : vector<1x693xf32>
    %add3A_231 = arith.constant 9.99999974E-6 : f32
    %add3A_232 = vector.broadcast %add3A_231 : f32 to vector<1x1xf32>
    %add3A_233 = arith.addf %sub3A_228, %add3A_232 : vector<1x1xf32>
    %rsqrt3A_234 = math.rsqrt %add3A_233 : vector<1x1xf32>
    %mul3A_235 = vector.broadcast %rsqrt3A_234 : vector<1x1xf32> to vector<1x693xf32>
    %mul3A_236 = arith.mulf %sub3A_230, %mul3A_235 : vector<1x693xf32>
    %mul3A_237 = arith.mulf %mul3A_236, %get3A_210 : vector<1x693xf32>
    %add3A_238 = arith.addf %mul3A_237, %get3A_213 : vector<1x693xf32>
    %get3A_239 = arith.constant 0 : index
    %get3A_240 = arith.constant 0 : index
    %get3A_241 = vector.load %arg29[%get3A_239, %get3A_240] : memref<128x128xf32, #tpu.memory_space<vmem>>, vector<128x128xf32>
    %convert_element_type3A_242 = arith.truncf %add3A_168 : vector<100x128xf32> to vector<100x128xbf16>
    %convert_element_type3A_243 = arith.truncf %get3A_241 : vector<128x128xf32> to vector<128x128xbf16>
    %dot_general3A_244 = arith.constant dense<0.000000e+00> : vector<100x128xf32>
    %dot_general3A_245 = tpu.matmul %convert_element_type3A_242, %convert_element_type3A_243, %dot_general3A_244 {dimension_numbers = #tpu.dot_dimension_numbers<[1], [0], [0], [1], [0, 0, 1, 1], [], []>, transpose_lhs_hint = false} : vector<100x128xbf16>, vector<128x128xbf16>, vector<100x128xf32> -> vector<100x128xf32>
    %get3A_246 = arith.constant 0 : index
    %get3A_247 = arith.constant 0 : index
    %get3A_248 = vector.load %arg30[%get3A_246, %get3A_247] : memref<128x128xf32, #tpu.memory_space<vmem>>, vector<128x128xf32>
    %convert_element_type3A_249 = arith.truncf %add3A_168 : vector<100x128xf32> to vector<100x128xbf16>
    %convert_element_type3A_250 = arith.truncf %get3A_248 : vector<128x128xf32> to vector<128x128xbf16>
    %dot_general3A_251 = arith.constant dense<0.000000e+00> : vector<100x128xf32>
    %dot_general3A_252 = tpu.matmul %convert_element_type3A_249, %convert_element_type3A_250, %dot_general3A_251 {dimension_numbers = #tpu.dot_dimension_numbers<[1], [0], [0], [1], [0, 0, 1, 1], [], []>, transpose_lhs_hint = false} : vector<100x128xbf16>, vector<128x128xbf16>, vector<100x128xf32> -> vector<100x128xf32>
    %get3A_253 = arith.constant 0 : index
    %get3A_254 = arith.constant 0 : index
    %get3A_255 = vector.load %arg31[%get3A_253, %get3A_254] : memref<693x128xf32, #tpu.memory_space<vmem>>, vector<693x128xf32>
    %convert_element_type3A_256 = arith.truncf %add3A_238 : vector<1x693xf32> to vector<1x693xbf16>
    %convert_element_type3A_257 = arith.truncf %get3A_255 : vector<693x128xf32> to vector<693x128xbf16>
    %dot_general3A_258 = arith.constant dense<0.000000e+00> : vector<1x128xf32>
    %dot_general3A_259 = tpu.matmul %convert_element_type3A_256, %convert_element_type3A_257, %dot_general3A_258 {dimension_numbers = #tpu.dot_dimension_numbers<[1], [0], [0], [1], [0, 0, 1, 1], [], []>, transpose_lhs_hint = false} : vector<1x693xbf16>, vector<693x128xbf16>, vector<1x128xf32> -> vector<1x128xf32>
    %get3A_260 = arith.constant 0 : index
    %get3A_261 = arith.constant 0 : index
    %get3A_262 = vector.load %arg28[%get3A_260, %get3A_261] : memref<128x128xf32, #tpu.memory_space<vmem>>, vector<128x128xf32>
    %convert_element_type3A_263 = arith.truncf %add3A_90 : vector<1600x128xf32> to vector<1600x128xbf16>
    %convert_element_type3A_264 = arith.truncf %get3A_262 : vector<128x128xf32> to vector<128x128xbf16>
    %dot_general3A_265 = arith.constant dense<0.000000e+00> : vector<1600x128xf32>
    %dot_general3A_266 = tpu.matmul %convert_element_type3A_263, %convert_element_type3A_264, %dot_general3A_265 {dimension_numbers = #tpu.dot_dimension_numbers<[1], [0], [0], [1], [0, 0, 1, 1], [], []>, transpose_lhs_hint = false} : vector<1600x128xbf16>, vector<128x128xbf16>, vector<1600x128xf32> -> vector<1600x128xf32>
    %convert_element_type3A_267 = arith.truncf %convert_element_type3A_16 : vector<100x1600xf32> to vector<100x1600xbf16>
    %convert_element_type3A_268 = arith.truncf %dot_general3A_245 : vector<100x128xf32> to vector<100x128xbf16>
    %dot_general3A_269 = arith.constant dense<0.000000e+00> : vector<1600x128xf32>
    %dot_general3A_270 = tpu.matmul %convert_element_type3A_267, %convert_element_type3A_268, %dot_general3A_269 {dimension_numbers = #tpu.dot_dimension_numbers<[0], [0], [1], [1], [0, 1, 1, 1], [], []>, transpose_lhs_hint = false} : vector<100x1600xbf16>, vector<100x128xbf16>, vector<1600x128xf32> -> vector<1600x128xf32>
    %add3A_271 = arith.addf %dot_general3A_266, %dot_general3A_270 : vector<1600x128xf32>
    %convert_element_type3A_272 = arith.truncf %convert_element_type3A_20 : vector<100x1600xf32> to vector<100x1600xbf16>
    %convert_element_type3A_273 = arith.truncf %dot_general3A_252 : vector<100x128xf32> to vector<100x128xbf16>
    %dot_general3A_274 = arith.constant dense<0.000000e+00> : vector<1600x128xf32>
    %dot_general3A_275 = tpu.matmul %convert_element_type3A_272, %convert_element_type3A_273, %dot_general3A_274 {dimension_numbers = #tpu.dot_dimension_numbers<[0], [0], [1], [1], [0, 1, 1, 1], [], []>, transpose_lhs_hint = false} : vector<100x1600xbf16>, vector<100x128xbf16>, vector<1600x128xf32> -> vector<1600x128xf32>
    %add3A_276 = arith.addf %add3A_271, %dot_general3A_275 : vector<1600x128xf32>
    %add3A_277 = vector.broadcast %dot_general3A_259 : vector<1x128xf32> to vector<1600x128xf32>
    %add3A_278 = arith.addf %add3A_276, %add3A_277 : vector<1600x128xf32>
    %get3A_279 = arith.constant 0 : index
    %get3A_280 = arith.constant 0 : index
    %get3A_281 = vector.load %arg32[%get3A_279, %get3A_280] : memref<1x128xf32, #tpu.memory_space<vmem>>, vector<1x128xf32>
    %add3A_282 = vector.broadcast %get3A_281 : vector<1x128xf32> to vector<1600x128xf32>
    %add3A_283 = arith.addf %add3A_278, %add3A_282 : vector<1600x128xf32>
    %max3A_284 = arith.constant 0.000000e+00 : f32
    %max3A_285 = vector.broadcast %max3A_284 : f32 to vector<1600x128xf32>
    %max3A_286 = arith.maximumf %add3A_283, %max3A_285 : vector<1600x128xf32>
    %get3A_287 = arith.constant 0 : index
    %get3A_288 = arith.constant 0 : index
    %get3A_289 = vector.load %arg33[%get3A_287, %get3A_288] : memref<128x128xf32, #tpu.memory_space<vmem>>, vector<128x128xf32>
    %convert_element_type3A_290 = arith.truncf %max3A_286 : vector<1600x128xf32> to vector<1600x128xbf16>
    %convert_element_type3A_291 = arith.truncf %get3A_289 : vector<128x128xf32> to vector<128x128xbf16>
    %dot_general3A_292 = arith.constant dense<0.000000e+00> : vector<1600x128xf32>
    %dot_general3A_293 = tpu.matmul %convert_element_type3A_290, %convert_element_type3A_291, %dot_general3A_292 {dimension_numbers = #tpu.dot_dimension_numbers<[1], [0], [0], [1], [0, 0, 1, 1], [], []>, transpose_lhs_hint = false} : vector<1600x128xbf16>, vector<128x128xbf16>, vector<1600x128xf32> -> vector<1600x128xf32>
    %get3A_294 = arith.constant 0 : index
    %get3A_295 = arith.constant 0 : index
    %get3A_296 = vector.load %arg34[%get3A_294, %get3A_295] : memref<1x128xf32, #tpu.memory_space<vmem>>, vector<1x128xf32>
    %add3A_297 = vector.broadcast %get3A_296 : vector<1x128xf32> to vector<1600x128xf32>
    %add3A_298 = arith.addf %dot_general3A_293, %add3A_297 : vector<1600x128xf32>
    %max3A_299 = arith.constant 0.000000e+00 : f32
    %max3A_300 = vector.broadcast %max3A_299 : f32 to vector<1600x128xf32>
    %max3A_301 = arith.maximumf %add3A_298, %max3A_300 : vector<1600x128xf32>
    %get3A_302 = arith.constant 0 : index
    %get3A_303 = arith.constant 0 : index
    %get3A_304 = vector.load %arg35[%get3A_302, %get3A_303] : memref<1x128xf32, #tpu.memory_space<vmem>>, vector<1x128xf32>
    %get3A_305 = arith.constant 0 : index
    %get3A_306 = arith.constant 0 : index
    %get3A_307 = vector.load %arg36[%get3A_305, %get3A_306] : memref<1x128xf32, #tpu.memory_space<vmem>>, vector<1x128xf32>
    %reduce_sum3A_308 = arith.constant dense<0.000000e+00> : vector<1600xf32>
    %reduce_sum3A_309 = vector.multi_reduction <add>, %max3A_301, %reduce_sum3A_308 [1] : vector<1600x128xf32> to vector<1600xf32>
    %broadcast_in_dim3A_310 = vector.shape_cast %reduce_sum3A_309 : vector<1600xf32> to vector<1600x1xf32>
    %div3A_311 = arith.constant 1.280000e+02 : f32
    %div3A_312 = vector.broadcast %div3A_311 : f32 to vector<1600x1xf32>
    %div3A_313 = arith.divf %broadcast_in_dim3A_310, %div3A_312 : vector<1600x1xf32>
    %mul3A_314 = arith.mulf %max3A_301, %max3A_301 : vector<1600x128xf32>
    %reduce_sum3A_315 = arith.constant dense<0.000000e+00> : vector<1600xf32>
    %reduce_sum3A_316 = vector.multi_reduction <add>, %mul3A_314, %reduce_sum3A_315 [1] : vector<1600x128xf32> to vector<1600xf32>
    %broadcast_in_dim3A_317 = vector.shape_cast %reduce_sum3A_316 : vector<1600xf32> to vector<1600x1xf32>
    %div3A_318 = arith.constant 1.280000e+02 : f32
    %div3A_319 = vector.broadcast %div3A_318 : f32 to vector<1600x1xf32>
    %div3A_320 = arith.divf %broadcast_in_dim3A_317, %div3A_319 : vector<1600x1xf32>
    %mul3A_321 = arith.mulf %div3A_313, %div3A_313 : vector<1600x1xf32>
    %sub3A_322 = arith.subf %div3A_320, %mul3A_321 : vector<1600x1xf32>
    %sub3A_323 = vector.broadcast %div3A_313 : vector<1600x1xf32> to vector<1600x128xf32>
    %sub3A_324 = arith.subf %max3A_301, %sub3A_323 : vector<1600x128xf32>
    %add3A_325 = arith.constant 9.99999974E-6 : f32
    %add3A_326 = vector.broadcast %add3A_325 : f32 to vector<1600x1xf32>
    %add3A_327 = arith.addf %sub3A_322, %add3A_326 : vector<1600x1xf32>
    %rsqrt3A_328 = math.rsqrt %add3A_327 : vector<1600x1xf32>
    %mul3A_329 = vector.broadcast %rsqrt3A_328 : vector<1600x1xf32> to vector<1600x128xf32>
    %mul3A_330 = arith.mulf %sub3A_324, %mul3A_329 : vector<1600x128xf32>
    %mul3A_331 = vector.broadcast %get3A_304 : vector<1x128xf32> to vector<1600x128xf32>
    %mul3A_332 = arith.mulf %mul3A_330, %mul3A_331 : vector<1600x128xf32>
    %add3A_333 = vector.broadcast %get3A_307 : vector<1x128xf32> to vector<1600x128xf32>
    %add3A_334 = arith.addf %mul3A_332, %add3A_333 : vector<1600x128xf32>
    %convert_element_type3A_335 = arith.truncf %convert_element_type3A_16 : vector<100x1600xf32> to vector<100x1600xbf16>
    %convert_element_type3A_336 = arith.truncf %add3A_334 : vector<1600x128xf32> to vector<1600x128xbf16>
    %dot_general3A_337 = arith.constant dense<0.000000e+00> : vector<100x128xf32>
    %dot_general3A_338 = tpu.matmul %convert_element_type3A_335, %convert_element_type3A_336, %dot_general3A_337 {dimension_numbers = #tpu.dot_dimension_numbers<[1], [0], [0], [1], [0, 0, 1, 1], [], []>, transpose_lhs_hint = false} : vector<100x1600xbf16>, vector<1600x128xbf16>, vector<100x128xf32> -> vector<100x128xf32>
    %reduce_sum3A_339 = arith.constant dense<0.000000e+00> : vector<128xf32>
    %reduce_sum3A_340 = vector.multi_reduction <add>, %add3A_334, %reduce_sum3A_339 [0] : vector<1600x128xf32> to vector<128xf32>
    %broadcast_in_dim3A_341 = vector.shape_cast %reduce_sum3A_340 : vector<128xf32> to vector<1x128xf32>
    %get3A_342 = arith.constant 0 : index
    %get3A_343 = arith.constant 0 : index
    %get3A_344 = vector.load %arg39[%get3A_342, %get3A_343] : memref<693x128xf32, #tpu.memory_space<vmem>>, vector<693x128xf32>
    %convert_element_type3A_345 = arith.truncf %add3A_238 : vector<1x693xf32> to vector<1x693xbf16>
    %convert_element_type3A_346 = arith.truncf %get3A_344 : vector<693x128xf32> to vector<693x128xbf16>
    %dot_general3A_347 = arith.constant dense<0.000000e+00> : vector<1x128xf32>
    %dot_general3A_348 = tpu.matmul %convert_element_type3A_345, %convert_element_type3A_346, %dot_general3A_347 {dimension_numbers = #tpu.dot_dimension_numbers<[1], [0], [0], [1], [0, 0, 1, 1], [], []>, transpose_lhs_hint = false} : vector<1x693xbf16>, vector<693x128xbf16>, vector<1x128xf32> -> vector<1x128xf32>
    %get3A_349 = arith.constant 0 : index
    %get3A_350 = arith.constant 0 : index
    %get3A_351 = vector.load %arg37[%get3A_349, %get3A_350] : memref<128x128xf32, #tpu.memory_space<vmem>>, vector<128x128xf32>
    %convert_element_type3A_352 = arith.truncf %dot_general3A_338 : vector<100x128xf32> to vector<100x128xbf16>
    %convert_element_type3A_353 = arith.truncf %get3A_351 : vector<128x128xf32> to vector<128x128xbf16>
    %dot_general3A_354 = arith.constant dense<0.000000e+00> : vector<100x128xf32>
    %dot_general3A_355 = tpu.matmul %convert_element_type3A_352, %convert_element_type3A_353, %dot_general3A_354 {dimension_numbers = #tpu.dot_dimension_numbers<[1], [0], [0], [1], [0, 0, 1, 1], [], []>, transpose_lhs_hint = false} : vector<100x128xbf16>, vector<128x128xbf16>, vector<100x128xf32> -> vector<100x128xf32>
    %get3A_356 = arith.constant 0 : index
    %get3A_357 = arith.constant 0 : index
    %get3A_358 = vector.load %arg38[%get3A_356, %get3A_357] : memref<128x128xf32, #tpu.memory_space<vmem>>, vector<128x128xf32>
    %convert_element_type3A_359 = arith.truncf %add3A_168 : vector<100x128xf32> to vector<100x128xbf16>
    %convert_element_type3A_360 = arith.truncf %get3A_358 : vector<128x128xf32> to vector<128x128xbf16>
    %dot_general3A_361 = arith.constant dense<0.000000e+00> : vector<100x128xf32>
    %dot_general3A_362 = tpu.matmul %convert_element_type3A_359, %convert_element_type3A_360, %dot_general3A_361 {dimension_numbers = #tpu.dot_dimension_numbers<[1], [0], [0], [1], [0, 0, 1, 1], [], []>, transpose_lhs_hint = false} : vector<100x128xbf16>, vector<128x128xbf16>, vector<100x128xf32> -> vector<100x128xf32>
    %add3A_363 = arith.addf %dot_general3A_355, %dot_general3A_362 : vector<100x128xf32>
    %add3A_364 = vector.broadcast %dot_general3A_348 : vector<1x128xf32> to vector<100x128xf32>
    %add3A_365 = arith.addf %add3A_363, %add3A_364 : vector<100x128xf32>
    %get3A_366 = arith.constant 0 : index
    %get3A_367 = arith.constant 0 : index
    %get3A_368 = vector.load %arg40[%get3A_366, %get3A_367] : memref<1x128xf32, #tpu.memory_space<vmem>>, vector<1x128xf32>
    %add3A_369 = vector.broadcast %get3A_368 : vector<1x128xf32> to vector<100x128xf32>
    %add3A_370 = arith.addf %add3A_365, %add3A_369 : vector<100x128xf32>
    %max3A_371 = arith.constant 0.000000e+00 : f32
    %max3A_372 = vector.broadcast %max3A_371 : f32 to vector<100x128xf32>
    %max3A_373 = arith.maximumf %add3A_370, %max3A_372 : vector<100x128xf32>
    %get3A_374 = arith.constant 0 : index
    %get3A_375 = arith.constant 0 : index
    %get3A_376 = vector.load %arg41[%get3A_374, %get3A_375] : memref<128x128xf32, #tpu.memory_space<vmem>>, vector<128x128xf32>
    %convert_element_type3A_377 = arith.truncf %max3A_373 : vector<100x128xf32> to vector<100x128xbf16>
    %convert_element_type3A_378 = arith.truncf %get3A_376 : vector<128x128xf32> to vector<128x128xbf16>
    %dot_general3A_379 = arith.constant dense<0.000000e+00> : vector<100x128xf32>
    %dot_general3A_380 = tpu.matmul %convert_element_type3A_377, %convert_element_type3A_378, %dot_general3A_379 {dimension_numbers = #tpu.dot_dimension_numbers<[1], [0], [0], [1], [0, 0, 1, 1], [], []>, transpose_lhs_hint = false} : vector<100x128xbf16>, vector<128x128xbf16>, vector<100x128xf32> -> vector<100x128xf32>
    %get3A_381 = arith.constant 0 : index
    %get3A_382 = arith.constant 0 : index
    %get3A_383 = vector.load %arg42[%get3A_381, %get3A_382] : memref<1x128xf32, #tpu.memory_space<vmem>>, vector<1x128xf32>
    %add3A_384 = vector.broadcast %get3A_383 : vector<1x128xf32> to vector<100x128xf32>
    %add3A_385 = arith.addf %dot_general3A_380, %add3A_384 : vector<100x128xf32>
    %max3A_386 = arith.constant 0.000000e+00 : f32
    %max3A_387 = vector.broadcast %max3A_386 : f32 to vector<100x128xf32>
    %max3A_388 = arith.maximumf %add3A_385, %max3A_387 : vector<100x128xf32>
    %get3A_389 = arith.constant 0 : index
    %get3A_390 = arith.constant 0 : index
    %get3A_391 = vector.load %arg43[%get3A_389, %get3A_390] : memref<1x128xf32, #tpu.memory_space<vmem>>, vector<1x128xf32>
    %get3A_392 = arith.constant 0 : index
    %get3A_393 = arith.constant 0 : index
    %get3A_394 = vector.load %arg44[%get3A_392, %get3A_393] : memref<1x128xf32, #tpu.memory_space<vmem>>, vector<1x128xf32>
    %reduce_sum3A_395 = arith.constant dense<0.000000e+00> : vector<100xf32>
    %reduce_sum3A_396 = vector.multi_reduction <add>, %max3A_388, %reduce_sum3A_395 [1] : vector<100x128xf32> to vector<100xf32>
    %broadcast_in_dim3A_397 = vector.shape_cast %reduce_sum3A_396 : vector<100xf32> to vector<100x1xf32>
    %div3A_398 = arith.constant 1.280000e+02 : f32
    %div3A_399 = vector.broadcast %div3A_398 : f32 to vector<100x1xf32>
    %div3A_400 = arith.divf %broadcast_in_dim3A_397, %div3A_399 : vector<100x1xf32>
    %mul3A_401 = arith.mulf %max3A_388, %max3A_388 : vector<100x128xf32>
    %reduce_sum3A_402 = arith.constant dense<0.000000e+00> : vector<100xf32>
    %reduce_sum3A_403 = vector.multi_reduction <add>, %mul3A_401, %reduce_sum3A_402 [1] : vector<100x128xf32> to vector<100xf32>
    %broadcast_in_dim3A_404 = vector.shape_cast %reduce_sum3A_403 : vector<100xf32> to vector<100x1xf32>
    %div3A_405 = arith.constant 1.280000e+02 : f32
    %div3A_406 = vector.broadcast %div3A_405 : f32 to vector<100x1xf32>
    %div3A_407 = arith.divf %broadcast_in_dim3A_404, %div3A_406 : vector<100x1xf32>
    %mul3A_408 = arith.mulf %div3A_400, %div3A_400 : vector<100x1xf32>
    %sub3A_409 = arith.subf %div3A_407, %mul3A_408 : vector<100x1xf32>
    %sub3A_410 = vector.broadcast %div3A_400 : vector<100x1xf32> to vector<100x128xf32>
    %sub3A_411 = arith.subf %max3A_388, %sub3A_410 : vector<100x128xf32>
    %add3A_412 = arith.constant 9.99999974E-6 : f32
    %add3A_413 = vector.broadcast %add3A_412 : f32 to vector<100x1xf32>
    %add3A_414 = arith.addf %sub3A_409, %add3A_413 : vector<100x1xf32>
    %rsqrt3A_415 = math.rsqrt %add3A_414 : vector<100x1xf32>
    %mul3A_416 = vector.broadcast %rsqrt3A_415 : vector<100x1xf32> to vector<100x128xf32>
    %mul3A_417 = arith.mulf %sub3A_411, %mul3A_416 : vector<100x128xf32>
    %mul3A_418 = vector.broadcast %get3A_391 : vector<1x128xf32> to vector<100x128xf32>
    %mul3A_419 = arith.mulf %mul3A_417, %mul3A_418 : vector<100x128xf32>
    %add3A_420 = vector.broadcast %get3A_394 : vector<1x128xf32> to vector<100x128xf32>
    %add3A_421 = arith.addf %mul3A_419, %add3A_420 : vector<100x128xf32>
    %reduce_sum3A_422 = arith.constant dense<0.000000e+00> : vector<128xf32>
    %reduce_sum3A_423 = vector.multi_reduction <add>, %add3A_421, %reduce_sum3A_422 [0] : vector<100x128xf32> to vector<128xf32>
    %broadcast_in_dim3A_424 = vector.shape_cast %reduce_sum3A_423 : vector<128xf32> to vector<1x128xf32>
    %get3A_425 = arith.constant 0 : index
    %get3A_426 = arith.constant 0 : index
    %get3A_427 = vector.load %arg45[%get3A_425, %get3A_426] : memref<128x693xf32, #tpu.memory_space<vmem>>, vector<128x693xf32>
    %convert_element_type3A_428 = arith.truncf %broadcast_in_dim3A_341 : vector<1x128xf32> to vector<1x128xbf16>
    %convert_element_type3A_429 = arith.truncf %get3A_427 : vector<128x693xf32> to vector<128x693xbf16>
    %dot_general3A_430 = arith.constant dense<0.000000e+00> : vector<1x693xf32>
    %dot_general3A_431 = tpu.matmul %convert_element_type3A_428, %convert_element_type3A_429, %dot_general3A_430 {dimension_numbers = #tpu.dot_dimension_numbers<[1], [0], [0], [1], [0, 0, 1, 1], [], []>, transpose_lhs_hint = false} : vector<1x128xbf16>, vector<128x693xbf16>, vector<1x693xf32> -> vector<1x693xf32>
    %get3A_432 = arith.constant 0 : index
    %get3A_433 = arith.constant 0 : index
    %get3A_434 = vector.load %arg46[%get3A_432, %get3A_433] : memref<128x693xf32, #tpu.memory_space<vmem>>, vector<128x693xf32>
    %convert_element_type3A_435 = arith.truncf %broadcast_in_dim3A_424 : vector<1x128xf32> to vector<1x128xbf16>
    %convert_element_type3A_436 = arith.truncf %get3A_434 : vector<128x693xf32> to vector<128x693xbf16>
    %dot_general3A_437 = arith.constant dense<0.000000e+00> : vector<1x693xf32>
    %dot_general3A_438 = tpu.matmul %convert_element_type3A_435, %convert_element_type3A_436, %dot_general3A_437 {dimension_numbers = #tpu.dot_dimension_numbers<[1], [0], [0], [1], [0, 0, 1, 1], [], []>, transpose_lhs_hint = false} : vector<1x128xbf16>, vector<128x693xbf16>, vector<1x693xf32> -> vector<1x693xf32>
    %add3A_439 = arith.addf %dot_general3A_431, %dot_general3A_438 : vector<1x693xf32>
    %get3A_440 = arith.constant 0 : index
    %get3A_441 = arith.constant 0 : index
    %get3A_442 = vector.load %arg47[%get3A_440, %get3A_441] : memref<693x693xf32, #tpu.memory_space<vmem>>, vector<693x693xf32>
    %convert_element_type3A_443 = arith.truncf %add3A_238 : vector<1x693xf32> to vector<1x693xbf16>
    %convert_element_type3A_444 = arith.truncf %get3A_442 : vector<693x693xf32> to vector<693x693xbf16>
    %dot_general3A_445 = arith.constant dense<0.000000e+00> : vector<1x693xf32>
    %dot_general3A_446 = tpu.matmul %convert_element_type3A_443, %convert_element_type3A_444, %dot_general3A_445 {dimension_numbers = #tpu.dot_dimension_numbers<[1], [0], [0], [1], [0, 0, 1, 1], [], []>, transpose_lhs_hint = false} : vector<1x693xbf16>, vector<693x693xbf16>, vector<1x693xf32> -> vector<1x693xf32>
    %add3A_447 = arith.addf %add3A_439, %dot_general3A_446 : vector<1x693xf32>
    %get3A_448 = arith.constant 0 : index
    %get3A_449 = arith.constant 0 : index
    %get3A_450 = vector.load %arg48[%get3A_448, %get3A_449] : memref<1x693xf32, #tpu.memory_space<vmem>>, vector<1x693xf32>
    %add3A_451 = arith.addf %add3A_447, %get3A_450 : vector<1x693xf32>
    %max3A_452 = arith.constant 0.000000e+00 : f32
    %max3A_453 = vector.broadcast %max3A_452 : f32 to vector<1x693xf32>
    %max3A_454 = arith.maximumf %add3A_451, %max3A_453 : vector<1x693xf32>
    %get3A_455 = arith.constant 0 : index
    %get3A_456 = arith.constant 0 : index
    %get3A_457 = vector.load %arg49[%get3A_455, %get3A_456] : memref<693x693xf32, #tpu.memory_space<vmem>>, vector<693x693xf32>
    %convert_element_type3A_458 = arith.truncf %max3A_454 : vector<1x693xf32> to vector<1x693xbf16>
    %convert_element_type3A_459 = arith.truncf %get3A_457 : vector<693x693xf32> to vector<693x693xbf16>
    %dot_general3A_460 = arith.constant dense<0.000000e+00> : vector<1x693xf32>
    %dot_general3A_461 = tpu.matmul %convert_element_type3A_458, %convert_element_type3A_459, %dot_general3A_460 {dimension_numbers = #tpu.dot_dimension_numbers<[1], [0], [0], [1], [0, 0, 1, 1], [], []>, transpose_lhs_hint = false} : vector<1x693xbf16>, vector<693x693xbf16>, vector<1x693xf32> -> vector<1x693xf32>
    %get3A_462 = arith.constant 0 : index
    %get3A_463 = arith.constant 0 : index
    %get3A_464 = vector.load %arg50[%get3A_462, %get3A_463] : memref<1x693xf32, #tpu.memory_space<vmem>>, vector<1x693xf32>
    %add3A_465 = arith.addf %dot_general3A_461, %get3A_464 : vector<1x693xf32>
    %max3A_466 = arith.constant 0.000000e+00 : f32
    %max3A_467 = vector.broadcast %max3A_466 : f32 to vector<1x693xf32>
    %max3A_468 = arith.maximumf %add3A_465, %max3A_467 : vector<1x693xf32>
    %get3A_469 = arith.constant 0 : index
    %get3A_470 = arith.constant 0 : index
    %get3A_471 = vector.load %arg51[%get3A_469, %get3A_470] : memref<1x693xf32, #tpu.memory_space<vmem>>, vector<1x693xf32>
    %get3A_472 = arith.constant 0 : index
    %get3A_473 = arith.constant 0 : index
    %get3A_474 = vector.load %arg52[%get3A_472, %get3A_473] : memref<1x693xf32, #tpu.memory_space<vmem>>, vector<1x693xf32>
    %reduce_sum3A_475 = arith.constant dense<0.000000e+00> : vector<1xf32>
    %reduce_sum3A_476 = vector.multi_reduction <add>, %max3A_468, %reduce_sum3A_475 [1] : vector<1x693xf32> to vector<1xf32>
    %broadcast_in_dim3A_477 = vector.shape_cast %reduce_sum3A_476 : vector<1xf32> to vector<1x1xf32>
    %div3A_478 = arith.constant 6.930000e+02 : f32
    %div3A_479 = vector.broadcast %div3A_478 : f32 to vector<1x1xf32>
    %div3A_480 = arith.divf %broadcast_in_dim3A_477, %div3A_479 : vector<1x1xf32>
    %mul3A_481 = arith.mulf %max3A_468, %max3A_468 : vector<1x693xf32>
    %reduce_sum3A_482 = arith.constant dense<0.000000e+00> : vector<1xf32>
    %reduce_sum3A_483 = vector.multi_reduction <add>, %mul3A_481, %reduce_sum3A_482 [1] : vector<1x693xf32> to vector<1xf32>
    %broadcast_in_dim3A_484 = vector.shape_cast %reduce_sum3A_483 : vector<1xf32> to vector<1x1xf32>
    %div3A_485 = arith.constant 6.930000e+02 : f32
    %div3A_486 = vector.broadcast %div3A_485 : f32 to vector<1x1xf32>
    %div3A_487 = arith.divf %broadcast_in_dim3A_484, %div3A_486 : vector<1x1xf32>
    %mul3A_488 = arith.mulf %div3A_480, %div3A_480 : vector<1x1xf32>
    %sub3A_489 = arith.subf %div3A_487, %mul3A_488 : vector<1x1xf32>
    %sub3A_490 = vector.broadcast %div3A_480 : vector<1x1xf32> to vector<1x693xf32>
    %sub3A_491 = arith.subf %max3A_468, %sub3A_490 : vector<1x693xf32>
    %add3A_492 = arith.constant 9.99999974E-6 : f32
    %add3A_493 = vector.broadcast %add3A_492 : f32 to vector<1x1xf32>
    %add3A_494 = arith.addf %sub3A_489, %add3A_493 : vector<1x1xf32>
    %rsqrt3A_495 = math.rsqrt %add3A_494 : vector<1x1xf32>
    %mul3A_496 = vector.broadcast %rsqrt3A_495 : vector<1x1xf32> to vector<1x693xf32>
    %mul3A_497 = arith.mulf %sub3A_491, %mul3A_496 : vector<1x693xf32>
    %mul3A_498 = arith.mulf %mul3A_497, %get3A_471 : vector<1x693xf32>
    %add3A_499 = arith.addf %mul3A_498, %get3A_474 : vector<1x693xf32>
    %iota3A_500 = tpu.iota {dimensions = array<i32: 1>} : vector<1600x128xi32>
    %eq3A_501 = arith.constant 0 : i32
    %eq3A_502 = vector.broadcast %eq3A_501 : i32 to vector<1600x128xi32>
    %eq3A_503 = arith.cmpi eq, %iota3A_500, %eq3A_502 : vector<1600x128xi32>
    %logistic3A = arith.negf %add3A_334 : vector<1600x128xf32>
    %logistic3A_504 = math.exp %logistic3A : vector<1600x128xf32>
    %logistic3A_505 = arith.constant 1.000000e+00 : f32
    %logistic3A_506 = vector.broadcast %logistic3A_505 : f32 to vector<1600x128xf32>
    %logistic3A_507 = arith.addf %logistic3A_506, %logistic3A_504 : vector<1600x128xf32>
    %logistic3A_508 = arith.divf %logistic3A_506, %logistic3A_507 : vector<1600x128xf32>
    %select_n3A = arith.select %eq3A_503, %logistic3A_508, %add3A_334 : vector<1600x128xi1>, vector<1600x128xf32>
    %swap3A = arith.constant 0 : index
    %swap3A_509 = arith.constant 0 : index
    %swap3A_510 = vector.load %arg53[%swap3A, %swap3A_509] : memref<400x128xf32, #tpu.memory_space<vmem>>, vector<100x128xf32>
    tpu.vector_store %arg53[%swap3A, %swap3A_509], %add3A_421 {strides = array<i32>} : memref<400x128xf32, #tpu.memory_space<vmem>>, vector<100x128xf32>,
    %swap3A_511 = arith.constant 0 : index
    %swap3A_512 = arith.constant 0 : index
    %swap3A_513 = vector.load %arg54[%swap3A_511, %swap3A_512] : memref<6400x128xf32, #tpu.memory_space<vmem>>, vector<1600x128xf32>
    tpu.vector_store %arg54[%swap3A_511, %swap3A_512], %select_n3A {strides = array<i32>} : memref<6400x128xf32, #tpu.memory_space<vmem>>, vector<1600x128xf32>,
    %swap3A_514 = arith.constant 0 : index
    %swap3A_515 = arith.constant 0 : index
    %swap3A_516 = arith.constant 0 : index
    %swap3A_517 = vector.load %arg55[%swap3A_514, %swap3A_515, %swap3A_516] : memref<4x1x693xf32, #tpu.memory_space<vmem>>, vector<1x1x693xf32>
    %swap3A_518 = vector.shape_cast %swap3A_517 : vector<1x1x693xf32> to vector<1x693xf32>
    %swap3A_519 = vector.shape_cast %add3A_499 : vector<1x693xf32> to vector<1x1x693xf32>
    tpu.vector_store %arg55[%swap3A_514, %swap3A_515, %swap3A_516], %swap3A_519 {strides = array<i32>} : memref<4x1x693xf32, #tpu.memory_space<vmem>>, vector<1x1x693xf32>,
    %get3A_520 = arith.constant 100 : index
    %get3A_521 = arith.constant 0 : index
    %get3A_522 = vector.load %arg1[%get3A_520, %get3A_521] : memref<400x128xf32, #tpu.memory_space<vmem>>, vector<100x128xf32>
    %get3A_523 = arith.constant 0 : index
    %get3A_524 = arith.constant 1600 : index
    %get3A_525 = vector.load %arg2[%get3A_523, %get3A_524] : memref<16x6400xf32, #tpu.memory_space<vmem>>, vector<16x1600xf32>
    %get3A_526 = arith.constant 1 : index
    %get3A_527 = arith.constant 0 : index
    %get3A_528 = arith.constant 0 : index
    %get3A_529 = vector.load %arg3[%get3A_526, %get3A_527, %get3A_528] : memref<4x1x1600xi32, #tpu.memory_space<vmem>>, vector<1x1x1600xi32>
    %get3A_530 = vector.shape_cast %get3A_529 : vector<1x1x1600xi32> to vector<1x1600xi32>
    %get3A_531 = arith.constant 1 : index
    %get3A_532 = arith.constant 0 : index
    %get3A_533 = arith.constant 0 : index
    %get3A_534 = vector.load %arg4[%get3A_531, %get3A_532, %get3A_533] : memref<4x1x1600xi32, #tpu.memory_space<vmem>>, vector<1x1x1600xi32>
    %get3A_535 = vector.shape_cast %get3A_534 : vector<1x1x1600xi32> to vector<1x1600xi32>
    %iota3A_536 = tpu.iota {dimensions = array<i32: 0>} : vector<100x1600xi32>
    %eq3A_537 = vector.broadcast %get3A_530 : vector<1x1600xi32> to vector<100x1600xi32>
    %eq3A_538 = arith.cmpi eq, %iota3A_536, %eq3A_537 : vector<100x1600xi32>
    %convert_element_type3A_539 = arith.extui %eq3A_538 : vector<100x1600xi1> to vector<100x1600xi32>
    %convert_element_type3A_540 = arith.sitofp %convert_element_type3A_539 : vector<100x1600xi32> to vector<100x1600xf32>
    %eq3A_541 = vector.broadcast %get3A_535 : vector<1x1600xi32> to vector<100x1600xi32>
    %eq3A_542 = arith.cmpi eq, %iota3A_536, %eq3A_541 : vector<100x1600xi32>
    %convert_element_type3A_543 = arith.extui %eq3A_542 : vector<100x1600xi1> to vector<100x1600xi32>
    %convert_element_type3A_544 = arith.sitofp %convert_element_type3A_543 : vector<100x1600xi32> to vector<100x1600xf32>
    %get3A_545 = arith.constant 1600 : index
    %get3A_546 = arith.constant 0 : index
    %get3A_547 = vector.load %arg5[%get3A_545, %get3A_546] : memref<6400x128xf32, #tpu.memory_space<vmem>>, vector<1600x128xf32>
    %get3A_548 = arith.constant 0 : index
    %get3A_549 = arith.constant 0 : index
    %get3A_550 = vector.load %arg8[%get3A_548, %get3A_549] : memref<128x128xf32, #tpu.memory_space<vmem>>, vector<128x128xf32>
    %convert_element_type3A_551 = arith.truncf %get3A_522 : vector<100x128xf32> to vector<100x128xbf16>
    %convert_element_type3A_552 = arith.truncf %get3A_550 : vector<128x128xf32> to vector<128x128xbf16>
    %dot_general3A_553 = arith.constant dense<0.000000e+00> : vector<100x128xf32>
    %dot_general3A_554 = tpu.matmul %convert_element_type3A_551, %convert_element_type3A_552, %dot_general3A_553 {dimension_numbers = #tpu.dot_dimension_numbers<[1], [0], [0], [1], [0, 0, 1, 1], [], []>, transpose_lhs_hint = false} : vector<100x128xbf16>, vector<128x128xbf16>, vector<100x128xf32> -> vector<100x128xf32>
    %get3A_555 = arith.constant 0 : index
    %get3A_556 = arith.constant 0 : index
    %get3A_557 = vector.load %arg6[%get3A_555, %get3A_556] : memref<16x128xf32, #tpu.memory_space<vmem>>, vector<16x128xf32>
    %convert_element_type3A_558 = arith.truncf %get3A_525 : vector<16x1600xf32> to vector<16x1600xbf16>
    %convert_element_type3A_559 = arith.truncf %get3A_557 : vector<16x128xf32> to vector<16x128xbf16>
    %dot_general3A_560 = arith.constant dense<0.000000e+00> : vector<1600x128xf32>
    %dot_general3A_561 = tpu.matmul %convert_element_type3A_558, %convert_element_type3A_559, %dot_general3A_560 {dimension_numbers = #tpu.dot_dimension_numbers<[0], [0], [1], [1], [0, 1, 1, 1], [], []>, transpose_lhs_hint = false} : vector<16x1600xbf16>, vector<16x128xbf16>, vector<1600x128xf32> -> vector<1600x128xf32>
    %add3A_562 = arith.addf %dot_general3A_561, %get3A_547 : vector<1600x128xf32>
    %convert_element_type3A_563 = arith.truncf %convert_element_type3A_544 : vector<100x1600xf32> to vector<100x1600xbf16>
    %convert_element_type3A_564 = arith.truncf %dot_general3A_554 : vector<100x128xf32> to vector<100x128xbf16>
    %dot_general3A_565 = arith.constant dense<0.000000e+00> : vector<1600x128xf32>
    %dot_general3A_566 = tpu.matmul %convert_element_type3A_563, %convert_element_type3A_564, %dot_general3A_565 {dimension_numbers = #tpu.dot_dimension_numbers<[0], [0], [1], [1], [0, 1, 1, 1], [], []>, transpose_lhs_hint = false} : vector<100x1600xbf16>, vector<100x128xbf16>, vector<1600x128xf32> -> vector<1600x128xf32>
    %add3A_567 = arith.addf %add3A_562, %dot_general3A_566 : vector<1600x128xf32>
    %get3A_568 = arith.constant 0 : index
    %get3A_569 = arith.constant 0 : index
    %get3A_570 = vector.load %arg9[%get3A_568, %get3A_569] : memref<1x128xf32, #tpu.memory_space<vmem>>, vector<1x128xf32>
    %add3A_571 = vector.broadcast %get3A_570 : vector<1x128xf32> to vector<1600x128xf32>
    %add3A_572 = arith.addf %add3A_567, %add3A_571 : vector<1600x128xf32>
    %max3A_573 = arith.constant 0.000000e+00 : f32
    %max3A_574 = vector.broadcast %max3A_573 : f32 to vector<1600x128xf32>
    %max3A_575 = arith.maximumf %add3A_572, %max3A_574 : vector<1600x128xf32>
    %get3A_576 = arith.constant 0 : index
    %get3A_577 = arith.constant 0 : index
    %get3A_578 = vector.load %arg10[%get3A_576, %get3A_577] : memref<128x128xf32, #tpu.memory_space<vmem>>, vector<128x128xf32>
    %convert_element_type3A_579 = arith.truncf %max3A_575 : vector<1600x128xf32> to vector<1600x128xbf16>
    %convert_element_type3A_580 = arith.truncf %get3A_578 : vector<128x128xf32> to vector<128x128xbf16>
    %dot_general3A_581 = arith.constant dense<0.000000e+00> : vector<1600x128xf32>
    %dot_general3A_582 = tpu.matmul %convert_element_type3A_579, %convert_element_type3A_580, %dot_general3A_581 {dimension_numbers = #tpu.dot_dimension_numbers<[1], [0], [0], [1], [0, 0, 1, 1], [], []>, transpose_lhs_hint = false} : vector<1600x128xbf16>, vector<128x128xbf16>, vector<1600x128xf32> -> vector<1600x128xf32>
    %get3A_583 = arith.constant 0 : index
    %get3A_584 = arith.constant 0 : index
    %get3A_585 = vector.load %arg11[%get3A_583, %get3A_584] : memref<1x128xf32, #tpu.memory_space<vmem>>, vector<1x128xf32>
    %add3A_586 = vector.broadcast %get3A_585 : vector<1x128xf32> to vector<1600x128xf32>
    %add3A_587 = arith.addf %dot_general3A_582, %add3A_586 : vector<1600x128xf32>
    %max3A_588 = arith.constant 0.000000e+00 : f32
    %max3A_589 = vector.broadcast %max3A_588 : f32 to vector<1600x128xf32>
    %max3A_590 = arith.maximumf %add3A_587, %max3A_589 : vector<1600x128xf32>
    %get3A_591 = arith.constant 0 : index
    %get3A_592 = arith.constant 0 : index
    %get3A_593 = vector.load %arg12[%get3A_591, %get3A_592] : memref<1x128xf32, #tpu.memory_space<vmem>>, vector<1x128xf32>
    %get3A_594 = arith.constant 0 : index
    %get3A_595 = arith.constant 0 : index
    %get3A_596 = vector.load %arg13[%get3A_594, %get3A_595] : memref<1x128xf32, #tpu.memory_space<vmem>>, vector<1x128xf32>
    %reduce_sum3A_597 = arith.constant dense<0.000000e+00> : vector<1600xf32>
    %reduce_sum3A_598 = vector.multi_reduction <add>, %max3A_590, %reduce_sum3A_597 [1] : vector<1600x128xf32> to vector<1600xf32>
    %broadcast_in_dim3A_599 = vector.shape_cast %reduce_sum3A_598 : vector<1600xf32> to vector<1600x1xf32>
    %div3A_600 = arith.constant 1.280000e+02 : f32
    %div3A_601 = vector.broadcast %div3A_600 : f32 to vector<1600x1xf32>
    %div3A_602 = arith.divf %broadcast_in_dim3A_599, %div3A_601 : vector<1600x1xf32>
    %mul3A_603 = arith.mulf %max3A_590, %max3A_590 : vector<1600x128xf32>
    %reduce_sum3A_604 = arith.constant dense<0.000000e+00> : vector<1600xf32>
    %reduce_sum3A_605 = vector.multi_reduction <add>, %mul3A_603, %reduce_sum3A_604 [1] : vector<1600x128xf32> to vector<1600xf32>
    %broadcast_in_dim3A_606 = vector.shape_cast %reduce_sum3A_605 : vector<1600xf32> to vector<1600x1xf32>
    %div3A_607 = arith.constant 1.280000e+02 : f32
    %div3A_608 = vector.broadcast %div3A_607 : f32 to vector<1600x1xf32>
    %div3A_609 = arith.divf %broadcast_in_dim3A_606, %div3A_608 : vector<1600x1xf32>
    %mul3A_610 = arith.mulf %div3A_602, %div3A_602 : vector<1600x1xf32>
    %sub3A_611 = arith.subf %div3A_609, %mul3A_610 : vector<1600x1xf32>
    %sub3A_612 = vector.broadcast %div3A_602 : vector<1600x1xf32> to vector<1600x128xf32>
    %sub3A_613 = arith.subf %max3A_590, %sub3A_612 : vector<1600x128xf32>
    %add3A_614 = arith.constant 9.99999974E-6 : f32
    %add3A_615 = vector.broadcast %add3A_614 : f32 to vector<1600x1xf32>
    %add3A_616 = arith.addf %sub3A_611, %add3A_615 : vector<1600x1xf32>
    %rsqrt3A_617 = math.rsqrt %add3A_616 : vector<1600x1xf32>
    %mul3A_618 = vector.broadcast %rsqrt3A_617 : vector<1600x1xf32> to vector<1600x128xf32>
    %mul3A_619 = arith.mulf %sub3A_613, %mul3A_618 : vector<1600x128xf32>
    %mul3A_620 = vector.broadcast %get3A_593 : vector<1x128xf32> to vector<1600x128xf32>
    %mul3A_621 = arith.mulf %mul3A_619, %mul3A_620 : vector<1600x128xf32>
    %add3A_622 = vector.broadcast %get3A_596 : vector<1x128xf32> to vector<1600x128xf32>
    %add3A_623 = arith.addf %mul3A_621, %add3A_622 : vector<1600x128xf32>
    %convert_element_type3A_624 = arith.truncf %convert_element_type3A_540 : vector<100x1600xf32> to vector<100x1600xbf16>
    %convert_element_type3A_625 = arith.truncf %add3A_623 : vector<1600x128xf32> to vector<1600x128xbf16>
    %dot_general3A_626 = arith.constant dense<0.000000e+00> : vector<100x128xf32>
    %dot_general3A_627 = tpu.matmul %convert_element_type3A_624, %convert_element_type3A_625, %dot_general3A_626 {dimension_numbers = #tpu.dot_dimension_numbers<[1], [0], [0], [1], [0, 0, 1, 1], [], []>, transpose_lhs_hint = false} : vector<100x1600xbf16>, vector<1600x128xbf16>, vector<100x128xf32> -> vector<100x128xf32>
    %reduce_sum3A_628 = arith.constant dense<0.000000e+00> : vector<128xf32>
    %reduce_sum3A_629 = vector.multi_reduction <add>, %add3A_623, %reduce_sum3A_628 [0] : vector<1600x128xf32> to vector<128xf32>
    %broadcast_in_dim3A_630 = vector.shape_cast %reduce_sum3A_629 : vector<128xf32> to vector<1x128xf32>
    %get3A_631 = arith.constant 0 : index
    %get3A_632 = arith.constant 0 : index
    %get3A_633 = vector.load %arg14[%get3A_631, %get3A_632] : memref<128x128xf32, #tpu.memory_space<vmem>>, vector<128x128xf32>
    %convert_element_type3A_634 = arith.truncf %dot_general3A_627 : vector<100x128xf32> to vector<100x128xbf16>
    %convert_element_type3A_635 = arith.truncf %get3A_633 : vector<128x128xf32> to vector<128x128xbf16>
    %dot_general3A_636 = arith.constant dense<0.000000e+00> : vector<100x128xf32>
    %dot_general3A_637 = tpu.matmul %convert_element_type3A_634, %convert_element_type3A_635, %dot_general3A_636 {dimension_numbers = #tpu.dot_dimension_numbers<[1], [0], [0], [1], [0, 0, 1, 1], [], []>, transpose_lhs_hint = false} : vector<100x128xbf16>, vector<128x128xbf16>, vector<100x128xf32> -> vector<100x128xf32>
    %get3A_638 = arith.constant 0 : index
    %get3A_639 = arith.constant 0 : index
    %get3A_640 = vector.load %arg15[%get3A_638, %get3A_639] : memref<128x128xf32, #tpu.memory_space<vmem>>, vector<128x128xf32>
    %convert_element_type3A_641 = arith.truncf %get3A_522 : vector<100x128xf32> to vector<100x128xbf16>
    %convert_element_type3A_642 = arith.truncf %get3A_640 : vector<128x128xf32> to vector<128x128xbf16>
    %dot_general3A_643 = arith.constant dense<0.000000e+00> : vector<100x128xf32>
    %dot_general3A_644 = tpu.matmul %convert_element_type3A_641, %convert_element_type3A_642, %dot_general3A_643 {dimension_numbers = #tpu.dot_dimension_numbers<[1], [0], [0], [1], [0, 0, 1, 1], [], []>, transpose_lhs_hint = false} : vector<100x128xbf16>, vector<128x128xbf16>, vector<100x128xf32> -> vector<100x128xf32>
    %add3A_645 = arith.addf %dot_general3A_637, %dot_general3A_644 : vector<100x128xf32>
    %get3A_646 = arith.constant 0 : index
    %get3A_647 = arith.constant 0 : index
    %get3A_648 = vector.load %arg16[%get3A_646, %get3A_647] : memref<1x128xf32, #tpu.memory_space<vmem>>, vector<1x128xf32>
    %add3A_649 = vector.broadcast %get3A_648 : vector<1x128xf32> to vector<100x128xf32>
    %add3A_650 = arith.addf %add3A_645, %add3A_649 : vector<100x128xf32>
    %max3A_651 = arith.constant 0.000000e+00 : f32
    %max3A_652 = vector.broadcast %max3A_651 : f32 to vector<100x128xf32>
    %max3A_653 = arith.maximumf %add3A_650, %max3A_652 : vector<100x128xf32>
    %get3A_654 = arith.constant 0 : index
    %get3A_655 = arith.constant 0 : index
    %get3A_656 = vector.load %arg17[%get3A_654, %get3A_655] : memref<128x128xf32, #tpu.memory_space<vmem>>, vector<128x128xf32>
    %convert_element_type3A_657 = arith.truncf %max3A_653 : vector<100x128xf32> to vector<100x128xbf16>
    %convert_element_type3A_658 = arith.truncf %get3A_656 : vector<128x128xf32> to vector<128x128xbf16>
    %dot_general3A_659 = arith.constant dense<0.000000e+00> : vector<100x128xf32>
    %dot_general3A_660 = tpu.matmul %convert_element_type3A_657, %convert_element_type3A_658, %dot_general3A_659 {dimension_numbers = #tpu.dot_dimension_numbers<[1], [0], [0], [1], [0, 0, 1, 1], [], []>, transpose_lhs_hint = false} : vector<100x128xbf16>, vector<128x128xbf16>, vector<100x128xf32> -> vector<100x128xf32>
    %get3A_661 = arith.constant 0 : index
    %get3A_662 = arith.constant 0 : index
    %get3A_663 = vector.load %arg18[%get3A_661, %get3A_662] : memref<1x128xf32, #tpu.memory_space<vmem>>, vector<1x128xf32>
    %add3A_664 = vector.broadcast %get3A_663 : vector<1x128xf32> to vector<100x128xf32>
    %add3A_665 = arith.addf %dot_general3A_660, %add3A_664 : vector<100x128xf32>
    %max3A_666 = arith.constant 0.000000e+00 : f32
    %max3A_667 = vector.broadcast %max3A_666 : f32 to vector<100x128xf32>
    %max3A_668 = arith.maximumf %add3A_665, %max3A_667 : vector<100x128xf32>
    %get3A_669 = arith.constant 0 : index
    %get3A_670 = arith.constant 0 : index
    %get3A_671 = vector.load %arg19[%get3A_669, %get3A_670] : memref<1x128xf32, #tpu.memory_space<vmem>>, vector<1x128xf32>
    %get3A_672 = arith.constant 0 : index
    %get3A_673 = arith.constant 0 : index
    %get3A_674 = vector.load %arg20[%get3A_672, %get3A_673] : memref<1x128xf32, #tpu.memory_space<vmem>>, vector<1x128xf32>
    %reduce_sum3A_675 = arith.constant dense<0.000000e+00> : vector<100xf32>
    %reduce_sum3A_676 = vector.multi_reduction <add>, %max3A_668, %reduce_sum3A_675 [1] : vector<100x128xf32> to vector<100xf32>
    %broadcast_in_dim3A_677 = vector.shape_cast %reduce_sum3A_676 : vector<100xf32> to vector<100x1xf32>
    %div3A_678 = arith.constant 1.280000e+02 : f32
    %div3A_679 = vector.broadcast %div3A_678 : f32 to vector<100x1xf32>
    %div3A_680 = arith.divf %broadcast_in_dim3A_677, %div3A_679 : vector<100x1xf32>
    %mul3A_681 = arith.mulf %max3A_668, %max3A_668 : vector<100x128xf32>
    %reduce_sum3A_682 = arith.constant dense<0.000000e+00> : vector<100xf32>
    %reduce_sum3A_683 = vector.multi_reduction <add>, %mul3A_681, %reduce_sum3A_682 [1] : vector<100x128xf32> to vector<100xf32>
    %broadcast_in_dim3A_684 = vector.shape_cast %reduce_sum3A_683 : vector<100xf32> to vector<100x1xf32>
    %div3A_685 = arith.constant 1.280000e+02 : f32
    %div3A_686 = vector.broadcast %div3A_685 : f32 to vector<100x1xf32>
    %div3A_687 = arith.divf %broadcast_in_dim3A_684, %div3A_686 : vector<100x1xf32>
    %mul3A_688 = arith.mulf %div3A_680, %div3A_680 : vector<100x1xf32>
    %sub3A_689 = arith.subf %div3A_687, %mul3A_688 : vector<100x1xf32>
    %sub3A_690 = vector.broadcast %div3A_680 : vector<100x1xf32> to vector<100x128xf32>
    %sub3A_691 = arith.subf %max3A_668, %sub3A_690 : vector<100x128xf32>
    %add3A_692 = arith.constant 9.99999974E-6 : f32
    %add3A_693 = vector.broadcast %add3A_692 : f32 to vector<100x1xf32>
    %add3A_694 = arith.addf %sub3A_689, %add3A_693 : vector<100x1xf32>
    %rsqrt3A_695 = math.rsqrt %add3A_694 : vector<100x1xf32>
    %mul3A_696 = vector.broadcast %rsqrt3A_695 : vector<100x1xf32> to vector<100x128xf32>
    %mul3A_697 = arith.mulf %sub3A_691, %mul3A_696 : vector<100x128xf32>
    %mul3A_698 = vector.broadcast %get3A_671 : vector<1x128xf32> to vector<100x128xf32>
    %mul3A_699 = arith.mulf %mul3A_697, %mul3A_698 : vector<100x128xf32>
    %add3A_700 = vector.broadcast %get3A_674 : vector<1x128xf32> to vector<100x128xf32>
    %add3A_701 = arith.addf %mul3A_699, %add3A_700 : vector<100x128xf32>
    %reduce_sum3A_702 = arith.constant dense<0.000000e+00> : vector<128xf32>
    %reduce_sum3A_703 = vector.multi_reduction <add>, %add3A_701, %reduce_sum3A_702 [0] : vector<100x128xf32> to vector<128xf32>
    %broadcast_in_dim3A_704 = vector.shape_cast %reduce_sum3A_703 : vector<128xf32> to vector<1x128xf32>
    %get3A_705 = arith.constant 0 : index
    %get3A_706 = arith.constant 0 : index
    %get3A_707 = vector.load %arg21[%get3A_705, %get3A_706] : memref<128x693xf32, #tpu.memory_space<vmem>>, vector<128x693xf32>
    %convert_element_type3A_708 = arith.truncf %broadcast_in_dim3A_630 : vector<1x128xf32> to vector<1x128xbf16>
    %convert_element_type3A_709 = arith.truncf %get3A_707 : vector<128x693xf32> to vector<128x693xbf16>
    %dot_general3A_710 = arith.constant dense<0.000000e+00> : vector<1x693xf32>
    %dot_general3A_711 = tpu.matmul %convert_element_type3A_708, %convert_element_type3A_709, %dot_general3A_710 {dimension_numbers = #tpu.dot_dimension_numbers<[1], [0], [0], [1], [0, 0, 1, 1], [], []>, transpose_lhs_hint = false} : vector<1x128xbf16>, vector<128x693xbf16>, vector<1x693xf32> -> vector<1x693xf32>
    %get3A_712 = arith.constant 0 : index
    %get3A_713 = arith.constant 0 : index
    %get3A_714 = vector.load %arg22[%get3A_712, %get3A_713] : memref<128x693xf32, #tpu.memory_space<vmem>>, vector<128x693xf32>
    %convert_element_type3A_715 = arith.truncf %broadcast_in_dim3A_704 : vector<1x128xf32> to vector<1x128xbf16>
    %convert_element_type3A_716 = arith.truncf %get3A_714 : vector<128x693xf32> to vector<128x693xbf16>
    %dot_general3A_717 = arith.constant dense<0.000000e+00> : vector<1x693xf32>
    %dot_general3A_718 = tpu.matmul %convert_element_type3A_715, %convert_element_type3A_716, %dot_general3A_717 {dimension_numbers = #tpu.dot_dimension_numbers<[1], [0], [0], [1], [0, 0, 1, 1], [], []>, transpose_lhs_hint = false} : vector<1x128xbf16>, vector<128x693xbf16>, vector<1x693xf32> -> vector<1x693xf32>
    %add3A_719 = arith.addf %dot_general3A_711, %dot_general3A_718 : vector<1x693xf32>
    %get3A_720 = arith.constant 0 : index
    %get3A_721 = arith.constant 0 : index
    %get3A_722 = vector.load %arg23[%get3A_720, %get3A_721] : memref<1x693xf32, #tpu.memory_space<vmem>>, vector<1x693xf32>
    %add3A_723 = arith.addf %add3A_719, %get3A_722 : vector<1x693xf32>
    %max3A_724 = arith.constant 0.000000e+00 : f32
    %max3A_725 = vector.broadcast %max3A_724 : f32 to vector<1x693xf32>
    %max3A_726 = arith.maximumf %add3A_723, %max3A_725 : vector<1x693xf32>
    %get3A_727 = arith.constant 0 : index
    %get3A_728 = arith.constant 0 : index
    %get3A_729 = vector.load %arg24[%get3A_727, %get3A_728] : memref<693x693xf32, #tpu.memory_space<vmem>>, vector<693x693xf32>
    %convert_element_type3A_730 = arith.truncf %max3A_726 : vector<1x693xf32> to vector<1x693xbf16>
    %convert_element_type3A_731 = arith.truncf %get3A_729 : vector<693x693xf32> to vector<693x693xbf16>
    %dot_general3A_732 = arith.constant dense<0.000000e+00> : vector<1x693xf32>
    %dot_general3A_733 = tpu.matmul %convert_element_type3A_730, %convert_element_type3A_731, %dot_general3A_732 {dimension_numbers = #tpu.dot_dimension_numbers<[1], [0], [0], [1], [0, 0, 1, 1], [], []>, transpose_lhs_hint = false} : vector<1x693xbf16>, vector<693x693xbf16>, vector<1x693xf32> -> vector<1x693xf32>
    %get3A_734 = arith.constant 0 : index
    %get3A_735 = arith.constant 0 : index
    %get3A_736 = vector.load %arg25[%get3A_734, %get3A_735] : memref<1x693xf32, #tpu.memory_space<vmem>>, vector<1x693xf32>
    %add3A_737 = arith.addf %dot_general3A_733, %get3A_736 : vector<1x693xf32>
    %max3A_738 = arith.constant 0.000000e+00 : f32
    %max3A_739 = vector.broadcast %max3A_738 : f32 to vector<1x693xf32>
    %max3A_740 = arith.maximumf %add3A_737, %max3A_739 : vector<1x693xf32>
    %get3A_741 = arith.constant 0 : index
    %get3A_742 = arith.constant 0 : index
    %get3A_743 = vector.load %arg26[%get3A_741, %get3A_742] : memref<1x693xf32, #tpu.memory_space<vmem>>, vector<1x693xf32>
    %get3A_744 = arith.constant 0 : index
    %get3A_745 = arith.constant 0 : index
    %get3A_746 = vector.load %arg27[%get3A_744, %get3A_745] : memref<1x693xf32, #tpu.memory_space<vmem>>, vector<1x693xf32>
    %reduce_sum3A_747 = arith.constant dense<0.000000e+00> : vector<1xf32>
    %reduce_sum3A_748 = vector.multi_reduction <add>, %max3A_740, %reduce_sum3A_747 [1] : vector<1x693xf32> to vector<1xf32>
    %broadcast_in_dim3A_749 = vector.shape_cast %reduce_sum3A_748 : vector<1xf32> to vector<1x1xf32>
    %div3A_750 = arith.constant 6.930000e+02 : f32
    %div3A_751 = vector.broadcast %div3A_750 : f32 to vector<1x1xf32>
    %div3A_752 = arith.divf %broadcast_in_dim3A_749, %div3A_751 : vector<1x1xf32>
    %mul3A_753 = arith.mulf %max3A_740, %max3A_740 : vector<1x693xf32>
    %reduce_sum3A_754 = arith.constant dense<0.000000e+00> : vector<1xf32>
    %reduce_sum3A_755 = vector.multi_reduction <add>, %mul3A_753, %reduce_sum3A_754 [1] : vector<1x693xf32> to vector<1xf32>
    %broadcast_in_dim3A_756 = vector.shape_cast %reduce_sum3A_755 : vector<1xf32> to vector<1x1xf32>
    %div3A_757 = arith.constant 6.930000e+02 : f32
    %div3A_758 = vector.broadcast %div3A_757 : f32 to vector<1x1xf32>
    %div3A_759 = arith.divf %broadcast_in_dim3A_756, %div3A_758 : vector<1x1xf32>
    %mul3A_760 = arith.mulf %div3A_752, %div3A_752 : vector<1x1xf32>
    %sub3A_761 = arith.subf %div3A_759, %mul3A_760 : vector<1x1xf32>
    %sub3A_762 = vector.broadcast %div3A_752 : vector<1x1xf32> to vector<1x693xf32>
    %sub3A_763 = arith.subf %max3A_740, %sub3A_762 : vector<1x693xf32>
    %add3A_764 = arith.constant 9.99999974E-6 : f32
    %add3A_765 = vector.broadcast %add3A_764 : f32 to vector<1x1xf32>
    %add3A_766 = arith.addf %sub3A_761, %add3A_765 : vector<1x1xf32>
    %rsqrt3A_767 = math.rsqrt %add3A_766 : vector<1x1xf32>
    %mul3A_768 = vector.broadcast %rsqrt3A_767 : vector<1x1xf32> to vector<1x693xf32>
    %mul3A_769 = arith.mulf %sub3A_763, %mul3A_768 : vector<1x693xf32>
    %mul3A_770 = arith.mulf %mul3A_769, %get3A_743 : vector<1x693xf32>
    %add3A_771 = arith.addf %mul3A_770, %get3A_746 : vector<1x693xf32>
    %get3A_772 = arith.constant 0 : index
    %get3A_773 = arith.constant 0 : index
    %get3A_774 = vector.load %arg29[%get3A_772, %get3A_773] : memref<128x128xf32, #tpu.memory_space<vmem>>, vector<128x128xf32>
    %convert_element_type3A_775 = arith.truncf %add3A_701 : vector<100x128xf32> to vector<100x128xbf16>
    %convert_element_type3A_776 = arith.truncf %get3A_774 : vector<128x128xf32> to vector<128x128xbf16>
    %dot_general3A_777 = arith.constant dense<0.000000e+00> : vector<100x128xf32>
    %dot_general3A_778 = tpu.matmul %convert_element_type3A_775, %convert_element_type3A_776, %dot_general3A_777 {dimension_numbers = #tpu.dot_dimension_numbers<[1], [0], [0], [1], [0, 0, 1, 1], [], []>, transpose_lhs_hint = false} : vector<100x128xbf16>, vector<128x128xbf16>, vector<100x128xf32> -> vector<100x128xf32>
    %get3A_779 = arith.constant 0 : index
    %get3A_780 = arith.constant 0 : index
    %get3A_781 = vector.load %arg30[%get3A_779, %get3A_780] : memref<128x128xf32, #tpu.memory_space<vmem>>, vector<128x128xf32>
    %convert_element_type3A_782 = arith.truncf %add3A_701 : vector<100x128xf32> to vector<100x128xbf16>
    %convert_element_type3A_783 = arith.truncf %get3A_781 : vector<128x128xf32> to vector<128x128xbf16>
    %dot_general3A_784 = arith.constant dense<0.000000e+00> : vector<100x128xf32>
    %dot_general3A_785 = tpu.matmul %convert_element_type3A_782, %convert_element_type3A_783, %dot_general3A_784 {dimension_numbers = #tpu.dot_dimension_numbers<[1], [0], [0], [1], [0, 0, 1, 1], [], []>, transpose_lhs_hint = false} : vector<100x128xbf16>, vector<128x128xbf16>, vector<100x128xf32> -> vector<100x128xf32>
    %get3A_786 = arith.constant 0 : index
    %get3A_787 = arith.constant 0 : index
    %get3A_788 = vector.load %arg31[%get3A_786, %get3A_787] : memref<693x128xf32, #tpu.memory_space<vmem>>, vector<693x128xf32>
    %convert_element_type3A_789 = arith.truncf %add3A_771 : vector<1x693xf32> to vector<1x693xbf16>
    %convert_element_type3A_790 = arith.truncf %get3A_788 : vector<693x128xf32> to vector<693x128xbf16>
    %dot_general3A_791 = arith.constant dense<0.000000e+00> : vector<1x128xf32>
    %dot_general3A_792 = tpu.matmul %convert_element_type3A_789, %convert_element_type3A_790, %dot_general3A_791 {dimension_numbers = #tpu.dot_dimension_numbers<[1], [0], [0], [1], [0, 0, 1, 1], [], []>, transpose_lhs_hint = false} : vector<1x693xbf16>, vector<693x128xbf16>, vector<1x128xf32> -> vector<1x128xf32>
    %get3A_793 = arith.constant 0 : index
    %get3A_794 = arith.constant 0 : index
    %get3A_795 = vector.load %arg28[%get3A_793, %get3A_794] : memref<128x128xf32, #tpu.memory_space<vmem>>, vector<128x128xf32>
    %convert_element_type3A_796 = arith.truncf %add3A_623 : vector<1600x128xf32> to vector<1600x128xbf16>
    %convert_element_type3A_797 = arith.truncf %get3A_795 : vector<128x128xf32> to vector<128x128xbf16>
    %dot_general3A_798 = arith.constant dense<0.000000e+00> : vector<1600x128xf32>
    %dot_general3A_799 = tpu.matmul %convert_element_type3A_796, %convert_element_type3A_797, %dot_general3A_798 {dimension_numbers = #tpu.dot_dimension_numbers<[1], [0], [0], [1], [0, 0, 1, 1], [], []>, transpose_lhs_hint = false} : vector<1600x128xbf16>, vector<128x128xbf16>, vector<1600x128xf32> -> vector<1600x128xf32>
    %convert_element_type3A_800 = arith.truncf %convert_element_type3A_540 : vector<100x1600xf32> to vector<100x1600xbf16>
    %convert_element_type3A_801 = arith.truncf %dot_general3A_778 : vector<100x128xf32> to vector<100x128xbf16>
    %dot_general3A_802 = arith.constant dense<0.000000e+00> : vector<1600x128xf32>
    %dot_general3A_803 = tpu.matmul %convert_element_type3A_800, %convert_element_type3A_801, %dot_general3A_802 {dimension_numbers = #tpu.dot_dimension_numbers<[0], [0], [1], [1], [0, 1, 1, 1], [], []>, transpose_lhs_hint = false} : vector<100x1600xbf16>, vector<100x128xbf16>, vector<1600x128xf32> -> vector<1600x128xf32>
    %add3A_804 = arith.addf %dot_general3A_799, %dot_general3A_803 : vector<1600x128xf32>
    %convert_element_type3A_805 = arith.truncf %convert_element_type3A_544 : vector<100x1600xf32> to vector<100x1600xbf16>
    %convert_element_type3A_806 = arith.truncf %dot_general3A_785 : vector<100x128xf32> to vector<100x128xbf16>
    %dot_general3A_807 = arith.constant dense<0.000000e+00> : vector<1600x128xf32>
    %dot_general3A_808 = tpu.matmul %convert_element_type3A_805, %convert_element_type3A_806, %dot_general3A_807 {dimension_numbers = #tpu.dot_dimension_numbers<[0], [0], [1], [1], [0, 1, 1, 1], [], []>, transpose_lhs_hint = false} : vector<100x1600xbf16>, vector<100x128xbf16>, vector<1600x128xf32> -> vector<1600x128xf32>
    %add3A_809 = arith.addf %add3A_804, %dot_general3A_808 : vector<1600x128xf32>
    %add3A_810 = vector.broadcast %dot_general3A_792 : vector<1x128xf32> to vector<1600x128xf32>
    %add3A_811 = arith.addf %add3A_809, %add3A_810 : vector<1600x128xf32>
    %get3A_812 = arith.constant 0 : index
    %get3A_813 = arith.constant 0 : index
    %get3A_814 = vector.load %arg32[%get3A_812, %get3A_813] : memref<1x128xf32, #tpu.memory_space<vmem>>, vector<1x128xf32>
    %add3A_815 = vector.broadcast %get3A_814 : vector<1x128xf32> to vector<1600x128xf32>
    %add3A_816 = arith.addf %add3A_811, %add3A_815 : vector<1600x128xf32>
    %max3A_817 = arith.constant 0.000000e+00 : f32
    %max3A_818 = vector.broadcast %max3A_817 : f32 to vector<1600x128xf32>
    %max3A_819 = arith.maximumf %add3A_816, %max3A_818 : vector<1600x128xf32>
    %get3A_820 = arith.constant 0 : index
    %get3A_821 = arith.constant 0 : index
    %get3A_822 = vector.load %arg33[%get3A_820, %get3A_821] : memref<128x128xf32, #tpu.memory_space<vmem>>, vector<128x128xf32>
    %convert_element_type3A_823 = arith.truncf %max3A_819 : vector<1600x128xf32> to vector<1600x128xbf16>
    %convert_element_type3A_824 = arith.truncf %get3A_822 : vector<128x128xf32> to vector<128x128xbf16>
    %dot_general3A_825 = arith.constant dense<0.000000e+00> : vector<1600x128xf32>
    %dot_general3A_826 = tpu.matmul %convert_element_type3A_823, %convert_element_type3A_824, %dot_general3A_825 {dimension_numbers = #tpu.dot_dimension_numbers<[1], [0], [0], [1], [0, 0, 1, 1], [], []>, transpose_lhs_hint = false} : vector<1600x128xbf16>, vector<128x128xbf16>, vector<1600x128xf32> -> vector<1600x128xf32>
    %get3A_827 = arith.constant 0 : index
    %get3A_828 = arith.constant 0 : index
    %get3A_829 = vector.load %arg34[%get3A_827, %get3A_828] : memref<1x128xf32, #tpu.memory_space<vmem>>, vector<1x128xf32>
    %add3A_830 = vector.broadcast %get3A_829 : vector<1x128xf32> to vector<1600x128xf32>
    %add3A_831 = arith.addf %dot_general3A_826, %add3A_830 : vector<1600x128xf32>
    %max3A_832 = arith.constant 0.000000e+00 : f32
    %max3A_833 = vector.broadcast %max3A_832 : f32 to vector<1600x128xf32>
    %max3A_834 = arith.maximumf %add3A_831, %max3A_833 : vector<1600x128xf32>
    %get3A_835 = arith.constant 0 : index
    %get3A_836 = arith.constant 0 : index
    %get3A_837 = vector.load %arg35[%get3A_835, %get3A_836] : memref<1x128xf32, #tpu.memory_space<vmem>>, vector<1x128xf32>
    %get3A_838 = arith.constant 0 : index
    %get3A_839 = arith.constant 0 : index
    %get3A_840 = vector.load %arg36[%get3A_838, %get3A_839] : memref<1x128xf32, #tpu.memory_space<vmem>>, vector<1x128xf32>
    %reduce_sum3A_841 = arith.constant dense<0.000000e+00> : vector<1600xf32>
    %reduce_sum3A_842 = vector.multi_reduction <add>, %max3A_834, %reduce_sum3A_841 [1] : vector<1600x128xf32> to vector<1600xf32>
    %broadcast_in_dim3A_843 = vector.shape_cast %reduce_sum3A_842 : vector<1600xf32> to vector<1600x1xf32>
    %div3A_844 = arith.constant 1.280000e+02 : f32
    %div3A_845 = vector.broadcast %div3A_844 : f32 to vector<1600x1xf32>
    %div3A_846 = arith.divf %broadcast_in_dim3A_843, %div3A_845 : vector<1600x1xf32>
    %mul3A_847 = arith.mulf %max3A_834, %max3A_834 : vector<1600x128xf32>
    %reduce_sum3A_848 = arith.constant dense<0.000000e+00> : vector<1600xf32>
    %reduce_sum3A_849 = vector.multi_reduction <add>, %mul3A_847, %reduce_sum3A_848 [1] : vector<1600x128xf32> to vector<1600xf32>
    %broadcast_in_dim3A_850 = vector.shape_cast %reduce_sum3A_849 : vector<1600xf32> to vector<1600x1xf32>
    %div3A_851 = arith.constant 1.280000e+02 : f32
    %div3A_852 = vector.broadcast %div3A_851 : f32 to vector<1600x1xf32>
    %div3A_853 = arith.divf %broadcast_in_dim3A_850, %div3A_852 : vector<1600x1xf32>
    %mul3A_854 = arith.mulf %div3A_846, %div3A_846 : vector<1600x1xf32>
    %sub3A_855 = arith.subf %div3A_853, %mul3A_854 : vector<1600x1xf32>
    %sub3A_856 = vector.broadcast %div3A_846 : vector<1600x1xf32> to vector<1600x128xf32>
    %sub3A_857 = arith.subf %max3A_834, %sub3A_856 : vector<1600x128xf32>
    %add3A_858 = arith.constant 9.99999974E-6 : f32
    %add3A_859 = vector.broadcast %add3A_858 : f32 to vector<1600x1xf32>
    %add3A_860 = arith.addf %sub3A_855, %add3A_859 : vector<1600x1xf32>
    %rsqrt3A_861 = math.rsqrt %add3A_860 : vector<1600x1xf32>
    %mul3A_862 = vector.broadcast %rsqrt3A_861 : vector<1600x1xf32> to vector<1600x128xf32>
    %mul3A_863 = arith.mulf %sub3A_857, %mul3A_862 : vector<1600x128xf32>
    %mul3A_864 = vector.broadcast %get3A_837 : vector<1x128xf32> to vector<1600x128xf32>
    %mul3A_865 = arith.mulf %mul3A_863, %mul3A_864 : vector<1600x128xf32>
    %add3A_866 = vector.broadcast %get3A_840 : vector<1x128xf32> to vector<1600x128xf32>
    %add3A_867 = arith.addf %mul3A_865, %add3A_866 : vector<1600x128xf32>
    %convert_element_type3A_868 = arith.truncf %convert_element_type3A_540 : vector<100x1600xf32> to vector<100x1600xbf16>
    %convert_element_type3A_869 = arith.truncf %add3A_867 : vector<1600x128xf32> to vector<1600x128xbf16>
    %dot_general3A_870 = arith.constant dense<0.000000e+00> : vector<100x128xf32>
    %dot_general3A_871 = tpu.matmul %convert_element_type3A_868, %convert_element_type3A_869, %dot_general3A_870 {dimension_numbers = #tpu.dot_dimension_numbers<[1], [0], [0], [1], [0, 0, 1, 1], [], []>, transpose_lhs_hint = false} : vector<100x1600xbf16>, vector<1600x128xbf16>, vector<100x128xf32> -> vector<100x128xf32>
    %reduce_sum3A_872 = arith.constant dense<0.000000e+00> : vector<128xf32>
    %reduce_sum3A_873 = vector.multi_reduction <add>, %add3A_867, %reduce_sum3A_872 [0] : vector<1600x128xf32> to vector<128xf32>
    %broadcast_in_dim3A_874 = vector.shape_cast %reduce_sum3A_873 : vector<128xf32> to vector<1x128xf32>
    %get3A_875 = arith.constant 0 : index
    %get3A_876 = arith.constant 0 : index
    %get3A_877 = vector.load %arg39[%get3A_875, %get3A_876] : memref<693x128xf32, #tpu.memory_space<vmem>>, vector<693x128xf32>
    %convert_element_type3A_878 = arith.truncf %add3A_771 : vector<1x693xf32> to vector<1x693xbf16>
    %convert_element_type3A_879 = arith.truncf %get3A_877 : vector<693x128xf32> to vector<693x128xbf16>
    %dot_general3A_880 = arith.constant dense<0.000000e+00> : vector<1x128xf32>
    %dot_general3A_881 = tpu.matmul %convert_element_type3A_878, %convert_element_type3A_879, %dot_general3A_880 {dimension_numbers = #tpu.dot_dimension_numbers<[1], [0], [0], [1], [0, 0, 1, 1], [], []>, transpose_lhs_hint = false} : vector<1x693xbf16>, vector<693x128xbf16>, vector<1x128xf32> -> vector<1x128xf32>
    %get3A_882 = arith.constant 0 : index
    %get3A_883 = arith.constant 0 : index
    %get3A_884 = vector.load %arg37[%get3A_882, %get3A_883] : memref<128x128xf32, #tpu.memory_space<vmem>>, vector<128x128xf32>
    %convert_element_type3A_885 = arith.truncf %dot_general3A_871 : vector<100x128xf32> to vector<100x128xbf16>
    %convert_element_type3A_886 = arith.truncf %get3A_884 : vector<128x128xf32> to vector<128x128xbf16>
    %dot_general3A_887 = arith.constant dense<0.000000e+00> : vector<100x128xf32>
    %dot_general3A_888 = tpu.matmul %convert_element_type3A_885, %convert_element_type3A_886, %dot_general3A_887 {dimension_numbers = #tpu.dot_dimension_numbers<[1], [0], [0], [1], [0, 0, 1, 1], [], []>, transpose_lhs_hint = false} : vector<100x128xbf16>, vector<128x128xbf16>, vector<100x128xf32> -> vector<100x128xf32>
    %get3A_889 = arith.constant 0 : index
    %get3A_890 = arith.constant 0 : index
    %get3A_891 = vector.load %arg38[%get3A_889, %get3A_890] : memref<128x128xf32, #tpu.memory_space<vmem>>, vector<128x128xf32>
    %convert_element_type3A_892 = arith.truncf %add3A_701 : vector<100x128xf32> to vector<100x128xbf16>
    %convert_element_type3A_893 = arith.truncf %get3A_891 : vector<128x128xf32> to vector<128x128xbf16>
    %dot_general3A_894 = arith.constant dense<0.000000e+00> : vector<100x128xf32>
    %dot_general3A_895 = tpu.matmul %convert_element_type3A_892, %convert_element_type3A_893, %dot_general3A_894 {dimension_numbers = #tpu.dot_dimension_numbers<[1], [0], [0], [1], [0, 0, 1, 1], [], []>, transpose_lhs_hint = false} : vector<100x128xbf16>, vector<128x128xbf16>, vector<100x128xf32> -> vector<100x128xf32>
    %add3A_896 = arith.addf %dot_general3A_888, %dot_general3A_895 : vector<100x128xf32>
    %add3A_897 = vector.broadcast %dot_general3A_881 : vector<1x128xf32> to vector<100x128xf32>
    %add3A_898 = arith.addf %add3A_896, %add3A_897 : vector<100x128xf32>
    %get3A_899 = arith.constant 0 : index
    %get3A_900 = arith.constant 0 : index
    %get3A_901 = vector.load %arg40[%get3A_899, %get3A_900] : memref<1x128xf32, #tpu.memory_space<vmem>>, vector<1x128xf32>
    %add3A_902 = vector.broadcast %get3A_901 : vector<1x128xf32> to vector<100x128xf32>
    %add3A_903 = arith.addf %add3A_898, %add3A_902 : vector<100x128xf32>
    %max3A_904 = arith.constant 0.000000e+00 : f32
    %max3A_905 = vector.broadcast %max3A_904 : f32 to vector<100x128xf32>
    %max3A_906 = arith.maximumf %add3A_903, %max3A_905 : vector<100x128xf32>
    %get3A_907 = arith.constant 0 : index
    %get3A_908 = arith.constant 0 : index
    %get3A_909 = vector.load %arg41[%get3A_907, %get3A_908] : memref<128x128xf32, #tpu.memory_space<vmem>>, vector<128x128xf32>
    %convert_element_type3A_910 = arith.truncf %max3A_906 : vector<100x128xf32> to vector<100x128xbf16>
    %convert_element_type3A_911 = arith.truncf %get3A_909 : vector<128x128xf32> to vector<128x128xbf16>
    %dot_general3A_912 = arith.constant dense<0.000000e+00> : vector<100x128xf32>
    %dot_general3A_913 = tpu.matmul %convert_element_type3A_910, %convert_element_type3A_911, %dot_general3A_912 {dimension_numbers = #tpu.dot_dimension_numbers<[1], [0], [0], [1], [0, 0, 1, 1], [], []>, transpose_lhs_hint = false} : vector<100x128xbf16>, vector<128x128xbf16>, vector<100x128xf32> -> vector<100x128xf32>
    %get3A_914 = arith.constant 0 : index
    %get3A_915 = arith.constant 0 : index
    %get3A_916 = vector.load %arg42[%get3A_914, %get3A_915] : memref<1x128xf32, #tpu.memory_space<vmem>>, vector<1x128xf32>
    %add3A_917 = vector.broadcast %get3A_916 : vector<1x128xf32> to vector<100x128xf32>
    %add3A_918 = arith.addf %dot_general3A_913, %add3A_917 : vector<100x128xf32>
    %max3A_919 = arith.constant 0.000000e+00 : f32
    %max3A_920 = vector.broadcast %max3A_919 : f32 to vector<100x128xf32>
    %max3A_921 = arith.maximumf %add3A_918, %max3A_920 : vector<100x128xf32>
    %get3A_922 = arith.constant 0 : index
    %get3A_923 = arith.constant 0 : index
    %get3A_924 = vector.load %arg43[%get3A_922, %get3A_923] : memref<1x128xf32, #tpu.memory_space<vmem>>, vector<1x128xf32>
    %get3A_925 = arith.constant 0 : index
    %get3A_926 = arith.constant 0 : index
    %get3A_927 = vector.load %arg44[%get3A_925, %get3A_926] : memref<1x128xf32, #tpu.memory_space<vmem>>, vector<1x128xf32>
    %reduce_sum3A_928 = arith.constant dense<0.000000e+00> : vector<100xf32>
    %reduce_sum3A_929 = vector.multi_reduction <add>, %max3A_921, %reduce_sum3A_928 [1] : vector<100x128xf32> to vector<100xf32>
    %broadcast_in_dim3A_930 = vector.shape_cast %reduce_sum3A_929 : vector<100xf32> to vector<100x1xf32>
    %div3A_931 = arith.constant 1.280000e+02 : f32
    %div3A_932 = vector.broadcast %div3A_931 : f32 to vector<100x1xf32>
    %div3A_933 = arith.divf %broadcast_in_dim3A_930, %div3A_932 : vector<100x1xf32>
    %mul3A_934 = arith.mulf %max3A_921, %max3A_921 : vector<100x128xf32>
    %reduce_sum3A_935 = arith.constant dense<0.000000e+00> : vector<100xf32>
    %reduce_sum3A_936 = vector.multi_reduction <add>, %mul3A_934, %reduce_sum3A_935 [1] : vector<100x128xf32> to vector<100xf32>
    %broadcast_in_dim3A_937 = vector.shape_cast %reduce_sum3A_936 : vector<100xf32> to vector<100x1xf32>
    %div3A_938 = arith.constant 1.280000e+02 : f32
    %div3A_939 = vector.broadcast %div3A_938 : f32 to vector<100x1xf32>
    %div3A_940 = arith.divf %broadcast_in_dim3A_937, %div3A_939 : vector<100x1xf32>
    %mul3A_941 = arith.mulf %div3A_933, %div3A_933 : vector<100x1xf32>
    %sub3A_942 = arith.subf %div3A_940, %mul3A_941 : vector<100x1xf32>
    %sub3A_943 = vector.broadcast %div3A_933 : vector<100x1xf32> to vector<100x128xf32>
    %sub3A_944 = arith.subf %max3A_921, %sub3A_943 : vector<100x128xf32>
    %add3A_945 = arith.constant 9.99999974E-6 : f32
    %add3A_946 = vector.broadcast %add3A_945 : f32 to vector<100x1xf32>
    %add3A_947 = arith.addf %sub3A_942, %add3A_946 : vector<100x1xf32>
    %rsqrt3A_948 = math.rsqrt %add3A_947 : vector<100x1xf32>
    %mul3A_949 = vector.broadcast %rsqrt3A_948 : vector<100x1xf32> to vector<100x128xf32>
    %mul3A_950 = arith.mulf %sub3A_944, %mul3A_949 : vector<100x128xf32>
    %mul3A_951 = vector.broadcast %get3A_924 : vector<1x128xf32> to vector<100x128xf32>
    %mul3A_952 = arith.mulf %mul3A_950, %mul3A_951 : vector<100x128xf32>
    %add3A_953 = vector.broadcast %get3A_927 : vector<1x128xf32> to vector<100x128xf32>
    %add3A_954 = arith.addf %mul3A_952, %add3A_953 : vector<100x128xf32>
    %reduce_sum3A_955 = arith.constant dense<0.000000e+00> : vector<128xf32>
    %reduce_sum3A_956 = vector.multi_reduction <add>, %add3A_954, %reduce_sum3A_955 [0] : vector<100x128xf32> to vector<128xf32>
    %broadcast_in_dim3A_957 = vector.shape_cast %reduce_sum3A_956 : vector<128xf32> to vector<1x128xf32>
    %get3A_958 = arith.constant 0 : index
    %get3A_959 = arith.constant 0 : index
    %get3A_960 = vector.load %arg45[%get3A_958, %get3A_959] : memref<128x693xf32, #tpu.memory_space<vmem>>, vector<128x693xf32>
    %convert_element_type3A_961 = arith.truncf %broadcast_in_dim3A_874 : vector<1x128xf32> to vector<1x128xbf16>
    %convert_element_type3A_962 = arith.truncf %get3A_960 : vector<128x693xf32> to vector<128x693xbf16>
    %dot_general3A_963 = arith.constant dense<0.000000e+00> : vector<1x693xf32>
    %dot_general3A_964 = tpu.matmul %convert_element_type3A_961, %convert_element_type3A_962, %dot_general3A_963 {dimension_numbers = #tpu.dot_dimension_numbers<[1], [0], [0], [1], [0, 0, 1, 1], [], []>, transpose_lhs_hint = false} : vector<1x128xbf16>, vector<128x693xbf16>, vector<1x693xf32> -> vector<1x693xf32>
    %get3A_965 = arith.constant 0 : index
    %get3A_966 = arith.constant 0 : index
    %get3A_967 = vector.load %arg46[%get3A_965, %get3A_966] : memref<128x693xf32, #tpu.memory_space<vmem>>, vector<128x693xf32>
    %convert_element_type3A_968 = arith.truncf %broadcast_in_dim3A_957 : vector<1x128xf32> to vector<1x128xbf16>
    %convert_element_type3A_969 = arith.truncf %get3A_967 : vector<128x693xf32> to vector<128x693xbf16>
    %dot_general3A_970 = arith.constant dense<0.000000e+00> : vector<1x693xf32>
    %dot_general3A_971 = tpu.matmul %convert_element_type3A_968, %convert_element_type3A_969, %dot_general3A_970 {dimension_numbers = #tpu.dot_dimension_numbers<[1], [0], [0], [1], [0, 0, 1, 1], [], []>, transpose_lhs_hint = false} : vector<1x128xbf16>, vector<128x693xbf16>, vector<1x693xf32> -> vector<1x693xf32>
    %add3A_972 = arith.addf %dot_general3A_964, %dot_general3A_971 : vector<1x693xf32>
    %get3A_973 = arith.constant 0 : index
    %get3A_974 = arith.constant 0 : index
    %get3A_975 = vector.load %arg47[%get3A_973, %get3A_974] : memref<693x693xf32, #tpu.memory_space<vmem>>, vector<693x693xf32>
    %convert_element_type3A_976 = arith.truncf %add3A_771 : vector<1x693xf32> to vector<1x693xbf16>
    %convert_element_type3A_977 = arith.truncf %get3A_975 : vector<693x693xf32> to vector<693x693xbf16>
    %dot_general3A_978 = arith.constant dense<0.000000e+00> : vector<1x693xf32>
    %dot_general3A_979 = tpu.matmul %convert_element_type3A_976, %convert_element_type3A_977, %dot_general3A_978 {dimension_numbers = #tpu.dot_dimension_numbers<[1], [0], [0], [1], [0, 0, 1, 1], [], []>, transpose_lhs_hint = false} : vector<1x693xbf16>, vector<693x693xbf16>, vector<1x693xf32> -> vector<1x693xf32>
    %add3A_980 = arith.addf %add3A_972, %dot_general3A_979 : vector<1x693xf32>
    %get3A_981 = arith.constant 0 : index
    %get3A_982 = arith.constant 0 : index
    %get3A_983 = vector.load %arg48[%get3A_981, %get3A_982] : memref<1x693xf32, #tpu.memory_space<vmem>>, vector<1x693xf32>
    %add3A_984 = arith.addf %add3A_980, %get3A_983 : vector<1x693xf32>
    %max3A_985 = arith.constant 0.000000e+00 : f32
    %max3A_986 = vector.broadcast %max3A_985 : f32 to vector<1x693xf32>
    %max3A_987 = arith.maximumf %add3A_984, %max3A_986 : vector<1x693xf32>
    %get3A_988 = arith.constant 0 : index
    %get3A_989 = arith.constant 0 : index
    %get3A_990 = vector.load %arg49[%get3A_988, %get3A_989] : memref<693x693xf32, #tpu.memory_space<vmem>>, vector<693x693xf32>
    %convert_element_type3A_991 = arith.truncf %max3A_987 : vector<1x693xf32> to vector<1x693xbf16>
    %convert_element_type3A_992 = arith.truncf %get3A_990 : vector<693x693xf32> to vector<693x693xbf16>
    %dot_general3A_993 = arith.constant dense<0.000000e+00> : vector<1x693xf32>
    %dot_general3A_994 = tpu.matmul %convert_element_type3A_991, %convert_element_type3A_992, %dot_general3A_993 {dimension_numbers = #tpu.dot_dimension_numbers<[1], [0], [0], [1], [0, 0, 1, 1], [], []>, transpose_lhs_hint = false} : vector<1x693xbf16>, vector<693x693xbf16>, vector<1x693xf32> -> vector<1x693xf32>
    %get3A_995 = arith.constant 0 : index
    %get3A_996 = arith.constant 0 : index
    %get3A_997 = vector.load %arg50[%get3A_995, %get3A_996] : memref<1x693xf32, #tpu.memory_space<vmem>>, vector<1x693xf32>
    %add3A_998 = arith.addf %dot_general3A_994, %get3A_997 : vector<1x693xf32>
    %max3A_999 = arith.constant 0.000000e+00 : f32
    %max3A_1000 = vector.broadcast %max3A_999 : f32 to vector<1x693xf32>
    %max3A_1001 = arith.maximumf %add3A_998, %max3A_1000 : vector<1x693xf32>
    %get3A_1002 = arith.constant 0 : index
    %get3A_1003 = arith.constant 0 : index
    %get3A_1004 = vector.load %arg51[%get3A_1002, %get3A_1003] : memref<1x693xf32, #tpu.memory_space<vmem>>, vector<1x693xf32>
    %get3A_1005 = arith.constant 0 : index
    %get3A_1006 = arith.constant 0 : index
    %get3A_1007 = vector.load %arg52[%get3A_1005, %get3A_1006] : memref<1x693xf32, #tpu.memory_space<vmem>>, vector<1x693xf32>
    %reduce_sum3A_1008 = arith.constant dense<0.000000e+00> : vector<1xf32>
    %reduce_sum3A_1009 = vector.multi_reduction <add>, %max3A_1001, %reduce_sum3A_1008 [1] : vector<1x693xf32> to vector<1xf32>
    %broadcast_in_dim3A_1010 = vector.shape_cast %reduce_sum3A_1009 : vector<1xf32> to vector<1x1xf32>
    %div3A_1011 = arith.constant 6.930000e+02 : f32
    %div3A_1012 = vector.broadcast %div3A_1011 : f32 to vector<1x1xf32>
    %div3A_1013 = arith.divf %broadcast_in_dim3A_1010, %div3A_1012 : vector<1x1xf32>
    %mul3A_1014 = arith.mulf %max3A_1001, %max3A_1001 : vector<1x693xf32>
    %reduce_sum3A_1015 = arith.constant dense<0.000000e+00> : vector<1xf32>
    %reduce_sum3A_1016 = vector.multi_reduction <add>, %mul3A_1014, %reduce_sum3A_1015 [1] : vector<1x693xf32> to vector<1xf32>
    %broadcast_in_dim3A_1017 = vector.shape_cast %reduce_sum3A_1016 : vector<1xf32> to vector<1x1xf32>
    %div3A_1018 = arith.constant 6.930000e+02 : f32
    %div3A_1019 = vector.broadcast %div3A_1018 : f32 to vector<1x1xf32>
    %div3A_1020 = arith.divf %broadcast_in_dim3A_1017, %div3A_1019 : vector<1x1xf32>
    %mul3A_1021 = arith.mulf %div3A_1013, %div3A_1013 : vector<1x1xf32>
    %sub3A_1022 = arith.subf %div3A_1020, %mul3A_1021 : vector<1x1xf32>
    %sub3A_1023 = vector.broadcast %div3A_1013 : vector<1x1xf32> to vector<1x693xf32>
    %sub3A_1024 = arith.subf %max3A_1001, %sub3A_1023 : vector<1x693xf32>
    %add3A_1025 = arith.constant 9.99999974E-6 : f32
    %add3A_1026 = vector.broadcast %add3A_1025 : f32 to vector<1x1xf32>
    %add3A_1027 = arith.addf %sub3A_1022, %add3A_1026 : vector<1x1xf32>
    %rsqrt3A_1028 = math.rsqrt %add3A_1027 : vector<1x1xf32>
    %mul3A_1029 = vector.broadcast %rsqrt3A_1028 : vector<1x1xf32> to vector<1x693xf32>
    %mul3A_1030 = arith.mulf %sub3A_1024, %mul3A_1029 : vector<1x693xf32>
    %mul3A_1031 = arith.mulf %mul3A_1030, %get3A_1004 : vector<1x693xf32>
    %add3A_1032 = arith.addf %mul3A_1031, %get3A_1007 : vector<1x693xf32>
    %iota3A_1033 = tpu.iota {dimensions = array<i32: 1>} : vector<1600x128xi32>
    %eq3A_1034 = arith.constant 0 : i32
    %eq3A_1035 = vector.broadcast %eq3A_1034 : i32 to vector<1600x128xi32>
    %eq3A_1036 = arith.cmpi eq, %iota3A_1033, %eq3A_1035 : vector<1600x128xi32>
    %logistic3A_1037 = arith.negf %add3A_867 : vector<1600x128xf32>
    %logistic3A_1038 = math.exp %logistic3A_1037 : vector<1600x128xf32>
    %logistic3A_1039 = arith.constant 1.000000e+00 : f32
    %logistic3A_1040 = vector.broadcast %logistic3A_1039 : f32 to vector<1600x128xf32>
    %logistic3A_1041 = arith.addf %logistic3A_1040, %logistic3A_1038 : vector<1600x128xf32>
    %logistic3A_1042 = arith.divf %logistic3A_1040, %logistic3A_1041 : vector<1600x128xf32>
    %select_n3A_1043 = arith.select %eq3A_1036, %logistic3A_1042, %add3A_867 : vector<1600x128xi1>, vector<1600x128xf32>
    %swap3A_1044 = arith.constant 100 : index
    %swap3A_1045 = arith.constant 0 : index
    %swap3A_1046 = vector.load %arg53[%swap3A_1044, %swap3A_1045] : memref<400x128xf32, #tpu.memory_space<vmem>>, vector<100x128xf32>
    tpu.vector_store %arg53[%swap3A_1044, %swap3A_1045], %add3A_954 {strides = array<i32>} : memref<400x128xf32, #tpu.memory_space<vmem>>, vector<100x128xf32>,
    %swap3A_1047 = arith.constant 1600 : index
    %swap3A_1048 = arith.constant 0 : index
    %swap3A_1049 = vector.load %arg54[%swap3A_1047, %swap3A_1048] : memref<6400x128xf32, #tpu.memory_space<vmem>>, vector<1600x128xf32>
    tpu.vector_store %arg54[%swap3A_1047, %swap3A_1048], %select_n3A_1043 {strides = array<i32>} : memref<6400x128xf32, #tpu.memory_space<vmem>>, vector<1600x128xf32>,
    %swap3A_1050 = arith.constant 1 : index
    %swap3A_1051 = arith.constant 0 : index
    %swap3A_1052 = arith.constant 0 : index
    %swap3A_1053 = vector.load %arg55[%swap3A_1050, %swap3A_1051, %swap3A_1052] : memref<4x1x693xf32, #tpu.memory_space<vmem>>, vector<1x1x693xf32>
    %swap3A_1054 = vector.shape_cast %swap3A_1053 : vector<1x1x693xf32> to vector<1x693xf32>
    %swap3A_1055 = vector.shape_cast %add3A_1032 : vector<1x693xf32> to vector<1x1x693xf32>
    tpu.vector_store %arg55[%swap3A_1050, %swap3A_1051, %swap3A_1052], %swap3A_1055 {strides = array<i32>} : memref<4x1x693xf32, #tpu.memory_space<vmem>>, vector<1x1x693xf32>,
    %get3A_1056 = arith.constant 200 : index
    %get3A_1057 = arith.constant 0 : index
    %get3A_1058 = vector.load %arg1[%get3A_1056, %get3A_1057] : memref<400x128xf32, #tpu.memory_space<vmem>>, vector<100x128xf32>
    %get3A_1059 = arith.constant 0 : index
    %get3A_1060 = arith.constant 3200 : index
    %get3A_1061 = vector.load %arg2[%get3A_1059, %get3A_1060] : memref<16x6400xf32, #tpu.memory_space<vmem>>, vector<16x1600xf32>
    %get3A_1062 = arith.constant 2 : index
    %get3A_1063 = arith.constant 0 : index
    %get3A_1064 = arith.constant 0 : index
    %get3A_1065 = vector.load %arg3[%get3A_1062, %get3A_1063, %get3A_1064] : memref<4x1x1600xi32, #tpu.memory_space<vmem>>, vector<1x1x1600xi32>
    %get3A_1066 = vector.shape_cast %get3A_1065 : vector<1x1x1600xi32> to vector<1x1600xi32>
    %get3A_1067 = arith.constant 2 : index
    %get3A_1068 = arith.constant 0 : index
    %get3A_1069 = arith.constant 0 : index
    %get3A_1070 = vector.load %arg4[%get3A_1067, %get3A_1068, %get3A_1069] : memref<4x1x1600xi32, #tpu.memory_space<vmem>>, vector<1x1x1600xi32>
    %get3A_1071 = vector.shape_cast %get3A_1070 : vector<1x1x1600xi32> to vector<1x1600xi32>
    %iota3A_1072 = tpu.iota {dimensions = array<i32: 0>} : vector<100x1600xi32>
    %eq3A_1073 = vector.broadcast %get3A_1066 : vector<1x1600xi32> to vector<100x1600xi32>
    %eq3A_1074 = arith.cmpi eq, %iota3A_1072, %eq3A_1073 : vector<100x1600xi32>
    %convert_element_type3A_1075 = arith.extui %eq3A_1074 : vector<100x1600xi1> to vector<100x1600xi32>
    %convert_element_type3A_1076 = arith.sitofp %convert_element_type3A_1075 : vector<100x1600xi32> to vector<100x1600xf32>
    %eq3A_1077 = vector.broadcast %get3A_1071 : vector<1x1600xi32> to vector<100x1600xi32>
    %eq3A_1078 = arith.cmpi eq, %iota3A_1072, %eq3A_1077 : vector<100x1600xi32>
    %convert_element_type3A_1079 = arith.extui %eq3A_1078 : vector<100x1600xi1> to vector<100x1600xi32>
    %convert_element_type3A_1080 = arith.sitofp %convert_element_type3A_1079 : vector<100x1600xi32> to vector<100x1600xf32>
    %get3A_1081 = arith.constant 3200 : index
    %get3A_1082 = arith.constant 0 : index
    %get3A_1083 = vector.load %arg5[%get3A_1081, %get3A_1082] : memref<6400x128xf32, #tpu.memory_space<vmem>>, vector<1600x128xf32>
    %get3A_1084 = arith.constant 0 : index
    %get3A_1085 = arith.constant 0 : index
    %get3A_1086 = vector.load %arg8[%get3A_1084, %get3A_1085] : memref<128x128xf32, #tpu.memory_space<vmem>>, vector<128x128xf32>
    %convert_element_type3A_1087 = arith.truncf %get3A_1058 : vector<100x128xf32> to vector<100x128xbf16>
    %convert_element_type3A_1088 = arith.truncf %get3A_1086 : vector<128x128xf32> to vector<128x128xbf16>
    %dot_general3A_1089 = arith.constant dense<0.000000e+00> : vector<100x128xf32>
    %dot_general3A_1090 = tpu.matmul %convert_element_type3A_1087, %convert_element_type3A_1088, %dot_general3A_1089 {dimension_numbers = #tpu.dot_dimension_numbers<[1], [0], [0], [1], [0, 0, 1, 1], [], []>, transpose_lhs_hint = false} : vector<100x128xbf16>, vector<128x128xbf16>, vector<100x128xf32> -> vector<100x128xf32>
    %get3A_1091 = arith.constant 0 : index
    %get3A_1092 = arith.constant 0 : index
    %get3A_1093 = vector.load %arg6[%get3A_1091, %get3A_1092] : memref<16x128xf32, #tpu.memory_space<vmem>>, vector<16x128xf32>
    %convert_element_type3A_1094 = arith.truncf %get3A_1061 : vector<16x1600xf32> to vector<16x1600xbf16>
    %convert_element_type3A_1095 = arith.truncf %get3A_1093 : vector<16x128xf32> to vector<16x128xbf16>
    %dot_general3A_1096 = arith.constant dense<0.000000e+00> : vector<1600x128xf32>
    %dot_general3A_1097 = tpu.matmul %convert_element_type3A_1094, %convert_element_type3A_1095, %dot_general3A_1096 {dimension_numbers = #tpu.dot_dimension_numbers<[0], [0], [1], [1], [0, 1, 1, 1], [], []>, transpose_lhs_hint = false} : vector<16x1600xbf16>, vector<16x128xbf16>, vector<1600x128xf32> -> vector<1600x128xf32>
    %add3A_1098 = arith.addf %dot_general3A_1097, %get3A_1083 : vector<1600x128xf32>
    %convert_element_type3A_1099 = arith.truncf %convert_element_type3A_1080 : vector<100x1600xf32> to vector<100x1600xbf16>
    %convert_element_type3A_1100 = arith.truncf %dot_general3A_1090 : vector<100x128xf32> to vector<100x128xbf16>
    %dot_general3A_1101 = arith.constant dense<0.000000e+00> : vector<1600x128xf32>
    %dot_general3A_1102 = tpu.matmul %convert_element_type3A_1099, %convert_element_type3A_1100, %dot_general3A_1101 {dimension_numbers = #tpu.dot_dimension_numbers<[0], [0], [1], [1], [0, 1, 1, 1], [], []>, transpose_lhs_hint = false} : vector<100x1600xbf16>, vector<100x128xbf16>, vector<1600x128xf32> -> vector<1600x128xf32>
    %add3A_1103 = arith.addf %add3A_1098, %dot_general3A_1102 : vector<1600x128xf32>
    %get3A_1104 = arith.constant 0 : index
    %get3A_1105 = arith.constant 0 : index
    %get3A_1106 = vector.load %arg9[%get3A_1104, %get3A_1105] : memref<1x128xf32, #tpu.memory_space<vmem>>, vector<1x128xf32>
    %add3A_1107 = vector.broadcast %get3A_1106 : vector<1x128xf32> to vector<1600x128xf32>
    %add3A_1108 = arith.addf %add3A_1103, %add3A_1107 : vector<1600x128xf32>
    %max3A_1109 = arith.constant 0.000000e+00 : f32
    %max3A_1110 = vector.broadcast %max3A_1109 : f32 to vector<1600x128xf32>
    %max3A_1111 = arith.maximumf %add3A_1108, %max3A_1110 : vector<1600x128xf32>
    %get3A_1112 = arith.constant 0 : index
    %get3A_1113 = arith.constant 0 : index
    %get3A_1114 = vector.load %arg10[%get3A_1112, %get3A_1113] : memref<128x128xf32, #tpu.memory_space<vmem>>, vector<128x128xf32>
    %convert_element_type3A_1115 = arith.truncf %max3A_1111 : vector<1600x128xf32> to vector<1600x128xbf16>
    %convert_element_type3A_1116 = arith.truncf %get3A_1114 : vector<128x128xf32> to vector<128x128xbf16>
    %dot_general3A_1117 = arith.constant dense<0.000000e+00> : vector<1600x128xf32>
    %dot_general3A_1118 = tpu.matmul %convert_element_type3A_1115, %convert_element_type3A_1116, %dot_general3A_1117 {dimension_numbers = #tpu.dot_dimension_numbers<[1], [0], [0], [1], [0, 0, 1, 1], [], []>, transpose_lhs_hint = false} : vector<1600x128xbf16>, vector<128x128xbf16>, vector<1600x128xf32> -> vector<1600x128xf32>
    %get3A_1119 = arith.constant 0 : index
    %get3A_1120 = arith.constant 0 : index
    %get3A_1121 = vector.load %arg11[%get3A_1119, %get3A_1120] : memref<1x128xf32, #tpu.memory_space<vmem>>, vector<1x128xf32>
    %add3A_1122 = vector.broadcast %get3A_1121 : vector<1x128xf32> to vector<1600x128xf32>
    %add3A_1123 = arith.addf %dot_general3A_1118, %add3A_1122 : vector<1600x128xf32>
    %max3A_1124 = arith.constant 0.000000e+00 : f32
    %max3A_1125 = vector.broadcast %max3A_1124 : f32 to vector<1600x128xf32>
    %max3A_1126 = arith.maximumf %add3A_1123, %max3A_1125 : vector<1600x128xf32>
    %get3A_1127 = arith.constant 0 : index
    %get3A_1128 = arith.constant 0 : index
    %get3A_1129 = vector.load %arg12[%get3A_1127, %get3A_1128] : memref<1x128xf32, #tpu.memory_space<vmem>>, vector<1x128xf32>
    %get3A_1130 = arith.constant 0 : index
    %get3A_1131 = arith.constant 0 : index
    %get3A_1132 = vector.load %arg13[%get3A_1130, %get3A_1131] : memref<1x128xf32, #tpu.memory_space<vmem>>, vector<1x128xf32>
    %reduce_sum3A_1133 = arith.constant dense<0.000000e+00> : vector<1600xf32>
    %reduce_sum3A_1134 = vector.multi_reduction <add>, %max3A_1126, %reduce_sum3A_1133 [1] : vector<1600x128xf32> to vector<1600xf32>
    %broadcast_in_dim3A_1135 = vector.shape_cast %reduce_sum3A_1134 : vector<1600xf32> to vector<1600x1xf32>
    %div3A_1136 = arith.constant 1.280000e+02 : f32
    %div3A_1137 = vector.broadcast %div3A_1136 : f32 to vector<1600x1xf32>
    %div3A_1138 = arith.divf %broadcast_in_dim3A_1135, %div3A_1137 : vector<1600x1xf32>
    %mul3A_1139 = arith.mulf %max3A_1126, %max3A_1126 : vector<1600x128xf32>
    %reduce_sum3A_1140 = arith.constant dense<0.000000e+00> : vector<1600xf32>
    %reduce_sum3A_1141 = vector.multi_reduction <add>, %mul3A_1139, %reduce_sum3A_1140 [1] : vector<1600x128xf32> to vector<1600xf32>
    %broadcast_in_dim3A_1142 = vector.shape_cast %reduce_sum3A_1141 : vector<1600xf32> to vector<1600x1xf32>
    %div3A_1143 = arith.constant 1.280000e+02 : f32
    %div3A_1144 = vector.broadcast %div3A_1143 : f32 to vector<1600x1xf32>
    %div3A_1145 = arith.divf %broadcast_in_dim3A_1142, %div3A_1144 : vector<1600x1xf32>
    %mul3A_1146 = arith.mulf %div3A_1138, %div3A_1138 : vector<1600x1xf32>
    %sub3A_1147 = arith.subf %div3A_1145, %mul3A_1146 : vector<1600x1xf32>
    %sub3A_1148 = vector.broadcast %div3A_1138 : vector<1600x1xf32> to vector<1600x128xf32>
    %sub3A_1149 = arith.subf %max3A_1126, %sub3A_1148 : vector<1600x128xf32>
    %add3A_1150 = arith.constant 9.99999974E-6 : f32
    %add3A_1151 = vector.broadcast %add3A_1150 : f32 to vector<1600x1xf32>
    %add3A_1152 = arith.addf %sub3A_1147, %add3A_1151 : vector<1600x1xf32>
    %rsqrt3A_1153 = math.rsqrt %add3A_1152 : vector<1600x1xf32>
    %mul3A_1154 = vector.broadcast %rsqrt3A_1153 : vector<1600x1xf32> to vector<1600x128xf32>
    %mul3A_1155 = arith.mulf %sub3A_1149, %mul3A_1154 : vector<1600x128xf32>
    %mul3A_1156 = vector.broadcast %get3A_1129 : vector<1x128xf32> to vector<1600x128xf32>
    %mul3A_1157 = arith.mulf %mul3A_1155, %mul3A_1156 : vector<1600x128xf32>
    %add3A_1158 = vector.broadcast %get3A_1132 : vector<1x128xf32> to vector<1600x128xf32>
    %add3A_1159 = arith.addf %mul3A_1157, %add3A_1158 : vector<1600x128xf32>
    %convert_element_type3A_1160 = arith.truncf %convert_element_type3A_1076 : vector<100x1600xf32> to vector<100x1600xbf16>
    %convert_element_type3A_1161 = arith.truncf %add3A_1159 : vector<1600x128xf32> to vector<1600x128xbf16>
    %dot_general3A_1162 = arith.constant dense<0.000000e+00> : vector<100x128xf32>
    %dot_general3A_1163 = tpu.matmul %convert_element_type3A_1160, %convert_element_type3A_1161, %dot_general3A_1162 {dimension_numbers = #tpu.dot_dimension_numbers<[1], [0], [0], [1], [0, 0, 1, 1], [], []>, transpose_lhs_hint = false} : vector<100x1600xbf16>, vector<1600x128xbf16>, vector<100x128xf32> -> vector<100x128xf32>
    %reduce_sum3A_1164 = arith.constant dense<0.000000e+00> : vector<128xf32>
    %reduce_sum3A_1165 = vector.multi_reduction <add>, %add3A_1159, %reduce_sum3A_1164 [0] : vector<1600x128xf32> to vector<128xf32>
    %broadcast_in_dim3A_1166 = vector.shape_cast %reduce_sum3A_1165 : vector<128xf32> to vector<1x128xf32>
    %get3A_1167 = arith.constant 0 : index
    %get3A_1168 = arith.constant 0 : index
    %get3A_1169 = vector.load %arg14[%get3A_1167, %get3A_1168] : memref<128x128xf32, #tpu.memory_space<vmem>>, vector<128x128xf32>
    %convert_element_type3A_1170 = arith.truncf %dot_general3A_1163 : vector<100x128xf32> to vector<100x128xbf16>
    %convert_element_type3A_1171 = arith.truncf %get3A_1169 : vector<128x128xf32> to vector<128x128xbf16>
    %dot_general3A_1172 = arith.constant dense<0.000000e+00> : vector<100x128xf32>
    %dot_general3A_1173 = tpu.matmul %convert_element_type3A_1170, %convert_element_type3A_1171, %dot_general3A_1172 {dimension_numbers = #tpu.dot_dimension_numbers<[1], [0], [0], [1], [0, 0, 1, 1], [], []>, transpose_lhs_hint = false} : vector<100x128xbf16>, vector<128x128xbf16>, vector<100x128xf32> -> vector<100x128xf32>
    %get3A_1174 = arith.constant 0 : index
    %get3A_1175 = arith.constant 0 : index
    %get3A_1176 = vector.load %arg15[%get3A_1174, %get3A_1175] : memref<128x128xf32, #tpu.memory_space<vmem>>, vector<128x128xf32>
    %convert_element_type3A_1177 = arith.truncf %get3A_1058 : vector<100x128xf32> to vector<100x128xbf16>
    %convert_element_type3A_1178 = arith.truncf %get3A_1176 : vector<128x128xf32> to vector<128x128xbf16>
    %dot_general3A_1179 = arith.constant dense<0.000000e+00> : vector<100x128xf32>
    %dot_general3A_1180 = tpu.matmul %convert_element_type3A_1177, %convert_element_type3A_1178, %dot_general3A_1179 {dimension_numbers = #tpu.dot_dimension_numbers<[1], [0], [0], [1], [0, 0, 1, 1], [], []>, transpose_lhs_hint = false} : vector<100x128xbf16>, vector<128x128xbf16>, vector<100x128xf32> -> vector<100x128xf32>
    %add3A_1181 = arith.addf %dot_general3A_1173, %dot_general3A_1180 : vector<100x128xf32>
    %get3A_1182 = arith.constant 0 : index
    %get3A_1183 = arith.constant 0 : index
    %get3A_1184 = vector.load %arg16[%get3A_1182, %get3A_1183] : memref<1x128xf32, #tpu.memory_space<vmem>>, vector<1x128xf32>
    %add3A_1185 = vector.broadcast %get3A_1184 : vector<1x128xf32> to vector<100x128xf32>
    %add3A_1186 = arith.addf %add3A_1181, %add3A_1185 : vector<100x128xf32>
    %max3A_1187 = arith.constant 0.000000e+00 : f32
    %max3A_1188 = vector.broadcast %max3A_1187 : f32 to vector<100x128xf32>
    %max3A_1189 = arith.maximumf %add3A_1186, %max3A_1188 : vector<100x128xf32>
    %get3A_1190 = arith.constant 0 : index
    %get3A_1191 = arith.constant 0 : index
    %get3A_1192 = vector.load %arg17[%get3A_1190, %get3A_1191] : memref<128x128xf32, #tpu.memory_space<vmem>>, vector<128x128xf32>
    %convert_element_type3A_1193 = arith.truncf %max3A_1189 : vector<100x128xf32> to vector<100x128xbf16>
    %convert_element_type3A_1194 = arith.truncf %get3A_1192 : vector<128x128xf32> to vector<128x128xbf16>
    %dot_general3A_1195 = arith.constant dense<0.000000e+00> : vector<100x128xf32>
    %dot_general3A_1196 = tpu.matmul %convert_element_type3A_1193, %convert_element_type3A_1194, %dot_general3A_1195 {dimension_numbers = #tpu.dot_dimension_numbers<[1], [0], [0], [1], [0, 0, 1, 1], [], []>, transpose_lhs_hint = false} : vector<100x128xbf16>, vector<128x128xbf16>, vector<100x128xf32> -> vector<100x128xf32>
    %get3A_1197 = arith.constant 0 : index
    %get3A_1198 = arith.constant 0 : index
    %get3A_1199 = vector.load %arg18[%get3A_1197, %get3A_1198] : memref<1x128xf32, #tpu.memory_space<vmem>>, vector<1x128xf32>
    %add3A_1200 = vector.broadcast %get3A_1199 : vector<1x128xf32> to vector<100x128xf32>
    %add3A_1201 = arith.addf %dot_general3A_1196, %add3A_1200 : vector<100x128xf32>
    %max3A_1202 = arith.constant 0.000000e+00 : f32
    %max3A_1203 = vector.broadcast %max3A_1202 : f32 to vector<100x128xf32>
    %max3A_1204 = arith.maximumf %add3A_1201, %max3A_1203 : vector<100x128xf32>
    %get3A_1205 = arith.constant 0 : index
    %get3A_1206 = arith.constant 0 : index
    %get3A_1207 = vector.load %arg19[%get3A_1205, %get3A_1206] : memref<1x128xf32, #tpu.memory_space<vmem>>, vector<1x128xf32>
    %get3A_1208 = arith.constant 0 : index
    %get3A_1209 = arith.constant 0 : index
    %get3A_1210 = vector.load %arg20[%get3A_1208, %get3A_1209] : memref<1x128xf32, #tpu.memory_space<vmem>>, vector<1x128xf32>
    %reduce_sum3A_1211 = arith.constant dense<0.000000e+00> : vector<100xf32>
    %reduce_sum3A_1212 = vector.multi_reduction <add>, %max3A_1204, %reduce_sum3A_1211 [1] : vector<100x128xf32> to vector<100xf32>
    %broadcast_in_dim3A_1213 = vector.shape_cast %reduce_sum3A_1212 : vector<100xf32> to vector<100x1xf32>
    %div3A_1214 = arith.constant 1.280000e+02 : f32
    %div3A_1215 = vector.broadcast %div3A_1214 : f32 to vector<100x1xf32>
    %div3A_1216 = arith.divf %broadcast_in_dim3A_1213, %div3A_1215 : vector<100x1xf32>
    %mul3A_1217 = arith.mulf %max3A_1204, %max3A_1204 : vector<100x128xf32>
    %reduce_sum3A_1218 = arith.constant dense<0.000000e+00> : vector<100xf32>
    %reduce_sum3A_1219 = vector.multi_reduction <add>, %mul3A_1217, %reduce_sum3A_1218 [1] : vector<100x128xf32> to vector<100xf32>
    %broadcast_in_dim3A_1220 = vector.shape_cast %reduce_sum3A_1219 : vector<100xf32> to vector<100x1xf32>
    %div3A_1221 = arith.constant 1.280000e+02 : f32
    %div3A_1222 = vector.broadcast %div3A_1221 : f32 to vector<100x1xf32>
    %div3A_1223 = arith.divf %broadcast_in_dim3A_1220, %div3A_1222 : vector<100x1xf32>
    %mul3A_1224 = arith.mulf %div3A_1216, %div3A_1216 : vector<100x1xf32>
    %sub3A_1225 = arith.subf %div3A_1223, %mul3A_1224 : vector<100x1xf32>
    %sub3A_1226 = vector.broadcast %div3A_1216 : vector<100x1xf32> to vector<100x128xf32>
    %sub3A_1227 = arith.subf %max3A_1204, %sub3A_1226 : vector<100x128xf32>
    %add3A_1228 = arith.constant 9.99999974E-6 : f32
    %add3A_1229 = vector.broadcast %add3A_1228 : f32 to vector<100x1xf32>
    %add3A_1230 = arith.addf %sub3A_1225, %add3A_1229 : vector<100x1xf32>
    %rsqrt3A_1231 = math.rsqrt %add3A_1230 : vector<100x1xf32>
    %mul3A_1232 = vector.broadcast %rsqrt3A_1231 : vector<100x1xf32> to vector<100x128xf32>
    %mul3A_1233 = arith.mulf %sub3A_1227, %mul3A_1232 : vector<100x128xf32>
    %mul3A_1234 = vector.broadcast %get3A_1207 : vector<1x128xf32> to vector<100x128xf32>
    %mul3A_1235 = arith.mulf %mul3A_1233, %mul3A_1234 : vector<100x128xf32>
    %add3A_1236 = vector.broadcast %get3A_1210 : vector<1x128xf32> to vector<100x128xf32>
    %add3A_1237 = arith.addf %mul3A_1235, %add3A_1236 : vector<100x128xf32>
    %reduce_sum3A_1238 = arith.constant dense<0.000000e+00> : vector<128xf32>
    %reduce_sum3A_1239 = vector.multi_reduction <add>, %add3A_1237, %reduce_sum3A_1238 [0] : vector<100x128xf32> to vector<128xf32>
    %broadcast_in_dim3A_1240 = vector.shape_cast %reduce_sum3A_1239 : vector<128xf32> to vector<1x128xf32>
    %get3A_1241 = arith.constant 0 : index
    %get3A_1242 = arith.constant 0 : index
    %get3A_1243 = vector.load %arg21[%get3A_1241, %get3A_1242] : memref<128x693xf32, #tpu.memory_space<vmem>>, vector<128x693xf32>
    %convert_element_type3A_1244 = arith.truncf %broadcast_in_dim3A_1166 : vector<1x128xf32> to vector<1x128xbf16>
    %convert_element_type3A_1245 = arith.truncf %get3A_1243 : vector<128x693xf32> to vector<128x693xbf16>
    %dot_general3A_1246 = arith.constant dense<0.000000e+00> : vector<1x693xf32>
    %dot_general3A_1247 = tpu.matmul %convert_element_type3A_1244, %convert_element_type3A_1245, %dot_general3A_1246 {dimension_numbers = #tpu.dot_dimension_numbers<[1], [0], [0], [1], [0, 0, 1, 1], [], []>, transpose_lhs_hint = false} : vector<1x128xbf16>, vector<128x693xbf16>, vector<1x693xf32> -> vector<1x693xf32>
    %get3A_1248 = arith.constant 0 : index
    %get3A_1249 = arith.constant 0 : index
    %get3A_1250 = vector.load %arg22[%get3A_1248, %get3A_1249] : memref<128x693xf32, #tpu.memory_space<vmem>>, vector<128x693xf32>
    %convert_element_type3A_1251 = arith.truncf %broadcast_in_dim3A_1240 : vector<1x128xf32> to vector<1x128xbf16>
    %convert_element_type3A_1252 = arith.truncf %get3A_1250 : vector<128x693xf32> to vector<128x693xbf16>
    %dot_general3A_1253 = arith.constant dense<0.000000e+00> : vector<1x693xf32>
    %dot_general3A_1254 = tpu.matmul %convert_element_type3A_1251, %convert_element_type3A_1252, %dot_general3A_1253 {dimension_numbers = #tpu.dot_dimension_numbers<[1], [0], [0], [1], [0, 0, 1, 1], [], []>, transpose_lhs_hint = false} : vector<1x128xbf16>, vector<128x693xbf16>, vector<1x693xf32> -> vector<1x693xf32>
    %add3A_1255 = arith.addf %dot_general3A_1247, %dot_general3A_1254 : vector<1x693xf32>
    %get3A_1256 = arith.constant 0 : index
    %get3A_1257 = arith.constant 0 : index
    %get3A_1258 = vector.load %arg23[%get3A_1256, %get3A_1257] : memref<1x693xf32, #tpu.memory_space<vmem>>, vector<1x693xf32>
    %add3A_1259 = arith.addf %add3A_1255, %get3A_1258 : vector<1x693xf32>
    %max3A_1260 = arith.constant 0.000000e+00 : f32
    %max3A_1261 = vector.broadcast %max3A_1260 : f32 to vector<1x693xf32>
    %max3A_1262 = arith.maximumf %add3A_1259, %max3A_1261 : vector<1x693xf32>
    %get3A_1263 = arith.constant 0 : index
    %get3A_1264 = arith.constant 0 : index
    %get3A_1265 = vector.load %arg24[%get3A_1263, %get3A_1264] : memref<693x693xf32, #tpu.memory_space<vmem>>, vector<693x693xf32>
    %convert_element_type3A_1266 = arith.truncf %max3A_1262 : vector<1x693xf32> to vector<1x693xbf16>
    %convert_element_type3A_1267 = arith.truncf %get3A_1265 : vector<693x693xf32> to vector<693x693xbf16>
    %dot_general3A_1268 = arith.constant dense<0.000000e+00> : vector<1x693xf32>
    %dot_general3A_1269 = tpu.matmul %convert_element_type3A_1266, %convert_element_type3A_1267, %dot_general3A_1268 {dimension_numbers = #tpu.dot_dimension_numbers<[1], [0], [0], [1], [0, 0, 1, 1], [], []>, transpose_lhs_hint = false} : vector<1x693xbf16>, vector<693x693xbf16>, vector<1x693xf32> -> vector<1x693xf32>
    %get3A_1270 = arith.constant 0 : index
    %get3A_1271 = arith.constant 0 : index
    %get3A_1272 = vector.load %arg25[%get3A_1270, %get3A_1271] : memref<1x693xf32, #tpu.memory_space<vmem>>, vector<1x693xf32>
    %add3A_1273 = arith.addf %dot_general3A_1269, %get3A_1272 : vector<1x693xf32>
    %max3A_1274 = arith.constant 0.000000e+00 : f32
    %max3A_1275 = vector.broadcast %max3A_1274 : f32 to vector<1x693xf32>
    %max3A_1276 = arith.maximumf %add3A_1273, %max3A_1275 : vector<1x693xf32>
    %get3A_1277 = arith.constant 0 : index
    %get3A_1278 = arith.constant 0 : index
    %get3A_1279 = vector.load %arg26[%get3A_1277, %get3A_1278] : memref<1x693xf32, #tpu.memory_space<vmem>>, vector<1x693xf32>
    %get3A_1280 = arith.constant 0 : index
    %get3A_1281 = arith.constant 0 : index
    %get3A_1282 = vector.load %arg27[%get3A_1280, %get3A_1281] : memref<1x693xf32, #tpu.memory_space<vmem>>, vector<1x693xf32>
    %reduce_sum3A_1283 = arith.constant dense<0.000000e+00> : vector<1xf32>
    %reduce_sum3A_1284 = vector.multi_reduction <add>, %max3A_1276, %reduce_sum3A_1283 [1] : vector<1x693xf32> to vector<1xf32>
    %broadcast_in_dim3A_1285 = vector.shape_cast %reduce_sum3A_1284 : vector<1xf32> to vector<1x1xf32>
    %div3A_1286 = arith.constant 6.930000e+02 : f32
    %div3A_1287 = vector.broadcast %div3A_1286 : f32 to vector<1x1xf32>
    %div3A_1288 = arith.divf %broadcast_in_dim3A_1285, %div3A_1287 : vector<1x1xf32>
    %mul3A_1289 = arith.mulf %max3A_1276, %max3A_1276 : vector<1x693xf32>
    %reduce_sum3A_1290 = arith.constant dense<0.000000e+00> : vector<1xf32>
    %reduce_sum3A_1291 = vector.multi_reduction <add>, %mul3A_1289, %reduce_sum3A_1290 [1] : vector<1x693xf32> to vector<1xf32>
    %broadcast_in_dim3A_1292 = vector.shape_cast %reduce_sum3A_1291 : vector<1xf32> to vector<1x1xf32>
    %div3A_1293 = arith.constant 6.930000e+02 : f32
    %div3A_1294 = vector.broadcast %div3A_1293 : f32 to vector<1x1xf32>
    %div3A_1295 = arith.divf %broadcast_in_dim3A_1292, %div3A_1294 : vector<1x1xf32>
    %mul3A_1296 = arith.mulf %div3A_1288, %div3A_1288 : vector<1x1xf32>
    %sub3A_1297 = arith.subf %div3A_1295, %mul3A_1296 : vector<1x1xf32>
    %sub3A_1298 = vector.broadcast %div3A_1288 : vector<1x1xf32> to vector<1x693xf32>
    %sub3A_1299 = arith.subf %max3A_1276, %sub3A_1298 : vector<1x693xf32>
    %add3A_1300 = arith.constant 9.99999974E-6 : f32
    %add3A_1301 = vector.broadcast %add3A_1300 : f32 to vector<1x1xf32>
    %add3A_1302 = arith.addf %sub3A_1297, %add3A_1301 : vector<1x1xf32>
    %rsqrt3A_1303 = math.rsqrt %add3A_1302 : vector<1x1xf32>
    %mul3A_1304 = vector.broadcast %rsqrt3A_1303 : vector<1x1xf32> to vector<1x693xf32>
    %mul3A_1305 = arith.mulf %sub3A_1299, %mul3A_1304 : vector<1x693xf32>
    %mul3A_1306 = arith.mulf %mul3A_1305, %get3A_1279 : vector<1x693xf32>
    %add3A_1307 = arith.addf %mul3A_1306, %get3A_1282 : vector<1x693xf32>
    %get3A_1308 = arith.constant 0 : index
    %get3A_1309 = arith.constant 0 : index
    %get3A_1310 = vector.load %arg29[%get3A_1308, %get3A_1309] : memref<128x128xf32, #tpu.memory_space<vmem>>, vector<128x128xf32>
    %convert_element_type3A_1311 = arith.truncf %add3A_1237 : vector<100x128xf32> to vector<100x128xbf16>
    %convert_element_type3A_1312 = arith.truncf %get3A_1310 : vector<128x128xf32> to vector<128x128xbf16>
    %dot_general3A_1313 = arith.constant dense<0.000000e+00> : vector<100x128xf32>
    %dot_general3A_1314 = tpu.matmul %convert_element_type3A_1311, %convert_element_type3A_1312, %dot_general3A_1313 {dimension_numbers = #tpu.dot_dimension_numbers<[1], [0], [0], [1], [0, 0, 1, 1], [], []>, transpose_lhs_hint = false} : vector<100x128xbf16>, vector<128x128xbf16>, vector<100x128xf32> -> vector<100x128xf32>
    %get3A_1315 = arith.constant 0 : index
    %get3A_1316 = arith.constant 0 : index
    %get3A_1317 = vector.load %arg30[%get3A_1315, %get3A_1316] : memref<128x128xf32, #tpu.memory_space<vmem>>, vector<128x128xf32>
    %convert_element_type3A_1318 = arith.truncf %add3A_1237 : vector<100x128xf32> to vector<100x128xbf16>
    %convert_element_type3A_1319 = arith.truncf %get3A_1317 : vector<128x128xf32> to vector<128x128xbf16>
    %dot_general3A_1320 = arith.constant dense<0.000000e+00> : vector<100x128xf32>
    %dot_general3A_1321 = tpu.matmul %convert_element_type3A_1318, %convert_element_type3A_1319, %dot_general3A_1320 {dimension_numbers = #tpu.dot_dimension_numbers<[1], [0], [0], [1], [0, 0, 1, 1], [], []>, transpose_lhs_hint = false} : vector<100x128xbf16>, vector<128x128xbf16>, vector<100x128xf32> -> vector<100x128xf32>
    %get3A_1322 = arith.constant 0 : index
    %get3A_1323 = arith.constant 0 : index
    %get3A_1324 = vector.load %arg31[%get3A_1322, %get3A_1323] : memref<693x128xf32, #tpu.memory_space<vmem>>, vector<693x128xf32>
    %convert_element_type3A_1325 = arith.truncf %add3A_1307 : vector<1x693xf32> to vector<1x693xbf16>
    %convert_element_type3A_1326 = arith.truncf %get3A_1324 : vector<693x128xf32> to vector<693x128xbf16>
    %dot_general3A_1327 = arith.constant dense<0.000000e+00> : vector<1x128xf32>
    %dot_general3A_1328 = tpu.matmul %convert_element_type3A_1325, %convert_element_type3A_1326, %dot_general3A_1327 {dimension_numbers = #tpu.dot_dimension_numbers<[1], [0], [0], [1], [0, 0, 1, 1], [], []>, transpose_lhs_hint = false} : vector<1x693xbf16>, vector<693x128xbf16>, vector<1x128xf32> -> vector<1x128xf32>
    %get3A_1329 = arith.constant 0 : index
    %get3A_1330 = arith.constant 0 : index
    %get3A_1331 = vector.load %arg28[%get3A_1329, %get3A_1330] : memref<128x128xf32, #tpu.memory_space<vmem>>, vector<128x128xf32>
    %convert_element_type3A_1332 = arith.truncf %add3A_1159 : vector<1600x128xf32> to vector<1600x128xbf16>
    %convert_element_type3A_1333 = arith.truncf %get3A_1331 : vector<128x128xf32> to vector<128x128xbf16>
    %dot_general3A_1334 = arith.constant dense<0.000000e+00> : vector<1600x128xf32>
    %dot_general3A_1335 = tpu.matmul %convert_element_type3A_1332, %convert_element_type3A_1333, %dot_general3A_1334 {dimension_numbers = #tpu.dot_dimension_numbers<[1], [0], [0], [1], [0, 0, 1, 1], [], []>, transpose_lhs_hint = false} : vector<1600x128xbf16>, vector<128x128xbf16>, vector<1600x128xf32> -> vector<1600x128xf32>
    %convert_element_type3A_1336 = arith.truncf %convert_element_type3A_1076 : vector<100x1600xf32> to vector<100x1600xbf16>
    %convert_element_type3A_1337 = arith.truncf %dot_general3A_1314 : vector<100x128xf32> to vector<100x128xbf16>
    %dot_general3A_1338 = arith.constant dense<0.000000e+00> : vector<1600x128xf32>
    %dot_general3A_1339 = tpu.matmul %convert_element_type3A_1336, %convert_element_type3A_1337, %dot_general3A_1338 {dimension_numbers = #tpu.dot_dimension_numbers<[0], [0], [1], [1], [0, 1, 1, 1], [], []>, transpose_lhs_hint = false} : vector<100x1600xbf16>, vector<100x128xbf16>, vector<1600x128xf32> -> vector<1600x128xf32>
    %add3A_1340 = arith.addf %dot_general3A_1335, %dot_general3A_1339 : vector<1600x128xf32>
    %convert_element_type3A_1341 = arith.truncf %convert_element_type3A_1080 : vector<100x1600xf32> to vector<100x1600xbf16>
    %convert_element_type3A_1342 = arith.truncf %dot_general3A_1321 : vector<100x128xf32> to vector<100x128xbf16>
    %dot_general3A_1343 = arith.constant dense<0.000000e+00> : vector<1600x128xf32>
    %dot_general3A_1344 = tpu.matmul %convert_element_type3A_1341, %convert_element_type3A_1342, %dot_general3A_1343 {dimension_numbers = #tpu.dot_dimension_numbers<[0], [0], [1], [1], [0, 1, 1, 1], [], []>, transpose_lhs_hint = false} : vector<100x1600xbf16>, vector<100x128xbf16>, vector<1600x128xf32> -> vector<1600x128xf32>
    %add3A_1345 = arith.addf %add3A_1340, %dot_general3A_1344 : vector<1600x128xf32>
    %add3A_1346 = vector.broadcast %dot_general3A_1328 : vector<1x128xf32> to vector<1600x128xf32>
    %add3A_1347 = arith.addf %add3A_1345, %add3A_1346 : vector<1600x128xf32>
    %get3A_1348 = arith.constant 0 : index
    %get3A_1349 = arith.constant 0 : index
    %get3A_1350 = vector.load %arg32[%get3A_1348, %get3A_1349] : memref<1x128xf32, #tpu.memory_space<vmem>>, vector<1x128xf32>
    %add3A_1351 = vector.broadcast %get3A_1350 : vector<1x128xf32> to vector<1600x128xf32>
    %add3A_1352 = arith.addf %add3A_1347, %add3A_1351 : vector<1600x128xf32>
    %max3A_1353 = arith.constant 0.000000e+00 : f32
    %max3A_1354 = vector.broadcast %max3A_1353 : f32 to vector<1600x128xf32>
    %max3A_1355 = arith.maximumf %add3A_1352, %max3A_1354 : vector<1600x128xf32>
    %get3A_1356 = arith.constant 0 : index
    %get3A_1357 = arith.constant 0 : index
    %get3A_1358 = vector.load %arg33[%get3A_1356, %get3A_1357] : memref<128x128xf32, #tpu.memory_space<vmem>>, vector<128x128xf32>
    %convert_element_type3A_1359 = arith.truncf %max3A_1355 : vector<1600x128xf32> to vector<1600x128xbf16>
    %convert_element_type3A_1360 = arith.truncf %get3A_1358 : vector<128x128xf32> to vector<128x128xbf16>
    %dot_general3A_1361 = arith.constant dense<0.000000e+00> : vector<1600x128xf32>
    %dot_general3A_1362 = tpu.matmul %convert_element_type3A_1359, %convert_element_type3A_1360, %dot_general3A_1361 {dimension_numbers = #tpu.dot_dimension_numbers<[1], [0], [0], [1], [0, 0, 1, 1], [], []>, transpose_lhs_hint = false} : vector<1600x128xbf16>, vector<128x128xbf16>, vector<1600x128xf32> -> vector<1600x128xf32>
    %get3A_1363 = arith.constant 0 : index
    %get3A_1364 = arith.constant 0 : index
    %get3A_1365 = vector.load %arg34[%get3A_1363, %get3A_1364] : memref<1x128xf32, #tpu.memory_space<vmem>>, vector<1x128xf32>
    %add3A_1366 = vector.broadcast %get3A_1365 : vector<1x128xf32> to vector<1600x128xf32>
    %add3A_1367 = arith.addf %dot_general3A_1362, %add3A_1366 : vector<1600x128xf32>
    %max3A_1368 = arith.constant 0.000000e+00 : f32
    %max3A_1369 = vector.broadcast %max3A_1368 : f32 to vector<1600x128xf32>
    %max3A_1370 = arith.maximumf %add3A_1367, %max3A_1369 : vector<1600x128xf32>
    %get3A_1371 = arith.constant 0 : index
    %get3A_1372 = arith.constant 0 : index
    %get3A_1373 = vector.load %arg35[%get3A_1371, %get3A_1372] : memref<1x128xf32, #tpu.memory_space<vmem>>, vector<1x128xf32>
    %get3A_1374 = arith.constant 0 : index
    %get3A_1375 = arith.constant 0 : index
    %get3A_1376 = vector.load %arg36[%get3A_1374, %get3A_1375] : memref<1x128xf32, #tpu.memory_space<vmem>>, vector<1x128xf32>
    %reduce_sum3A_1377 = arith.constant dense<0.000000e+00> : vector<1600xf32>
    %reduce_sum3A_1378 = vector.multi_reduction <add>, %max3A_1370, %reduce_sum3A_1377 [1] : vector<1600x128xf32> to vector<1600xf32>
    %broadcast_in_dim3A_1379 = vector.shape_cast %reduce_sum3A_1378 : vector<1600xf32> to vector<1600x1xf32>
    %div3A_1380 = arith.constant 1.280000e+02 : f32
    %div3A_1381 = vector.broadcast %div3A_1380 : f32 to vector<1600x1xf32>
    %div3A_1382 = arith.divf %broadcast_in_dim3A_1379, %div3A_1381 : vector<1600x1xf32>
    %mul3A_1383 = arith.mulf %max3A_1370, %max3A_1370 : vector<1600x128xf32>
    %reduce_sum3A_1384 = arith.constant dense<0.000000e+00> : vector<1600xf32>
    %reduce_sum3A_1385 = vector.multi_reduction <add>, %mul3A_1383, %reduce_sum3A_1384 [1] : vector<1600x128xf32> to vector<1600xf32>
    %broadcast_in_dim3A_1386 = vector.shape_cast %reduce_sum3A_1385 : vector<1600xf32> to vector<1600x1xf32>
    %div3A_1387 = arith.constant 1.280000e+02 : f32
    %div3A_1388 = vector.broadcast %div3A_1387 : f32 to vector<1600x1xf32>
    %div3A_1389 = arith.divf %broadcast_in_dim3A_1386, %div3A_1388 : vector<1600x1xf32>
    %mul3A_1390 = arith.mulf %div3A_1382, %div3A_1382 : vector<1600x1xf32>
    %sub3A_1391 = arith.subf %div3A_1389, %mul3A_1390 : vector<1600x1xf32>
    %sub3A_1392 = vector.broadcast %div3A_1382 : vector<1600x1xf32> to vector<1600x128xf32>
    %sub3A_1393 = arith.subf %max3A_1370, %sub3A_1392 : vector<1600x128xf32>
    %add3A_1394 = arith.constant 9.99999974E-6 : f32
    %add3A_1395 = vector.broadcast %add3A_1394 : f32 to vector<1600x1xf32>
    %add3A_1396 = arith.addf %sub3A_1391, %add3A_1395 : vector<1600x1xf32>
    %rsqrt3A_1397 = math.rsqrt %add3A_1396 : vector<1600x1xf32>
    %mul3A_1398 = vector.broadcast %rsqrt3A_1397 : vector<1600x1xf32> to vector<1600x128xf32>
    %mul3A_1399 = arith.mulf %sub3A_1393, %mul3A_1398 : vector<1600x128xf32>
    %mul3A_1400 = vector.broadcast %get3A_1373 : vector<1x128xf32> to vector<1600x128xf32>
    %mul3A_1401 = arith.mulf %mul3A_1399, %mul3A_1400 : vector<1600x128xf32>
    %add3A_1402 = vector.broadcast %get3A_1376 : vector<1x128xf32> to vector<1600x128xf32>
    %add3A_1403 = arith.addf %mul3A_1401, %add3A_1402 : vector<1600x128xf32>
    %convert_element_type3A_1404 = arith.truncf %convert_element_type3A_1076 : vector<100x1600xf32> to vector<100x1600xbf16>
    %convert_element_type3A_1405 = arith.truncf %add3A_1403 : vector<1600x128xf32> to vector<1600x128xbf16>
    %dot_general3A_1406 = arith.constant dense<0.000000e+00> : vector<100x128xf32>
    %dot_general3A_1407 = tpu.matmul %convert_element_type3A_1404, %convert_element_type3A_1405, %dot_general3A_1406 {dimension_numbers = #tpu.dot_dimension_numbers<[1], [0], [0], [1], [0, 0, 1, 1], [], []>, transpose_lhs_hint = false} : vector<100x1600xbf16>, vector<1600x128xbf16>, vector<100x128xf32> -> vector<100x128xf32>
    %reduce_sum3A_1408 = arith.constant dense<0.000000e+00> : vector<128xf32>
    %reduce_sum3A_1409 = vector.multi_reduction <add>, %add3A_1403, %reduce_sum3A_1408 [0] : vector<1600x128xf32> to vector<128xf32>
    %broadcast_in_dim3A_1410 = vector.shape_cast %reduce_sum3A_1409 : vector<128xf32> to vector<1x128xf32>
    %get3A_1411 = arith.constant 0 : index
    %get3A_1412 = arith.constant 0 : index
    %get3A_1413 = vector.load %arg39[%get3A_1411, %get3A_1412] : memref<693x128xf32, #tpu.memory_space<vmem>>, vector<693x128xf32>
    %convert_element_type3A_1414 = arith.truncf %add3A_1307 : vector<1x693xf32> to vector<1x693xbf16>
    %convert_element_type3A_1415 = arith.truncf %get3A_1413 : vector<693x128xf32> to vector<693x128xbf16>
    %dot_general3A_1416 = arith.constant dense<0.000000e+00> : vector<1x128xf32>
    %dot_general3A_1417 = tpu.matmul %convert_element_type3A_1414, %convert_element_type3A_1415, %dot_general3A_1416 {dimension_numbers = #tpu.dot_dimension_numbers<[1], [0], [0], [1], [0, 0, 1, 1], [], []>, transpose_lhs_hint = false} : vector<1x693xbf16>, vector<693x128xbf16>, vector<1x128xf32> -> vector<1x128xf32>
    %get3A_1418 = arith.constant 0 : index
    %get3A_1419 = arith.constant 0 : index
    %get3A_1420 = vector.load %arg37[%get3A_1418, %get3A_1419] : memref<128x128xf32, #tpu.memory_space<vmem>>, vector<128x128xf32>
    %convert_element_type3A_1421 = arith.truncf %dot_general3A_1407 : vector<100x128xf32> to vector<100x128xbf16>
    %convert_element_type3A_1422 = arith.truncf %get3A_1420 : vector<128x128xf32> to vector<128x128xbf16>
    %dot_general3A_1423 = arith.constant dense<0.000000e+00> : vector<100x128xf32>
    %dot_general3A_1424 = tpu.matmul %convert_element_type3A_1421, %convert_element_type3A_1422, %dot_general3A_1423 {dimension_numbers = #tpu.dot_dimension_numbers<[1], [0], [0], [1], [0, 0, 1, 1], [], []>, transpose_lhs_hint = false} : vector<100x128xbf16>, vector<128x128xbf16>, vector<100x128xf32> -> vector<100x128xf32>
    %get3A_1425 = arith.constant 0 : index
    %get3A_1426 = arith.constant 0 : index
    %get3A_1427 = vector.load %arg38[%get3A_1425, %get3A_1426] : memref<128x128xf32, #tpu.memory_space<vmem>>, vector<128x128xf32>
    %convert_element_type3A_1428 = arith.truncf %add3A_1237 : vector<100x128xf32> to vector<100x128xbf16>
    %convert_element_type3A_1429 = arith.truncf %get3A_1427 : vector<128x128xf32> to vector<128x128xbf16>
    %dot_general3A_1430 = arith.constant dense<0.000000e+00> : vector<100x128xf32>
    %dot_general3A_1431 = tpu.matmul %convert_element_type3A_1428, %convert_element_type3A_1429, %dot_general3A_1430 {dimension_numbers = #tpu.dot_dimension_numbers<[1], [0], [0], [1], [0, 0, 1, 1], [], []>, transpose_lhs_hint = false} : vector<100x128xbf16>, vector<128x128xbf16>, vector<100x128xf32> -> vector<100x128xf32>
    %add3A_1432 = arith.addf %dot_general3A_1424, %dot_general3A_1431 : vector<100x128xf32>
    %add3A_1433 = vector.broadcast %dot_general3A_1417 : vector<1x128xf32> to vector<100x128xf32>
    %add3A_1434 = arith.addf %add3A_1432, %add3A_1433 : vector<100x128xf32>
    %get3A_1435 = arith.constant 0 : index
    %get3A_1436 = arith.constant 0 : index
    %get3A_1437 = vector.load %arg40[%get3A_1435, %get3A_1436] : memref<1x128xf32, #tpu.memory_space<vmem>>, vector<1x128xf32>
    %add3A_1438 = vector.broadcast %get3A_1437 : vector<1x128xf32> to vector<100x128xf32>
    %add3A_1439 = arith.addf %add3A_1434, %add3A_1438 : vector<100x128xf32>
    %max3A_1440 = arith.constant 0.000000e+00 : f32
    %max3A_1441 = vector.broadcast %max3A_1440 : f32 to vector<100x128xf32>
    %max3A_1442 = arith.maximumf %add3A_1439, %max3A_1441 : vector<100x128xf32>
    %get3A_1443 = arith.constant 0 : index
    %get3A_1444 = arith.constant 0 : index
    %get3A_1445 = vector.load %arg41[%get3A_1443, %get3A_1444] : memref<128x128xf32, #tpu.memory_space<vmem>>, vector<128x128xf32>
    %convert_element_type3A_1446 = arith.truncf %max3A_1442 : vector<100x128xf32> to vector<100x128xbf16>
    %convert_element_type3A_1447 = arith.truncf %get3A_1445 : vector<128x128xf32> to vector<128x128xbf16>
    %dot_general3A_1448 = arith.constant dense<0.000000e+00> : vector<100x128xf32>
    %dot_general3A_1449 = tpu.matmul %convert_element_type3A_1446, %convert_element_type3A_1447, %dot_general3A_1448 {dimension_numbers = #tpu.dot_dimension_numbers<[1], [0], [0], [1], [0, 0, 1, 1], [], []>, transpose_lhs_hint = false} : vector<100x128xbf16>, vector<128x128xbf16>, vector<100x128xf32> -> vector<100x128xf32>
    %get3A_1450 = arith.constant 0 : index
    %get3A_1451 = arith.constant 0 : index
    %get3A_1452 = vector.load %arg42[%get3A_1450, %get3A_1451] : memref<1x128xf32, #tpu.memory_space<vmem>>, vector<1x128xf32>
    %add3A_1453 = vector.broadcast %get3A_1452 : vector<1x128xf32> to vector<100x128xf32>
    %add3A_1454 = arith.addf %dot_general3A_1449, %add3A_1453 : vector<100x128xf32>
    %max3A_1455 = arith.constant 0.000000e+00 : f32
    %max3A_1456 = vector.broadcast %max3A_1455 : f32 to vector<100x128xf32>
    %max3A_1457 = arith.maximumf %add3A_1454, %max3A_1456 : vector<100x128xf32>
    %get3A_1458 = arith.constant 0 : index
    %get3A_1459 = arith.constant 0 : index
    %get3A_1460 = vector.load %arg43[%get3A_1458, %get3A_1459] : memref<1x128xf32, #tpu.memory_space<vmem>>, vector<1x128xf32>
    %get3A_1461 = arith.constant 0 : index
    %get3A_1462 = arith.constant 0 : index
    %get3A_1463 = vector.load %arg44[%get3A_1461, %get3A_1462] : memref<1x128xf32, #tpu.memory_space<vmem>>, vector<1x128xf32>
    %reduce_sum3A_1464 = arith.constant dense<0.000000e+00> : vector<100xf32>
    %reduce_sum3A_1465 = vector.multi_reduction <add>, %max3A_1457, %reduce_sum3A_1464 [1] : vector<100x128xf32> to vector<100xf32>
    %broadcast_in_dim3A_1466 = vector.shape_cast %reduce_sum3A_1465 : vector<100xf32> to vector<100x1xf32>
    %div3A_1467 = arith.constant 1.280000e+02 : f32
    %div3A_1468 = vector.broadcast %div3A_1467 : f32 to vector<100x1xf32>
    %div3A_1469 = arith.divf %broadcast_in_dim3A_1466, %div3A_1468 : vector<100x1xf32>
    %mul3A_1470 = arith.mulf %max3A_1457, %max3A_1457 : vector<100x128xf32>
    %reduce_sum3A_1471 = arith.constant dense<0.000000e+00> : vector<100xf32>
    %reduce_sum3A_1472 = vector.multi_reduction <add>, %mul3A_1470, %reduce_sum3A_1471 [1] : vector<100x128xf32> to vector<100xf32>
    %broadcast_in_dim3A_1473 = vector.shape_cast %reduce_sum3A_1472 : vector<100xf32> to vector<100x1xf32>
    %div3A_1474 = arith.constant 1.280000e+02 : f32
    %div3A_1475 = vector.broadcast %div3A_1474 : f32 to vector<100x1xf32>
    %div3A_1476 = arith.divf %broadcast_in_dim3A_1473, %div3A_1475 : vector<100x1xf32>
    %mul3A_1477 = arith.mulf %div3A_1469, %div3A_1469 : vector<100x1xf32>
    %sub3A_1478 = arith.subf %div3A_1476, %mul3A_1477 : vector<100x1xf32>
    %sub3A_1479 = vector.broadcast %div3A_1469 : vector<100x1xf32> to vector<100x128xf32>
    %sub3A_1480 = arith.subf %max3A_1457, %sub3A_1479 : vector<100x128xf32>
    %add3A_1481 = arith.constant 9.99999974E-6 : f32
    %add3A_1482 = vector.broadcast %add3A_1481 : f32 to vector<100x1xf32>
    %add3A_1483 = arith.addf %sub3A_1478, %add3A_1482 : vector<100x1xf32>
    %rsqrt3A_1484 = math.rsqrt %add3A_1483 : vector<100x1xf32>
    %mul3A_1485 = vector.broadcast %rsqrt3A_1484 : vector<100x1xf32> to vector<100x128xf32>
    %mul3A_1486 = arith.mulf %sub3A_1480, %mul3A_1485 : vector<100x128xf32>
    %mul3A_1487 = vector.broadcast %get3A_1460 : vector<1x128xf32> to vector<100x128xf32>
    %mul3A_1488 = arith.mulf %mul3A_1486, %mul3A_1487 : vector<100x128xf32>
    %add3A_1489 = vector.broadcast %get3A_1463 : vector<1x128xf32> to vector<100x128xf32>
    %add3A_1490 = arith.addf %mul3A_1488, %add3A_1489 : vector<100x128xf32>
    %reduce_sum3A_1491 = arith.constant dense<0.000000e+00> : vector<128xf32>
    %reduce_sum3A_1492 = vector.multi_reduction <add>, %add3A_1490, %reduce_sum3A_1491 [0] : vector<100x128xf32> to vector<128xf32>
    %broadcast_in_dim3A_1493 = vector.shape_cast %reduce_sum3A_1492 : vector<128xf32> to vector<1x128xf32>
    %get3A_1494 = arith.constant 0 : index
    %get3A_1495 = arith.constant 0 : index
    %get3A_1496 = vector.load %arg45[%get3A_1494, %get3A_1495] : memref<128x693xf32, #tpu.memory_space<vmem>>, vector<128x693xf32>
    %convert_element_type3A_1497 = arith.truncf %broadcast_in_dim3A_1410 : vector<1x128xf32> to vector<1x128xbf16>
    %convert_element_type3A_1498 = arith.truncf %get3A_1496 : vector<128x693xf32> to vector<128x693xbf16>
    %dot_general3A_1499 = arith.constant dense<0.000000e+00> : vector<1x693xf32>
    %dot_general3A_1500 = tpu.matmul %convert_element_type3A_1497, %convert_element_type3A_1498, %dot_general3A_1499 {dimension_numbers = #tpu.dot_dimension_numbers<[1], [0], [0], [1], [0, 0, 1, 1], [], []>, transpose_lhs_hint = false} : vector<1x128xbf16>, vector<128x693xbf16>, vector<1x693xf32> -> vector<1x693xf32>
    %get3A_1501 = arith.constant 0 : index
    %get3A_1502 = arith.constant 0 : index
    %get3A_1503 = vector.load %arg46[%get3A_1501, %get3A_1502] : memref<128x693xf32, #tpu.memory_space<vmem>>, vector<128x693xf32>
    %convert_element_type3A_1504 = arith.truncf %broadcast_in_dim3A_1493 : vector<1x128xf32> to vector<1x128xbf16>
    %convert_element_type3A_1505 = arith.truncf %get3A_1503 : vector<128x693xf32> to vector<128x693xbf16>
    %dot_general3A_1506 = arith.constant dense<0.000000e+00> : vector<1x693xf32>
    %dot_general3A_1507 = tpu.matmul %convert_element_type3A_1504, %convert_element_type3A_1505, %dot_general3A_1506 {dimension_numbers = #tpu.dot_dimension_numbers<[1], [0], [0], [1], [0, 0, 1, 1], [], []>, transpose_lhs_hint = false} : vector<1x128xbf16>, vector<128x693xbf16>, vector<1x693xf32> -> vector<1x693xf32>
    %add3A_1508 = arith.addf %dot_general3A_1500, %dot_general3A_1507 : vector<1x693xf32>
    %get3A_1509 = arith.constant 0 : index
    %get3A_1510 = arith.constant 0 : index
    %get3A_1511 = vector.load %arg47[%get3A_1509, %get3A_1510] : memref<693x693xf32, #tpu.memory_space<vmem>>, vector<693x693xf32>
    %convert_element_type3A_1512 = arith.truncf %add3A_1307 : vector<1x693xf32> to vector<1x693xbf16>
    %convert_element_type3A_1513 = arith.truncf %get3A_1511 : vector<693x693xf32> to vector<693x693xbf16>
    %dot_general3A_1514 = arith.constant dense<0.000000e+00> : vector<1x693xf32>
    %dot_general3A_1515 = tpu.matmul %convert_element_type3A_1512, %convert_element_type3A_1513, %dot_general3A_1514 {dimension_numbers = #tpu.dot_dimension_numbers<[1], [0], [0], [1], [0, 0, 1, 1], [], []>, transpose_lhs_hint = false} : vector<1x693xbf16>, vector<693x693xbf16>, vector<1x693xf32> -> vector<1x693xf32>
    %add3A_1516 = arith.addf %add3A_1508, %dot_general3A_1515 : vector<1x693xf32>
    %get3A_1517 = arith.constant 0 : index
    %get3A_1518 = arith.constant 0 : index
    %get3A_1519 = vector.load %arg48[%get3A_1517, %get3A_1518] : memref<1x693xf32, #tpu.memory_space<vmem>>, vector<1x693xf32>
    %add3A_1520 = arith.addf %add3A_1516, %get3A_1519 : vector<1x693xf32>
    %max3A_1521 = arith.constant 0.000000e+00 : f32
    %max3A_1522 = vector.broadcast %max3A_1521 : f32 to vector<1x693xf32>
    %max3A_1523 = arith.maximumf %add3A_1520, %max3A_1522 : vector<1x693xf32>
    %get3A_1524 = arith.constant 0 : index
    %get3A_1525 = arith.constant 0 : index
    %get3A_1526 = vector.load %arg49[%get3A_1524, %get3A_1525] : memref<693x693xf32, #tpu.memory_space<vmem>>, vector<693x693xf32>
    %convert_element_type3A_1527 = arith.truncf %max3A_1523 : vector<1x693xf32> to vector<1x693xbf16>
    %convert_element_type3A_1528 = arith.truncf %get3A_1526 : vector<693x693xf32> to vector<693x693xbf16>
    %dot_general3A_1529 = arith.constant dense<0.000000e+00> : vector<1x693xf32>
    %dot_general3A_1530 = tpu.matmul %convert_element_type3A_1527, %convert_element_type3A_1528, %dot_general3A_1529 {dimension_numbers = #tpu.dot_dimension_numbers<[1], [0], [0], [1], [0, 0, 1, 1], [], []>, transpose_lhs_hint = false} : vector<1x693xbf16>, vector<693x693xbf16>, vector<1x693xf32> -> vector<1x693xf32>
    %get3A_1531 = arith.constant 0 : index
    %get3A_1532 = arith.constant 0 : index
    %get3A_1533 = vector.load %arg50[%get3A_1531, %get3A_1532] : memref<1x693xf32, #tpu.memory_space<vmem>>, vector<1x693xf32>
    %add3A_1534 = arith.addf %dot_general3A_1530, %get3A_1533 : vector<1x693xf32>
    %max3A_1535 = arith.constant 0.000000e+00 : f32
    %max3A_1536 = vector.broadcast %max3A_1535 : f32 to vector<1x693xf32>
    %max3A_1537 = arith.maximumf %add3A_1534, %max3A_1536 : vector<1x693xf32>
    %get3A_1538 = arith.constant 0 : index
    %get3A_1539 = arith.constant 0 : index
    %get3A_1540 = vector.load %arg51[%get3A_1538, %get3A_1539] : memref<1x693xf32, #tpu.memory_space<vmem>>, vector<1x693xf32>
    %get3A_1541 = arith.constant 0 : index
    %get3A_1542 = arith.constant 0 : index
    %get3A_1543 = vector.load %arg52[%get3A_1541, %get3A_1542] : memref<1x693xf32, #tpu.memory_space<vmem>>, vector<1x693xf32>
    %reduce_sum3A_1544 = arith.constant dense<0.000000e+00> : vector<1xf32>
    %reduce_sum3A_1545 = vector.multi_reduction <add>, %max3A_1537, %reduce_sum3A_1544 [1] : vector<1x693xf32> to vector<1xf32>
    %broadcast_in_dim3A_1546 = vector.shape_cast %reduce_sum3A_1545 : vector<1xf32> to vector<1x1xf32>
    %div3A_1547 = arith.constant 6.930000e+02 : f32
    %div3A_1548 = vector.broadcast %div3A_1547 : f32 to vector<1x1xf32>
    %div3A_1549 = arith.divf %broadcast_in_dim3A_1546, %div3A_1548 : vector<1x1xf32>
    %mul3A_1550 = arith.mulf %max3A_1537, %max3A_1537 : vector<1x693xf32>
    %reduce_sum3A_1551 = arith.constant dense<0.000000e+00> : vector<1xf32>
    %reduce_sum3A_1552 = vector.multi_reduction <add>, %mul3A_1550, %reduce_sum3A_1551 [1] : vector<1x693xf32> to vector<1xf32>
    %broadcast_in_dim3A_1553 = vector.shape_cast %reduce_sum3A_1552 : vector<1xf32> to vector<1x1xf32>
    %div3A_1554 = arith.constant 6.930000e+02 : f32
    %div3A_1555 = vector.broadcast %div3A_1554 : f32 to vector<1x1xf32>
    %div3A_1556 = arith.divf %broadcast_in_dim3A_1553, %div3A_1555 : vector<1x1xf32>
    %mul3A_1557 = arith.mulf %div3A_1549, %div3A_1549 : vector<1x1xf32>
    %sub3A_1558 = arith.subf %div3A_1556, %mul3A_1557 : vector<1x1xf32>
    %sub3A_1559 = vector.broadcast %div3A_1549 : vector<1x1xf32> to vector<1x693xf32>
    %sub3A_1560 = arith.subf %max3A_1537, %sub3A_1559 : vector<1x693xf32>
    %add3A_1561 = arith.constant 9.99999974E-6 : f32
    %add3A_1562 = vector.broadcast %add3A_1561 : f32 to vector<1x1xf32>
    %add3A_1563 = arith.addf %sub3A_1558, %add3A_1562 : vector<1x1xf32>
    %rsqrt3A_1564 = math.rsqrt %add3A_1563 : vector<1x1xf32>
    %mul3A_1565 = vector.broadcast %rsqrt3A_1564 : vector<1x1xf32> to vector<1x693xf32>
    %mul3A_1566 = arith.mulf %sub3A_1560, %mul3A_1565 : vector<1x693xf32>
    %mul3A_1567 = arith.mulf %mul3A_1566, %get3A_1540 : vector<1x693xf32>
    %add3A_1568 = arith.addf %mul3A_1567, %get3A_1543 : vector<1x693xf32>
    %iota3A_1569 = tpu.iota {dimensions = array<i32: 1>} : vector<1600x128xi32>
    %eq3A_1570 = arith.constant 0 : i32
    %eq3A_1571 = vector.broadcast %eq3A_1570 : i32 to vector<1600x128xi32>
    %eq3A_1572 = arith.cmpi eq, %iota3A_1569, %eq3A_1571 : vector<1600x128xi32>
    %logistic3A_1573 = arith.negf %add3A_1403 : vector<1600x128xf32>
    %logistic3A_1574 = math.exp %logistic3A_1573 : vector<1600x128xf32>
    %logistic3A_1575 = arith.constant 1.000000e+00 : f32
    %logistic3A_1576 = vector.broadcast %logistic3A_1575 : f32 to vector<1600x128xf32>
    %logistic3A_1577 = arith.addf %logistic3A_1576, %logistic3A_1574 : vector<1600x128xf32>
    %logistic3A_1578 = arith.divf %logistic3A_1576, %logistic3A_1577 : vector<1600x128xf32>
    %select_n3A_1579 = arith.select %eq3A_1572, %logistic3A_1578, %add3A_1403 : vector<1600x128xi1>, vector<1600x128xf32>
    %swap3A_1580 = arith.constant 200 : index
    %swap3A_1581 = arith.constant 0 : index
    %swap3A_1582 = vector.load %arg53[%swap3A_1580, %swap3A_1581] : memref<400x128xf32, #tpu.memory_space<vmem>>, vector<100x128xf32>
    tpu.vector_store %arg53[%swap3A_1580, %swap3A_1581], %add3A_1490 {strides = array<i32>} : memref<400x128xf32, #tpu.memory_space<vmem>>, vector<100x128xf32>,
    %swap3A_1583 = arith.constant 3200 : index
    %swap3A_1584 = arith.constant 0 : index
    %swap3A_1585 = vector.load %arg54[%swap3A_1583, %swap3A_1584] : memref<6400x128xf32, #tpu.memory_space<vmem>>, vector<1600x128xf32>
    tpu.vector_store %arg54[%swap3A_1583, %swap3A_1584], %select_n3A_1579 {strides = array<i32>} : memref<6400x128xf32, #tpu.memory_space<vmem>>, vector<1600x128xf32>,
    %swap3A_1586 = arith.constant 2 : index
    %swap3A_1587 = arith.constant 0 : index
    %swap3A_1588 = arith.constant 0 : index
    %swap3A_1589 = vector.load %arg55[%swap3A_1586, %swap3A_1587, %swap3A_1588] : memref<4x1x693xf32, #tpu.memory_space<vmem>>, vector<1x1x693xf32>
    %swap3A_1590 = vector.shape_cast %swap3A_1589 : vector<1x1x693xf32> to vector<1x693xf32>
    %swap3A_1591 = vector.shape_cast %add3A_1568 : vector<1x693xf32> to vector<1x1x693xf32>
    tpu.vector_store %arg55[%swap3A_1586, %swap3A_1587, %swap3A_1588], %swap3A_1591 {strides = array<i32>} : memref<4x1x693xf32, #tpu.memory_space<vmem>>, vector<1x1x693xf32>,
    %get3A_1592 = arith.constant 300 : index
    %get3A_1593 = arith.constant 0 : index
    %get3A_1594 = vector.load %arg1[%get3A_1592, %get3A_1593] : memref<400x128xf32, #tpu.memory_space<vmem>>, vector<100x128xf32>
    %get3A_1595 = arith.constant 0 : index
    %get3A_1596 = arith.constant 4800 : index
    %get3A_1597 = vector.load %arg2[%get3A_1595, %get3A_1596] : memref<16x6400xf32, #tpu.memory_space<vmem>>, vector<16x1600xf32>
    %get3A_1598 = arith.constant 3 : index
    %get3A_1599 = arith.constant 0 : index
    %get3A_1600 = arith.constant 0 : index
    %get3A_1601 = vector.load %arg3[%get3A_1598, %get3A_1599, %get3A_1600] : memref<4x1x1600xi32, #tpu.memory_space<vmem>>, vector<1x1x1600xi32>
    %get3A_1602 = vector.shape_cast %get3A_1601 : vector<1x1x1600xi32> to vector<1x1600xi32>
    %get3A_1603 = arith.constant 3 : index
    %get3A_1604 = arith.constant 0 : index
    %get3A_1605 = arith.constant 0 : index
    %get3A_1606 = vector.load %arg4[%get3A_1603, %get3A_1604, %get3A_1605] : memref<4x1x1600xi32, #tpu.memory_space<vmem>>, vector<1x1x1600xi32>
    %get3A_1607 = vector.shape_cast %get3A_1606 : vector<1x1x1600xi32> to vector<1x1600xi32>
    %iota3A_1608 = tpu.iota {dimensions = array<i32: 0>} : vector<100x1600xi32>
    %eq3A_1609 = vector.broadcast %get3A_1602 : vector<1x1600xi32> to vector<100x1600xi32>
    %eq3A_1610 = arith.cmpi eq, %iota3A_1608, %eq3A_1609 : vector<100x1600xi32>
    %convert_element_type3A_1611 = arith.extui %eq3A_1610 : vector<100x1600xi1> to vector<100x1600xi32>
    %convert_element_type3A_1612 = arith.sitofp %convert_element_type3A_1611 : vector<100x1600xi32> to vector<100x1600xf32>
    %eq3A_1613 = vector.broadcast %get3A_1607 : vector<1x1600xi32> to vector<100x1600xi32>
    %eq3A_1614 = arith.cmpi eq, %iota3A_1608, %eq3A_1613 : vector<100x1600xi32>
    %convert_element_type3A_1615 = arith.extui %eq3A_1614 : vector<100x1600xi1> to vector<100x1600xi32>
    %convert_element_type3A_1616 = arith.sitofp %convert_element_type3A_1615 : vector<100x1600xi32> to vector<100x1600xf32>
    %get3A_1617 = arith.constant 4800 : index
    %get3A_1618 = arith.constant 0 : index
    %get3A_1619 = vector.load %arg5[%get3A_1617, %get3A_1618] : memref<6400x128xf32, #tpu.memory_space<vmem>>, vector<1600x128xf32>
    %get3A_1620 = arith.constant 0 : index
    %get3A_1621 = arith.constant 0 : index
    %get3A_1622 = vector.load %arg8[%get3A_1620, %get3A_1621] : memref<128x128xf32, #tpu.memory_space<vmem>>, vector<128x128xf32>
    %convert_element_type3A_1623 = arith.truncf %get3A_1594 : vector<100x128xf32> to vector<100x128xbf16>
    %convert_element_type3A_1624 = arith.truncf %get3A_1622 : vector<128x128xf32> to vector<128x128xbf16>
    %dot_general3A_1625 = arith.constant dense<0.000000e+00> : vector<100x128xf32>
    %dot_general3A_1626 = tpu.matmul %convert_element_type3A_1623, %convert_element_type3A_1624, %dot_general3A_1625 {dimension_numbers = #tpu.dot_dimension_numbers<[1], [0], [0], [1], [0, 0, 1, 1], [], []>, transpose_lhs_hint = false} : vector<100x128xbf16>, vector<128x128xbf16>, vector<100x128xf32> -> vector<100x128xf32>
    %get3A_1627 = arith.constant 0 : index
    %get3A_1628 = arith.constant 0 : index
    %get3A_1629 = vector.load %arg6[%get3A_1627, %get3A_1628] : memref<16x128xf32, #tpu.memory_space<vmem>>, vector<16x128xf32>
    %convert_element_type3A_1630 = arith.truncf %get3A_1597 : vector<16x1600xf32> to vector<16x1600xbf16>
    %convert_element_type3A_1631 = arith.truncf %get3A_1629 : vector<16x128xf32> to vector<16x128xbf16>
    %dot_general3A_1632 = arith.constant dense<0.000000e+00> : vector<1600x128xf32>
    %dot_general3A_1633 = tpu.matmul %convert_element_type3A_1630, %convert_element_type3A_1631, %dot_general3A_1632 {dimension_numbers = #tpu.dot_dimension_numbers<[0], [0], [1], [1], [0, 1, 1, 1], [], []>, transpose_lhs_hint = false} : vector<16x1600xbf16>, vector<16x128xbf16>, vector<1600x128xf32> -> vector<1600x128xf32>
    %add3A_1634 = arith.addf %dot_general3A_1633, %get3A_1619 : vector<1600x128xf32>
    %convert_element_type3A_1635 = arith.truncf %convert_element_type3A_1616 : vector<100x1600xf32> to vector<100x1600xbf16>
    %convert_element_type3A_1636 = arith.truncf %dot_general3A_1626 : vector<100x128xf32> to vector<100x128xbf16>
    %dot_general3A_1637 = arith.constant dense<0.000000e+00> : vector<1600x128xf32>
    %dot_general3A_1638 = tpu.matmul %convert_element_type3A_1635, %convert_element_type3A_1636, %dot_general3A_1637 {dimension_numbers = #tpu.dot_dimension_numbers<[0], [0], [1], [1], [0, 1, 1, 1], [], []>, transpose_lhs_hint = false} : vector<100x1600xbf16>, vector<100x128xbf16>, vector<1600x128xf32> -> vector<1600x128xf32>
    %add3A_1639 = arith.addf %add3A_1634, %dot_general3A_1638 : vector<1600x128xf32>
    %get3A_1640 = arith.constant 0 : index
    %get3A_1641 = arith.constant 0 : index
    %get3A_1642 = vector.load %arg9[%get3A_1640, %get3A_1641] : memref<1x128xf32, #tpu.memory_space<vmem>>, vector<1x128xf32>
    %add3A_1643 = vector.broadcast %get3A_1642 : vector<1x128xf32> to vector<1600x128xf32>
    %add3A_1644 = arith.addf %add3A_1639, %add3A_1643 : vector<1600x128xf32>
    %max3A_1645 = arith.constant 0.000000e+00 : f32
    %max3A_1646 = vector.broadcast %max3A_1645 : f32 to vector<1600x128xf32>
    %max3A_1647 = arith.maximumf %add3A_1644, %max3A_1646 : vector<1600x128xf32>
    %get3A_1648 = arith.constant 0 : index
    %get3A_1649 = arith.constant 0 : index
    %get3A_1650 = vector.load %arg10[%get3A_1648, %get3A_1649] : memref<128x128xf32, #tpu.memory_space<vmem>>, vector<128x128xf32>
    %convert_element_type3A_1651 = arith.truncf %max3A_1647 : vector<1600x128xf32> to vector<1600x128xbf16>
    %convert_element_type3A_1652 = arith.truncf %get3A_1650 : vector<128x128xf32> to vector<128x128xbf16>
    %dot_general3A_1653 = arith.constant dense<0.000000e+00> : vector<1600x128xf32>
    %dot_general3A_1654 = tpu.matmul %convert_element_type3A_1651, %convert_element_type3A_1652, %dot_general3A_1653 {dimension_numbers = #tpu.dot_dimension_numbers<[1], [0], [0], [1], [0, 0, 1, 1], [], []>, transpose_lhs_hint = false} : vector<1600x128xbf16>, vector<128x128xbf16>, vector<1600x128xf32> -> vector<1600x128xf32>
    %get3A_1655 = arith.constant 0 : index
    %get3A_1656 = arith.constant 0 : index
    %get3A_1657 = vector.load %arg11[%get3A_1655, %get3A_1656] : memref<1x128xf32, #tpu.memory_space<vmem>>, vector<1x128xf32>
    %add3A_1658 = vector.broadcast %get3A_1657 : vector<1x128xf32> to vector<1600x128xf32>
    %add3A_1659 = arith.addf %dot_general3A_1654, %add3A_1658 : vector<1600x128xf32>
    %max3A_1660 = arith.constant 0.000000e+00 : f32
    %max3A_1661 = vector.broadcast %max3A_1660 : f32 to vector<1600x128xf32>
    %max3A_1662 = arith.maximumf %add3A_1659, %max3A_1661 : vector<1600x128xf32>
    %get3A_1663 = arith.constant 0 : index
    %get3A_1664 = arith.constant 0 : index
    %get3A_1665 = vector.load %arg12[%get3A_1663, %get3A_1664] : memref<1x128xf32, #tpu.memory_space<vmem>>, vector<1x128xf32>
    %get3A_1666 = arith.constant 0 : index
    %get3A_1667 = arith.constant 0 : index
    %get3A_1668 = vector.load %arg13[%get3A_1666, %get3A_1667] : memref<1x128xf32, #tpu.memory_space<vmem>>, vector<1x128xf32>
    %reduce_sum3A_1669 = arith.constant dense<0.000000e+00> : vector<1600xf32>
    %reduce_sum3A_1670 = vector.multi_reduction <add>, %max3A_1662, %reduce_sum3A_1669 [1] : vector<1600x128xf32> to vector<1600xf32>
    %broadcast_in_dim3A_1671 = vector.shape_cast %reduce_sum3A_1670 : vector<1600xf32> to vector<1600x1xf32>
    %div3A_1672 = arith.constant 1.280000e+02 : f32
    %div3A_1673 = vector.broadcast %div3A_1672 : f32 to vector<1600x1xf32>
    %div3A_1674 = arith.divf %broadcast_in_dim3A_1671, %div3A_1673 : vector<1600x1xf32>
    %mul3A_1675 = arith.mulf %max3A_1662, %max3A_1662 : vector<1600x128xf32>
    %reduce_sum3A_1676 = arith.constant dense<0.000000e+00> : vector<1600xf32>
    %reduce_sum3A_1677 = vector.multi_reduction <add>, %mul3A_1675, %reduce_sum3A_1676 [1] : vector<1600x128xf32> to vector<1600xf32>
    %broadcast_in_dim3A_1678 = vector.shape_cast %reduce_sum3A_1677 : vector<1600xf32> to vector<1600x1xf32>
    %div3A_1679 = arith.constant 1.280000e+02 : f32
    %div3A_1680 = vector.broadcast %div3A_1679 : f32 to vector<1600x1xf32>
    %div3A_1681 = arith.divf %broadcast_in_dim3A_1678, %div3A_1680 : vector<1600x1xf32>
    %mul3A_1682 = arith.mulf %div3A_1674, %div3A_1674 : vector<1600x1xf32>
    %sub3A_1683 = arith.subf %div3A_1681, %mul3A_1682 : vector<1600x1xf32>
    %sub3A_1684 = vector.broadcast %div3A_1674 : vector<1600x1xf32> to vector<1600x128xf32>
    %sub3A_1685 = arith.subf %max3A_1662, %sub3A_1684 : vector<1600x128xf32>
    %add3A_1686 = arith.constant 9.99999974E-6 : f32
    %add3A_1687 = vector.broadcast %add3A_1686 : f32 to vector<1600x1xf32>
    %add3A_1688 = arith.addf %sub3A_1683, %add3A_1687 : vector<1600x1xf32>
    %rsqrt3A_1689 = math.rsqrt %add3A_1688 : vector<1600x1xf32>
    %mul3A_1690 = vector.broadcast %rsqrt3A_1689 : vector<1600x1xf32> to vector<1600x128xf32>
    %mul3A_1691 = arith.mulf %sub3A_1685, %mul3A_1690 : vector<1600x128xf32>
    %mul3A_1692 = vector.broadcast %get3A_1665 : vector<1x128xf32> to vector<1600x128xf32>
    %mul3A_1693 = arith.mulf %mul3A_1691, %mul3A_1692 : vector<1600x128xf32>
    %add3A_1694 = vector.broadcast %get3A_1668 : vector<1x128xf32> to vector<1600x128xf32>
    %add3A_1695 = arith.addf %mul3A_1693, %add3A_1694 : vector<1600x128xf32>
    %convert_element_type3A_1696 = arith.truncf %convert_element_type3A_1612 : vector<100x1600xf32> to vector<100x1600xbf16>
    %convert_element_type3A_1697 = arith.truncf %add3A_1695 : vector<1600x128xf32> to vector<1600x128xbf16>
    %dot_general3A_1698 = arith.constant dense<0.000000e+00> : vector<100x128xf32>
    %dot_general3A_1699 = tpu.matmul %convert_element_type3A_1696, %convert_element_type3A_1697, %dot_general3A_1698 {dimension_numbers = #tpu.dot_dimension_numbers<[1], [0], [0], [1], [0, 0, 1, 1], [], []>, transpose_lhs_hint = false} : vector<100x1600xbf16>, vector<1600x128xbf16>, vector<100x128xf32> -> vector<100x128xf32>
    %reduce_sum3A_1700 = arith.constant dense<0.000000e+00> : vector<128xf32>
    %reduce_sum3A_1701 = vector.multi_reduction <add>, %add3A_1695, %reduce_sum3A_1700 [0] : vector<1600x128xf32> to vector<128xf32>
    %broadcast_in_dim3A_1702 = vector.shape_cast %reduce_sum3A_1701 : vector<128xf32> to vector<1x128xf32>
    %get3A_1703 = arith.constant 0 : index
    %get3A_1704 = arith.constant 0 : index
    %get3A_1705 = vector.load %arg14[%get3A_1703, %get3A_1704] : memref<128x128xf32, #tpu.memory_space<vmem>>, vector<128x128xf32>
    %convert_element_type3A_1706 = arith.truncf %dot_general3A_1699 : vector<100x128xf32> to vector<100x128xbf16>
    %convert_element_type3A_1707 = arith.truncf %get3A_1705 : vector<128x128xf32> to vector<128x128xbf16>
    %dot_general3A_1708 = arith.constant dense<0.000000e+00> : vector<100x128xf32>
    %dot_general3A_1709 = tpu.matmul %convert_element_type3A_1706, %convert_element_type3A_1707, %dot_general3A_1708 {dimension_numbers = #tpu.dot_dimension_numbers<[1], [0], [0], [1], [0, 0, 1, 1], [], []>, transpose_lhs_hint = false} : vector<100x128xbf16>, vector<128x128xbf16>, vector<100x128xf32> -> vector<100x128xf32>
    %get3A_1710 = arith.constant 0 : index
    %get3A_1711 = arith.constant 0 : index
    %get3A_1712 = vector.load %arg15[%get3A_1710, %get3A_1711] : memref<128x128xf32, #tpu.memory_space<vmem>>, vector<128x128xf32>
    %convert_element_type3A_1713 = arith.truncf %get3A_1594 : vector<100x128xf32> to vector<100x128xbf16>
    %convert_element_type3A_1714 = arith.truncf %get3A_1712 : vector<128x128xf32> to vector<128x128xbf16>
    %dot_general3A_1715 = arith.constant dense<0.000000e+00> : vector<100x128xf32>
    %dot_general3A_1716 = tpu.matmul %convert_element_type3A_1713, %convert_element_type3A_1714, %dot_general3A_1715 {dimension_numbers = #tpu.dot_dimension_numbers<[1], [0], [0], [1], [0, 0, 1, 1], [], []>, transpose_lhs_hint = false} : vector<100x128xbf16>, vector<128x128xbf16>, vector<100x128xf32> -> vector<100x128xf32>
    %add3A_1717 = arith.addf %dot_general3A_1709, %dot_general3A_1716 : vector<100x128xf32>
    %get3A_1718 = arith.constant 0 : index
    %get3A_1719 = arith.constant 0 : index
    %get3A_1720 = vector.load %arg16[%get3A_1718, %get3A_1719] : memref<1x128xf32, #tpu.memory_space<vmem>>, vector<1x128xf32>
    %add3A_1721 = vector.broadcast %get3A_1720 : vector<1x128xf32> to vector<100x128xf32>
    %add3A_1722 = arith.addf %add3A_1717, %add3A_1721 : vector<100x128xf32>
    %max3A_1723 = arith.constant 0.000000e+00 : f32
    %max3A_1724 = vector.broadcast %max3A_1723 : f32 to vector<100x128xf32>
    %max3A_1725 = arith.maximumf %add3A_1722, %max3A_1724 : vector<100x128xf32>
    %get3A_1726 = arith.constant 0 : index
    %get3A_1727 = arith.constant 0 : index
    %get3A_1728 = vector.load %arg17[%get3A_1726, %get3A_1727] : memref<128x128xf32, #tpu.memory_space<vmem>>, vector<128x128xf32>
    %convert_element_type3A_1729 = arith.truncf %max3A_1725 : vector<100x128xf32> to vector<100x128xbf16>
    %convert_element_type3A_1730 = arith.truncf %get3A_1728 : vector<128x128xf32> to vector<128x128xbf16>
    %dot_general3A_1731 = arith.constant dense<0.000000e+00> : vector<100x128xf32>
    %dot_general3A_1732 = tpu.matmul %convert_element_type3A_1729, %convert_element_type3A_1730, %dot_general3A_1731 {dimension_numbers = #tpu.dot_dimension_numbers<[1], [0], [0], [1], [0, 0, 1, 1], [], []>, transpose_lhs_hint = false} : vector<100x128xbf16>, vector<128x128xbf16>, vector<100x128xf32> -> vector<100x128xf32>
    %get3A_1733 = arith.constant 0 : index
    %get3A_1734 = arith.constant 0 : index
    %get3A_1735 = vector.load %arg18[%get3A_1733, %get3A_1734] : memref<1x128xf32, #tpu.memory_space<vmem>>, vector<1x128xf32>
    %add3A_1736 = vector.broadcast %get3A_1735 : vector<1x128xf32> to vector<100x128xf32>
    %add3A_1737 = arith.addf %dot_general3A_1732, %add3A_1736 : vector<100x128xf32>
    %max3A_1738 = arith.constant 0.000000e+00 : f32
    %max3A_1739 = vector.broadcast %max3A_1738 : f32 to vector<100x128xf32>
    %max3A_1740 = arith.maximumf %add3A_1737, %max3A_1739 : vector<100x128xf32>
    %get3A_1741 = arith.constant 0 : index
    %get3A_1742 = arith.constant 0 : index
    %get3A_1743 = vector.load %arg19[%get3A_1741, %get3A_1742] : memref<1x128xf32, #tpu.memory_space<vmem>>, vector<1x128xf32>
    %get3A_1744 = arith.constant 0 : index
    %get3A_1745 = arith.constant 0 : index
    %get3A_1746 = vector.load %arg20[%get3A_1744, %get3A_1745] : memref<1x128xf32, #tpu.memory_space<vmem>>, vector<1x128xf32>
    %reduce_sum3A_1747 = arith.constant dense<0.000000e+00> : vector<100xf32>
    %reduce_sum3A_1748 = vector.multi_reduction <add>, %max3A_1740, %reduce_sum3A_1747 [1] : vector<100x128xf32> to vector<100xf32>
    %broadcast_in_dim3A_1749 = vector.shape_cast %reduce_sum3A_1748 : vector<100xf32> to vector<100x1xf32>
    %div3A_1750 = arith.constant 1.280000e+02 : f32
    %div3A_1751 = vector.broadcast %div3A_1750 : f32 to vector<100x1xf32>
    %div3A_1752 = arith.divf %broadcast_in_dim3A_1749, %div3A_1751 : vector<100x1xf32>
    %mul3A_1753 = arith.mulf %max3A_1740, %max3A_1740 : vector<100x128xf32>
    %reduce_sum3A_1754 = arith.constant dense<0.000000e+00> : vector<100xf32>
    %reduce_sum3A_1755 = vector.multi_reduction <add>, %mul3A_1753, %reduce_sum3A_1754 [1] : vector<100x128xf32> to vector<100xf32>
    %broadcast_in_dim3A_1756 = vector.shape_cast %reduce_sum3A_1755 : vector<100xf32> to vector<100x1xf32>
    %div3A_1757 = arith.constant 1.280000e+02 : f32
    %div3A_1758 = vector.broadcast %div3A_1757 : f32 to vector<100x1xf32>
    %div3A_1759 = arith.divf %broadcast_in_dim3A_1756, %div3A_1758 : vector<100x1xf32>
    %mul3A_1760 = arith.mulf %div3A_1752, %div3A_1752 : vector<100x1xf32>
    %sub3A_1761 = arith.subf %div3A_1759, %mul3A_1760 : vector<100x1xf32>
    %sub3A_1762 = vector.broadcast %div3A_1752 : vector<100x1xf32> to vector<100x128xf32>
    %sub3A_1763 = arith.subf %max3A_1740, %sub3A_1762 : vector<100x128xf32>
    %add3A_1764 = arith.constant 9.99999974E-6 : f32
    %add3A_1765 = vector.broadcast %add3A_1764 : f32 to vector<100x1xf32>
    %add3A_1766 = arith.addf %sub3A_1761, %add3A_1765 : vector<100x1xf32>
    %rsqrt3A_1767 = math.rsqrt %add3A_1766 : vector<100x1xf32>
    %mul3A_1768 = vector.broadcast %rsqrt3A_1767 : vector<100x1xf32> to vector<100x128xf32>
    %mul3A_1769 = arith.mulf %sub3A_1763, %mul3A_1768 : vector<100x128xf32>
    %mul3A_1770 = vector.broadcast %get3A_1743 : vector<1x128xf32> to vector<100x128xf32>
    %mul3A_1771 = arith.mulf %mul3A_1769, %mul3A_1770 : vector<100x128xf32>
    %add3A_1772 = vector.broadcast %get3A_1746 : vector<1x128xf32> to vector<100x128xf32>
    %add3A_1773 = arith.addf %mul3A_1771, %add3A_1772 : vector<100x128xf32>
    %reduce_sum3A_1774 = arith.constant dense<0.000000e+00> : vector<128xf32>
    %reduce_sum3A_1775 = vector.multi_reduction <add>, %add3A_1773, %reduce_sum3A_1774 [0] : vector<100x128xf32> to vector<128xf32>
    %broadcast_in_dim3A_1776 = vector.shape_cast %reduce_sum3A_1775 : vector<128xf32> to vector<1x128xf32>
    %get3A_1777 = arith.constant 0 : index
    %get3A_1778 = arith.constant 0 : index
    %get3A_1779 = vector.load %arg21[%get3A_1777, %get3A_1778] : memref<128x693xf32, #tpu.memory_space<vmem>>, vector<128x693xf32>
    %convert_element_type3A_1780 = arith.truncf %broadcast_in_dim3A_1702 : vector<1x128xf32> to vector<1x128xbf16>
    %convert_element_type3A_1781 = arith.truncf %get3A_1779 : vector<128x693xf32> to vector<128x693xbf16>
    %dot_general3A_1782 = arith.constant dense<0.000000e+00> : vector<1x693xf32>
    %dot_general3A_1783 = tpu.matmul %convert_element_type3A_1780, %convert_element_type3A_1781, %dot_general3A_1782 {dimension_numbers = #tpu.dot_dimension_numbers<[1], [0], [0], [1], [0, 0, 1, 1], [], []>, transpose_lhs_hint = false} : vector<1x128xbf16>, vector<128x693xbf16>, vector<1x693xf32> -> vector<1x693xf32>
    %get3A_1784 = arith.constant 0 : index
    %get3A_1785 = arith.constant 0 : index
    %get3A_1786 = vector.load %arg22[%get3A_1784, %get3A_1785] : memref<128x693xf32, #tpu.memory_space<vmem>>, vector<128x693xf32>
    %convert_element_type3A_1787 = arith.truncf %broadcast_in_dim3A_1776 : vector<1x128xf32> to vector<1x128xbf16>
    %convert_element_type3A_1788 = arith.truncf %get3A_1786 : vector<128x693xf32> to vector<128x693xbf16>
    %dot_general3A_1789 = arith.constant dense<0.000000e+00> : vector<1x693xf32>
    %dot_general3A_1790 = tpu.matmul %convert_element_type3A_1787, %convert_element_type3A_1788, %dot_general3A_1789 {dimension_numbers = #tpu.dot_dimension_numbers<[1], [0], [0], [1], [0, 0, 1, 1], [], []>, transpose_lhs_hint = false} : vector<1x128xbf16>, vector<128x693xbf16>, vector<1x693xf32> -> vector<1x693xf32>
    %add3A_1791 = arith.addf %dot_general3A_1783, %dot_general3A_1790 : vector<1x693xf32>
    %get3A_1792 = arith.constant 0 : index
    %get3A_1793 = arith.constant 0 : index
    %get3A_1794 = vector.load %arg23[%get3A_1792, %get3A_1793] : memref<1x693xf32, #tpu.memory_space<vmem>>, vector<1x693xf32>
    %add3A_1795 = arith.addf %add3A_1791, %get3A_1794 : vector<1x693xf32>
    %max3A_1796 = arith.constant 0.000000e+00 : f32
    %max3A_1797 = vector.broadcast %max3A_1796 : f32 to vector<1x693xf32>
    %max3A_1798 = arith.maximumf %add3A_1795, %max3A_1797 : vector<1x693xf32>
    %get3A_1799 = arith.constant 0 : index
    %get3A_1800 = arith.constant 0 : index
    %get3A_1801 = vector.load %arg24[%get3A_1799, %get3A_1800] : memref<693x693xf32, #tpu.memory_space<vmem>>, vector<693x693xf32>
    %convert_element_type3A_1802 = arith.truncf %max3A_1798 : vector<1x693xf32> to vector<1x693xbf16>
    %convert_element_type3A_1803 = arith.truncf %get3A_1801 : vector<693x693xf32> to vector<693x693xbf16>
    %dot_general3A_1804 = arith.constant dense<0.000000e+00> : vector<1x693xf32>
    %dot_general3A_1805 = tpu.matmul %convert_element_type3A_1802, %convert_element_type3A_1803, %dot_general3A_1804 {dimension_numbers = #tpu.dot_dimension_numbers<[1], [0], [0], [1], [0, 0, 1, 1], [], []>, transpose_lhs_hint = false} : vector<1x693xbf16>, vector<693x693xbf16>, vector<1x693xf32> -> vector<1x693xf32>
    %get3A_1806 = arith.constant 0 : index
    %get3A_1807 = arith.constant 0 : index
    %get3A_1808 = vector.load %arg25[%get3A_1806, %get3A_1807] : memref<1x693xf32, #tpu.memory_space<vmem>>, vector<1x693xf32>
    %add3A_1809 = arith.addf %dot_general3A_1805, %get3A_1808 : vector<1x693xf32>
    %max3A_1810 = arith.constant 0.000000e+00 : f32
    %max3A_1811 = vector.broadcast %max3A_1810 : f32 to vector<1x693xf32>
    %max3A_1812 = arith.maximumf %add3A_1809, %max3A_1811 : vector<1x693xf32>
    %get3A_1813 = arith.constant 0 : index
    %get3A_1814 = arith.constant 0 : index
    %get3A_1815 = vector.load %arg26[%get3A_1813, %get3A_1814] : memref<1x693xf32, #tpu.memory_space<vmem>>, vector<1x693xf32>
    %get3A_1816 = arith.constant 0 : index
    %get3A_1817 = arith.constant 0 : index
    %get3A_1818 = vector.load %arg27[%get3A_1816, %get3A_1817] : memref<1x693xf32, #tpu.memory_space<vmem>>, vector<1x693xf32>
    %reduce_sum3A_1819 = arith.constant dense<0.000000e+00> : vector<1xf32>
    %reduce_sum3A_1820 = vector.multi_reduction <add>, %max3A_1812, %reduce_sum3A_1819 [1] : vector<1x693xf32> to vector<1xf32>
    %broadcast_in_dim3A_1821 = vector.shape_cast %reduce_sum3A_1820 : vector<1xf32> to vector<1x1xf32>
    %div3A_1822 = arith.constant 6.930000e+02 : f32
    %div3A_1823 = vector.broadcast %div3A_1822 : f32 to vector<1x1xf32>
    %div3A_1824 = arith.divf %broadcast_in_dim3A_1821, %div3A_1823 : vector<1x1xf32>
    %mul3A_1825 = arith.mulf %max3A_1812, %max3A_1812 : vector<1x693xf32>
    %reduce_sum3A_1826 = arith.constant dense<0.000000e+00> : vector<1xf32>
    %reduce_sum3A_1827 = vector.multi_reduction <add>, %mul3A_1825, %reduce_sum3A_1826 [1] : vector<1x693xf32> to vector<1xf32>
    %broadcast_in_dim3A_1828 = vector.shape_cast %reduce_sum3A_1827 : vector<1xf32> to vector<1x1xf32>
    %div3A_1829 = arith.constant 6.930000e+02 : f32
    %div3A_1830 = vector.broadcast %div3A_1829 : f32 to vector<1x1xf32>
    %div3A_1831 = arith.divf %broadcast_in_dim3A_1828, %div3A_1830 : vector<1x1xf32>
    %mul3A_1832 = arith.mulf %div3A_1824, %div3A_1824 : vector<1x1xf32>
    %sub3A_1833 = arith.subf %div3A_1831, %mul3A_1832 : vector<1x1xf32>
    %sub3A_1834 = vector.broadcast %div3A_1824 : vector<1x1xf32> to vector<1x693xf32>
    %sub3A_1835 = arith.subf %max3A_1812, %sub3A_1834 : vector<1x693xf32>
    %add3A_1836 = arith.constant 9.99999974E-6 : f32
    %add3A_1837 = vector.broadcast %add3A_1836 : f32 to vector<1x1xf32>
    %add3A_1838 = arith.addf %sub3A_1833, %add3A_1837 : vector<1x1xf32>
    %rsqrt3A_1839 = math.rsqrt %add3A_1838 : vector<1x1xf32>
    %mul3A_1840 = vector.broadcast %rsqrt3A_1839 : vector<1x1xf32> to vector<1x693xf32>
    %mul3A_1841 = arith.mulf %sub3A_1835, %mul3A_1840 : vector<1x693xf32>
    %mul3A_1842 = arith.mulf %mul3A_1841, %get3A_1815 : vector<1x693xf32>
    %add3A_1843 = arith.addf %mul3A_1842, %get3A_1818 : vector<1x693xf32>
    %get3A_1844 = arith.constant 0 : index
    %get3A_1845 = arith.constant 0 : index
    %get3A_1846 = vector.load %arg29[%get3A_1844, %get3A_1845] : memref<128x128xf32, #tpu.memory_space<vmem>>, vector<128x128xf32>
    %convert_element_type3A_1847 = arith.truncf %add3A_1773 : vector<100x128xf32> to vector<100x128xbf16>
    %convert_element_type3A_1848 = arith.truncf %get3A_1846 : vector<128x128xf32> to vector<128x128xbf16>
    %dot_general3A_1849 = arith.constant dense<0.000000e+00> : vector<100x128xf32>
    %dot_general3A_1850 = tpu.matmul %convert_element_type3A_1847, %convert_element_type3A_1848, %dot_general3A_1849 {dimension_numbers = #tpu.dot_dimension_numbers<[1], [0], [0], [1], [0, 0, 1, 1], [], []>, transpose_lhs_hint = false} : vector<100x128xbf16>, vector<128x128xbf16>, vector<100x128xf32> -> vector<100x128xf32>
    %get3A_1851 = arith.constant 0 : index
    %get3A_1852 = arith.constant 0 : index
    %get3A_1853 = vector.load %arg30[%get3A_1851, %get3A_1852] : memref<128x128xf32, #tpu.memory_space<vmem>>, vector<128x128xf32>
    %convert_element_type3A_1854 = arith.truncf %add3A_1773 : vector<100x128xf32> to vector<100x128xbf16>
    %convert_element_type3A_1855 = arith.truncf %get3A_1853 : vector<128x128xf32> to vector<128x128xbf16>
    %dot_general3A_1856 = arith.constant dense<0.000000e+00> : vector<100x128xf32>
    %dot_general3A_1857 = tpu.matmul %convert_element_type3A_1854, %convert_element_type3A_1855, %dot_general3A_1856 {dimension_numbers = #tpu.dot_dimension_numbers<[1], [0], [0], [1], [0, 0, 1, 1], [], []>, transpose_lhs_hint = false} : vector<100x128xbf16>, vector<128x128xbf16>, vector<100x128xf32> -> vector<100x128xf32>
    %get3A_1858 = arith.constant 0 : index
    %get3A_1859 = arith.constant 0 : index
    %get3A_1860 = vector.load %arg31[%get3A_1858, %get3A_1859] : memref<693x128xf32, #tpu.memory_space<vmem>>, vector<693x128xf32>
    %convert_element_type3A_1861 = arith.truncf %add3A_1843 : vector<1x693xf32> to vector<1x693xbf16>
    %convert_element_type3A_1862 = arith.truncf %get3A_1860 : vector<693x128xf32> to vector<693x128xbf16>
    %dot_general3A_1863 = arith.constant dense<0.000000e+00> : vector<1x128xf32>
    %dot_general3A_1864 = tpu.matmul %convert_element_type3A_1861, %convert_element_type3A_1862, %dot_general3A_1863 {dimension_numbers = #tpu.dot_dimension_numbers<[1], [0], [0], [1], [0, 0, 1, 1], [], []>, transpose_lhs_hint = false} : vector<1x693xbf16>, vector<693x128xbf16>, vector<1x128xf32> -> vector<1x128xf32>
    %get3A_1865 = arith.constant 0 : index
    %get3A_1866 = arith.constant 0 : index
    %get3A_1867 = vector.load %arg28[%get3A_1865, %get3A_1866] : memref<128x128xf32, #tpu.memory_space<vmem>>, vector<128x128xf32>
    %convert_element_type3A_1868 = arith.truncf %add3A_1695 : vector<1600x128xf32> to vector<1600x128xbf16>
    %convert_element_type3A_1869 = arith.truncf %get3A_1867 : vector<128x128xf32> to vector<128x128xbf16>
    %dot_general3A_1870 = arith.constant dense<0.000000e+00> : vector<1600x128xf32>
    %dot_general3A_1871 = tpu.matmul %convert_element_type3A_1868, %convert_element_type3A_1869, %dot_general3A_1870 {dimension_numbers = #tpu.dot_dimension_numbers<[1], [0], [0], [1], [0, 0, 1, 1], [], []>, transpose_lhs_hint = false} : vector<1600x128xbf16>, vector<128x128xbf16>, vector<1600x128xf32> -> vector<1600x128xf32>
    %convert_element_type3A_1872 = arith.truncf %convert_element_type3A_1612 : vector<100x1600xf32> to vector<100x1600xbf16>
    %convert_element_type3A_1873 = arith.truncf %dot_general3A_1850 : vector<100x128xf32> to vector<100x128xbf16>
    %dot_general3A_1874 = arith.constant dense<0.000000e+00> : vector<1600x128xf32>
    %dot_general3A_1875 = tpu.matmul %convert_element_type3A_1872, %convert_element_type3A_1873, %dot_general3A_1874 {dimension_numbers = #tpu.dot_dimension_numbers<[0], [0], [1], [1], [0, 1, 1, 1], [], []>, transpose_lhs_hint = false} : vector<100x1600xbf16>, vector<100x128xbf16>, vector<1600x128xf32> -> vector<1600x128xf32>
    %add3A_1876 = arith.addf %dot_general3A_1871, %dot_general3A_1875 : vector<1600x128xf32>
    %convert_element_type3A_1877 = arith.truncf %convert_element_type3A_1616 : vector<100x1600xf32> to vector<100x1600xbf16>
    %convert_element_type3A_1878 = arith.truncf %dot_general3A_1857 : vector<100x128xf32> to vector<100x128xbf16>
    %dot_general3A_1879 = arith.constant dense<0.000000e+00> : vector<1600x128xf32>
    %dot_general3A_1880 = tpu.matmul %convert_element_type3A_1877, %convert_element_type3A_1878, %dot_general3A_1879 {dimension_numbers = #tpu.dot_dimension_numbers<[0], [0], [1], [1], [0, 1, 1, 1], [], []>, transpose_lhs_hint = false} : vector<100x1600xbf16>, vector<100x128xbf16>, vector<1600x128xf32> -> vector<1600x128xf32>
    %add3A_1881 = arith.addf %add3A_1876, %dot_general3A_1880 : vector<1600x128xf32>
    %add3A_1882 = vector.broadcast %dot_general3A_1864 : vector<1x128xf32> to vector<1600x128xf32>
    %add3A_1883 = arith.addf %add3A_1881, %add3A_1882 : vector<1600x128xf32>
    %get3A_1884 = arith.constant 0 : index
    %get3A_1885 = arith.constant 0 : index
    %get3A_1886 = vector.load %arg32[%get3A_1884, %get3A_1885] : memref<1x128xf32, #tpu.memory_space<vmem>>, vector<1x128xf32>
    %add3A_1887 = vector.broadcast %get3A_1886 : vector<1x128xf32> to vector<1600x128xf32>
    %add3A_1888 = arith.addf %add3A_1883, %add3A_1887 : vector<1600x128xf32>
    %max3A_1889 = arith.constant 0.000000e+00 : f32
    %max3A_1890 = vector.broadcast %max3A_1889 : f32 to vector<1600x128xf32>
    %max3A_1891 = arith.maximumf %add3A_1888, %max3A_1890 : vector<1600x128xf32>
    %get3A_1892 = arith.constant 0 : index
    %get3A_1893 = arith.constant 0 : index
    %get3A_1894 = vector.load %arg33[%get3A_1892, %get3A_1893] : memref<128x128xf32, #tpu.memory_space<vmem>>, vector<128x128xf32>
    %convert_element_type3A_1895 = arith.truncf %max3A_1891 : vector<1600x128xf32> to vector<1600x128xbf16>
    %convert_element_type3A_1896 = arith.truncf %get3A_1894 : vector<128x128xf32> to vector<128x128xbf16>
    %dot_general3A_1897 = arith.constant dense<0.000000e+00> : vector<1600x128xf32>
    %dot_general3A_1898 = tpu.matmul %convert_element_type3A_1895, %convert_element_type3A_1896, %dot_general3A_1897 {dimension_numbers = #tpu.dot_dimension_numbers<[1], [0], [0], [1], [0, 0, 1, 1], [], []>, transpose_lhs_hint = false} : vector<1600x128xbf16>, vector<128x128xbf16>, vector<1600x128xf32> -> vector<1600x128xf32>
    %get3A_1899 = arith.constant 0 : index
    %get3A_1900 = arith.constant 0 : index
    %get3A_1901 = vector.load %arg34[%get3A_1899, %get3A_1900] : memref<1x128xf32, #tpu.memory_space<vmem>>, vector<1x128xf32>
    %add3A_1902 = vector.broadcast %get3A_1901 : vector<1x128xf32> to vector<1600x128xf32>
    %add3A_1903 = arith.addf %dot_general3A_1898, %add3A_1902 : vector<1600x128xf32>
    %max3A_1904 = arith.constant 0.000000e+00 : f32
    %max3A_1905 = vector.broadcast %max3A_1904 : f32 to vector<1600x128xf32>
    %max3A_1906 = arith.maximumf %add3A_1903, %max3A_1905 : vector<1600x128xf32>
    %get3A_1907 = arith.constant 0 : index
    %get3A_1908 = arith.constant 0 : index
    %get3A_1909 = vector.load %arg35[%get3A_1907, %get3A_1908] : memref<1x128xf32, #tpu.memory_space<vmem>>, vector<1x128xf32>
    %get3A_1910 = arith.constant 0 : index
    %get3A_1911 = arith.constant 0 : index
    %get3A_1912 = vector.load %arg36[%get3A_1910, %get3A_1911] : memref<1x128xf32, #tpu.memory_space<vmem>>, vector<1x128xf32>
    %reduce_sum3A_1913 = arith.constant dense<0.000000e+00> : vector<1600xf32>
    %reduce_sum3A_1914 = vector.multi_reduction <add>, %max3A_1906, %reduce_sum3A_1913 [1] : vector<1600x128xf32> to vector<1600xf32>
    %broadcast_in_dim3A_1915 = vector.shape_cast %reduce_sum3A_1914 : vector<1600xf32> to vector<1600x1xf32>
    %div3A_1916 = arith.constant 1.280000e+02 : f32
    %div3A_1917 = vector.broadcast %div3A_1916 : f32 to vector<1600x1xf32>
    %div3A_1918 = arith.divf %broadcast_in_dim3A_1915, %div3A_1917 : vector<1600x1xf32>
    %mul3A_1919 = arith.mulf %max3A_1906, %max3A_1906 : vector<1600x128xf32>
    %reduce_sum3A_1920 = arith.constant dense<0.000000e+00> : vector<1600xf32>
    %reduce_sum3A_1921 = vector.multi_reduction <add>, %mul3A_1919, %reduce_sum3A_1920 [1] : vector<1600x128xf32> to vector<1600xf32>
    %broadcast_in_dim3A_1922 = vector.shape_cast %reduce_sum3A_1921 : vector<1600xf32> to vector<1600x1xf32>
    %div3A_1923 = arith.constant 1.280000e+02 : f32
    %div3A_1924 = vector.broadcast %div3A_1923 : f32 to vector<1600x1xf32>
    %div3A_1925 = arith.divf %broadcast_in_dim3A_1922, %div3A_1924 : vector<1600x1xf32>
    %mul3A_1926 = arith.mulf %div3A_1918, %div3A_1918 : vector<1600x1xf32>
    %sub3A_1927 = arith.subf %div3A_1925, %mul3A_1926 : vector<1600x1xf32>
    %sub3A_1928 = vector.broadcast %div3A_1918 : vector<1600x1xf32> to vector<1600x128xf32>
    %sub3A_1929 = arith.subf %max3A_1906, %sub3A_1928 : vector<1600x128xf32>
    %add3A_1930 = arith.constant 9.99999974E-6 : f32
    %add3A_1931 = vector.broadcast %add3A_1930 : f32 to vector<1600x1xf32>
    %add3A_1932 = arith.addf %sub3A_1927, %add3A_1931 : vector<1600x1xf32>
    %rsqrt3A_1933 = math.rsqrt %add3A_1932 : vector<1600x1xf32>
    %mul3A_1934 = vector.broadcast %rsqrt3A_1933 : vector<1600x1xf32> to vector<1600x128xf32>
    %mul3A_1935 = arith.mulf %sub3A_1929, %mul3A_1934 : vector<1600x128xf32>
    %mul3A_1936 = vector.broadcast %get3A_1909 : vector<1x128xf32> to vector<1600x128xf32>
    %mul3A_1937 = arith.mulf %mul3A_1935, %mul3A_1936 : vector<1600x128xf32>
    %add3A_1938 = vector.broadcast %get3A_1912 : vector<1x128xf32> to vector<1600x128xf32>
    %add3A_1939 = arith.addf %mul3A_1937, %add3A_1938 : vector<1600x128xf32>
    %convert_element_type3A_1940 = arith.truncf %convert_element_type3A_1612 : vector<100x1600xf32> to vector<100x1600xbf16>
    %convert_element_type3A_1941 = arith.truncf %add3A_1939 : vector<1600x128xf32> to vector<1600x128xbf16>
    %dot_general3A_1942 = arith.constant dense<0.000000e+00> : vector<100x128xf32>
    %dot_general3A_1943 = tpu.matmul %convert_element_type3A_1940, %convert_element_type3A_1941, %dot_general3A_1942 {dimension_numbers = #tpu.dot_dimension_numbers<[1], [0], [0], [1], [0, 0, 1, 1], [], []>, transpose_lhs_hint = false} : vector<100x1600xbf16>, vector<1600x128xbf16>, vector<100x128xf32> -> vector<100x128xf32>
    %reduce_sum3A_1944 = arith.constant dense<0.000000e+00> : vector<128xf32>
    %reduce_sum3A_1945 = vector.multi_reduction <add>, %add3A_1939, %reduce_sum3A_1944 [0] : vector<1600x128xf32> to vector<128xf32>
    %broadcast_in_dim3A_1946 = vector.shape_cast %reduce_sum3A_1945 : vector<128xf32> to vector<1x128xf32>
    %get3A_1947 = arith.constant 0 : index
    %get3A_1948 = arith.constant 0 : index
    %get3A_1949 = vector.load %arg39[%get3A_1947, %get3A_1948] : memref<693x128xf32, #tpu.memory_space<vmem>>, vector<693x128xf32>
    %convert_element_type3A_1950 = arith.truncf %add3A_1843 : vector<1x693xf32> to vector<1x693xbf16>
    %convert_element_type3A_1951 = arith.truncf %get3A_1949 : vector<693x128xf32> to vector<693x128xbf16>
    %dot_general3A_1952 = arith.constant dense<0.000000e+00> : vector<1x128xf32>
    %dot_general3A_1953 = tpu.matmul %convert_element_type3A_1950, %convert_element_type3A_1951, %dot_general3A_1952 {dimension_numbers = #tpu.dot_dimension_numbers<[1], [0], [0], [1], [0, 0, 1, 1], [], []>, transpose_lhs_hint = false} : vector<1x693xbf16>, vector<693x128xbf16>, vector<1x128xf32> -> vector<1x128xf32>
    %get3A_1954 = arith.constant 0 : index
    %get3A_1955 = arith.constant 0 : index
    %get3A_1956 = vector.load %arg37[%get3A_1954, %get3A_1955] : memref<128x128xf32, #tpu.memory_space<vmem>>, vector<128x128xf32>
    %convert_element_type3A_1957 = arith.truncf %dot_general3A_1943 : vector<100x128xf32> to vector<100x128xbf16>
    %convert_element_type3A_1958 = arith.truncf %get3A_1956 : vector<128x128xf32> to vector<128x128xbf16>
    %dot_general3A_1959 = arith.constant dense<0.000000e+00> : vector<100x128xf32>
    %dot_general3A_1960 = tpu.matmul %convert_element_type3A_1957, %convert_element_type3A_1958, %dot_general3A_1959 {dimension_numbers = #tpu.dot_dimension_numbers<[1], [0], [0], [1], [0, 0, 1, 1], [], []>, transpose_lhs_hint = false} : vector<100x128xbf16>, vector<128x128xbf16>, vector<100x128xf32> -> vector<100x128xf32>
    %get3A_1961 = arith.constant 0 : index
    %get3A_1962 = arith.constant 0 : index
    %get3A_1963 = vector.load %arg38[%get3A_1961, %get3A_1962] : memref<128x128xf32, #tpu.memory_space<vmem>>, vector<128x128xf32>
    %convert_element_type3A_1964 = arith.truncf %add3A_1773 : vector<100x128xf32> to vector<100x128xbf16>
    %convert_element_type3A_1965 = arith.truncf %get3A_1963 : vector<128x128xf32> to vector<128x128xbf16>
    %dot_general3A_1966 = arith.constant dense<0.000000e+00> : vector<100x128xf32>
    %dot_general3A_1967 = tpu.matmul %convert_element_type3A_1964, %convert_element_type3A_1965, %dot_general3A_1966 {dimension_numbers = #tpu.dot_dimension_numbers<[1], [0], [0], [1], [0, 0, 1, 1], [], []>, transpose_lhs_hint = false} : vector<100x128xbf16>, vector<128x128xbf16>, vector<100x128xf32> -> vector<100x128xf32>
    %add3A_1968 = arith.addf %dot_general3A_1960, %dot_general3A_1967 : vector<100x128xf32>
    %add3A_1969 = vector.broadcast %dot_general3A_1953 : vector<1x128xf32> to vector<100x128xf32>
    %add3A_1970 = arith.addf %add3A_1968, %add3A_1969 : vector<100x128xf32>
    %get3A_1971 = arith.constant 0 : index
    %get3A_1972 = arith.constant 0 : index
    %get3A_1973 = vector.load %arg40[%get3A_1971, %get3A_1972] : memref<1x128xf32, #tpu.memory_space<vmem>>, vector<1x128xf32>
    %add3A_1974 = vector.broadcast %get3A_1973 : vector<1x128xf32> to vector<100x128xf32>
    %add3A_1975 = arith.addf %add3A_1970, %add3A_1974 : vector<100x128xf32>
    %max3A_1976 = arith.constant 0.000000e+00 : f32
    %max3A_1977 = vector.broadcast %max3A_1976 : f32 to vector<100x128xf32>
    %max3A_1978 = arith.maximumf %add3A_1975, %max3A_1977 : vector<100x128xf32>
    %get3A_1979 = arith.constant 0 : index
    %get3A_1980 = arith.constant 0 : index
    %get3A_1981 = vector.load %arg41[%get3A_1979, %get3A_1980] : memref<128x128xf32, #tpu.memory_space<vmem>>, vector<128x128xf32>
    %convert_element_type3A_1982 = arith.truncf %max3A_1978 : vector<100x128xf32> to vector<100x128xbf16>
    %convert_element_type3A_1983 = arith.truncf %get3A_1981 : vector<128x128xf32> to vector<128x128xbf16>
    %dot_general3A_1984 = arith.constant dense<0.000000e+00> : vector<100x128xf32>
    %dot_general3A_1985 = tpu.matmul %convert_element_type3A_1982, %convert_element_type3A_1983, %dot_general3A_1984 {dimension_numbers = #tpu.dot_dimension_numbers<[1], [0], [0], [1], [0, 0, 1, 1], [], []>, transpose_lhs_hint = false} : vector<100x128xbf16>, vector<128x128xbf16>, vector<100x128xf32> -> vector<100x128xf32>
    %get3A_1986 = arith.constant 0 : index
    %get3A_1987 = arith.constant 0 : index
    %get3A_1988 = vector.load %arg42[%get3A_1986, %get3A_1987] : memref<1x128xf32, #tpu.memory_space<vmem>>, vector<1x128xf32>
    %add3A_1989 = vector.broadcast %get3A_1988 : vector<1x128xf32> to vector<100x128xf32>
    %add3A_1990 = arith.addf %dot_general3A_1985, %add3A_1989 : vector<100x128xf32>
    %max3A_1991 = arith.constant 0.000000e+00 : f32
    %max3A_1992 = vector.broadcast %max3A_1991 : f32 to vector<100x128xf32>
    %max3A_1993 = arith.maximumf %add3A_1990, %max3A_1992 : vector<100x128xf32>
    %get3A_1994 = arith.constant 0 : index
    %get3A_1995 = arith.constant 0 : index
    %get3A_1996 = vector.load %arg43[%get3A_1994, %get3A_1995] : memref<1x128xf32, #tpu.memory_space<vmem>>, vector<1x128xf32>
    %get3A_1997 = arith.constant 0 : index
    %get3A_1998 = arith.constant 0 : index
    %get3A_1999 = vector.load %arg44[%get3A_1997, %get3A_1998] : memref<1x128xf32, #tpu.memory_space<vmem>>, vector<1x128xf32>
    %reduce_sum3A_2000 = arith.constant dense<0.000000e+00> : vector<100xf32>
    %reduce_sum3A_2001 = vector.multi_reduction <add>, %max3A_1993, %reduce_sum3A_2000 [1] : vector<100x128xf32> to vector<100xf32>
    %broadcast_in_dim3A_2002 = vector.shape_cast %reduce_sum3A_2001 : vector<100xf32> to vector<100x1xf32>
    %div3A_2003 = arith.constant 1.280000e+02 : f32
    %div3A_2004 = vector.broadcast %div3A_2003 : f32 to vector<100x1xf32>
    %div3A_2005 = arith.divf %broadcast_in_dim3A_2002, %div3A_2004 : vector<100x1xf32>
    %mul3A_2006 = arith.mulf %max3A_1993, %max3A_1993 : vector<100x128xf32>
    %reduce_sum3A_2007 = arith.constant dense<0.000000e+00> : vector<100xf32>
    %reduce_sum3A_2008 = vector.multi_reduction <add>, %mul3A_2006, %reduce_sum3A_2007 [1] : vector<100x128xf32> to vector<100xf32>
    %broadcast_in_dim3A_2009 = vector.shape_cast %reduce_sum3A_2008 : vector<100xf32> to vector<100x1xf32>
    %div3A_2010 = arith.constant 1.280000e+02 : f32
    %div3A_2011 = vector.broadcast %div3A_2010 : f32 to vector<100x1xf32>
    %div3A_2012 = arith.divf %broadcast_in_dim3A_2009, %div3A_2011 : vector<100x1xf32>
    %mul3A_2013 = arith.mulf %div3A_2005, %div3A_2005 : vector<100x1xf32>
    %sub3A_2014 = arith.subf %div3A_2012, %mul3A_2013 : vector<100x1xf32>
    %sub3A_2015 = vector.broadcast %div3A_2005 : vector<100x1xf32> to vector<100x128xf32>
    %sub3A_2016 = arith.subf %max3A_1993, %sub3A_2015 : vector<100x128xf32>
    %add3A_2017 = arith.constant 9.99999974E-6 : f32
    %add3A_2018 = vector.broadcast %add3A_2017 : f32 to vector<100x1xf32>
    %add3A_2019 = arith.addf %sub3A_2014, %add3A_2018 : vector<100x1xf32>
    %rsqrt3A_2020 = math.rsqrt %add3A_2019 : vector<100x1xf32>
    %mul3A_2021 = vector.broadcast %rsqrt3A_2020 : vector<100x1xf32> to vector<100x128xf32>
    %mul3A_2022 = arith.mulf %sub3A_2016, %mul3A_2021 : vector<100x128xf32>
    %mul3A_2023 = vector.broadcast %get3A_1996 : vector<1x128xf32> to vector<100x128xf32>
    %mul3A_2024 = arith.mulf %mul3A_2022, %mul3A_2023 : vector<100x128xf32>
    %add3A_2025 = vector.broadcast %get3A_1999 : vector<1x128xf32> to vector<100x128xf32>
    %add3A_2026 = arith.addf %mul3A_2024, %add3A_2025 : vector<100x128xf32>
    %reduce_sum3A_2027 = arith.constant dense<0.000000e+00> : vector<128xf32>
    %reduce_sum3A_2028 = vector.multi_reduction <add>, %add3A_2026, %reduce_sum3A_2027 [0] : vector<100x128xf32> to vector<128xf32>
    %broadcast_in_dim3A_2029 = vector.shape_cast %reduce_sum3A_2028 : vector<128xf32> to vector<1x128xf32>
    %get3A_2030 = arith.constant 0 : index
    %get3A_2031 = arith.constant 0 : index
    %get3A_2032 = vector.load %arg45[%get3A_2030, %get3A_2031] : memref<128x693xf32, #tpu.memory_space<vmem>>, vector<128x693xf32>
    %convert_element_type3A_2033 = arith.truncf %broadcast_in_dim3A_1946 : vector<1x128xf32> to vector<1x128xbf16>
    %convert_element_type3A_2034 = arith.truncf %get3A_2032 : vector<128x693xf32> to vector<128x693xbf16>
    %dot_general3A_2035 = arith.constant dense<0.000000e+00> : vector<1x693xf32>
    %dot_general3A_2036 = tpu.matmul %convert_element_type3A_2033, %convert_element_type3A_2034, %dot_general3A_2035 {dimension_numbers = #tpu.dot_dimension_numbers<[1], [0], [0], [1], [0, 0, 1, 1], [], []>, transpose_lhs_hint = false} : vector<1x128xbf16>, vector<128x693xbf16>, vector<1x693xf32> -> vector<1x693xf32>
    %get3A_2037 = arith.constant 0 : index
    %get3A_2038 = arith.constant 0 : index
    %get3A_2039 = vector.load %arg46[%get3A_2037, %get3A_2038] : memref<128x693xf32, #tpu.memory_space<vmem>>, vector<128x693xf32>
    %convert_element_type3A_2040 = arith.truncf %broadcast_in_dim3A_2029 : vector<1x128xf32> to vector<1x128xbf16>
    %convert_element_type3A_2041 = arith.truncf %get3A_2039 : vector<128x693xf32> to vector<128x693xbf16>
    %dot_general3A_2042 = arith.constant dense<0.000000e+00> : vector<1x693xf32>
    %dot_general3A_2043 = tpu.matmul %convert_element_type3A_2040, %convert_element_type3A_2041, %dot_general3A_2042 {dimension_numbers = #tpu.dot_dimension_numbers<[1], [0], [0], [1], [0, 0, 1, 1], [], []>, transpose_lhs_hint = false} : vector<1x128xbf16>, vector<128x693xbf16>, vector<1x693xf32> -> vector<1x693xf32>
    %add3A_2044 = arith.addf %dot_general3A_2036, %dot_general3A_2043 : vector<1x693xf32>
    %get3A_2045 = arith.constant 0 : index
    %get3A_2046 = arith.constant 0 : index
    %get3A_2047 = vector.load %arg47[%get3A_2045, %get3A_2046] : memref<693x693xf32, #tpu.memory_space<vmem>>, vector<693x693xf32>
    %convert_element_type3A_2048 = arith.truncf %add3A_1843 : vector<1x693xf32> to vector<1x693xbf16>
    %convert_element_type3A_2049 = arith.truncf %get3A_2047 : vector<693x693xf32> to vector<693x693xbf16>
    %dot_general3A_2050 = arith.constant dense<0.000000e+00> : vector<1x693xf32>
    %dot_general3A_2051 = tpu.matmul %convert_element_type3A_2048, %convert_element_type3A_2049, %dot_general3A_2050 {dimension_numbers = #tpu.dot_dimension_numbers<[1], [0], [0], [1], [0, 0, 1, 1], [], []>, transpose_lhs_hint = false} : vector<1x693xbf16>, vector<693x693xbf16>, vector<1x693xf32> -> vector<1x693xf32>
    %add3A_2052 = arith.addf %add3A_2044, %dot_general3A_2051 : vector<1x693xf32>
    %get3A_2053 = arith.constant 0 : index
    %get3A_2054 = arith.constant 0 : index
    %get3A_2055 = vector.load %arg48[%get3A_2053, %get3A_2054] : memref<1x693xf32, #tpu.memory_space<vmem>>, vector<1x693xf32>
    %add3A_2056 = arith.addf %add3A_2052, %get3A_2055 : vector<1x693xf32>
    %max3A_2057 = arith.constant 0.000000e+00 : f32
    %max3A_2058 = vector.broadcast %max3A_2057 : f32 to vector<1x693xf32>
    %max3A_2059 = arith.maximumf %add3A_2056, %max3A_2058 : vector<1x693xf32>
    %get3A_2060 = arith.constant 0 : index
    %get3A_2061 = arith.constant 0 : index
    %get3A_2062 = vector.load %arg49[%get3A_2060, %get3A_2061] : memref<693x693xf32, #tpu.memory_space<vmem>>, vector<693x693xf32>
    %convert_element_type3A_2063 = arith.truncf %max3A_2059 : vector<1x693xf32> to vector<1x693xbf16>
    %convert_element_type3A_2064 = arith.truncf %get3A_2062 : vector<693x693xf32> to vector<693x693xbf16>
    %dot_general3A_2065 = arith.constant dense<0.000000e+00> : vector<1x693xf32>
    %dot_general3A_2066 = tpu.matmul %convert_element_type3A_2063, %convert_element_type3A_2064, %dot_general3A_2065 {dimension_numbers = #tpu.dot_dimension_numbers<[1], [0], [0], [1], [0, 0, 1, 1], [], []>, transpose_lhs_hint = false} : vector<1x693xbf16>, vector<693x693xbf16>, vector<1x693xf32> -> vector<1x693xf32>
    %get3A_2067 = arith.constant 0 : index
    %get3A_2068 = arith.constant 0 : index
    %get3A_2069 = vector.load %arg50[%get3A_2067, %get3A_2068] : memref<1x693xf32, #tpu.memory_space<vmem>>, vector<1x693xf32>
    %add3A_2070 = arith.addf %dot_general3A_2066, %get3A_2069 : vector<1x693xf32>
    %max3A_2071 = arith.constant 0.000000e+00 : f32
    %max3A_2072 = vector.broadcast %max3A_2071 : f32 to vector<1x693xf32>
    %max3A_2073 = arith.maximumf %add3A_2070, %max3A_2072 : vector<1x693xf32>
    %get3A_2074 = arith.constant 0 : index
    %get3A_2075 = arith.constant 0 : index
    %get3A_2076 = vector.load %arg51[%get3A_2074, %get3A_2075] : memref<1x693xf32, #tpu.memory_space<vmem>>, vector<1x693xf32>
    %get3A_2077 = arith.constant 0 : index
    %get3A_2078 = arith.constant 0 : index
    %get3A_2079 = vector.load %arg52[%get3A_2077, %get3A_2078] : memref<1x693xf32, #tpu.memory_space<vmem>>, vector<1x693xf32>
    %reduce_sum3A_2080 = arith.constant dense<0.000000e+00> : vector<1xf32>
    %reduce_sum3A_2081 = vector.multi_reduction <add>, %max3A_2073, %reduce_sum3A_2080 [1] : vector<1x693xf32> to vector<1xf32>
    %broadcast_in_dim3A_2082 = vector.shape_cast %reduce_sum3A_2081 : vector<1xf32> to vector<1x1xf32>
    %div3A_2083 = arith.constant 6.930000e+02 : f32
    %div3A_2084 = vector.broadcast %div3A_2083 : f32 to vector<1x1xf32>
    %div3A_2085 = arith.divf %broadcast_in_dim3A_2082, %div3A_2084 : vector<1x1xf32>
    %mul3A_2086 = arith.mulf %max3A_2073, %max3A_2073 : vector<1x693xf32>
    %reduce_sum3A_2087 = arith.constant dense<0.000000e+00> : vector<1xf32>
    %reduce_sum3A_2088 = vector.multi_reduction <add>, %mul3A_2086, %reduce_sum3A_2087 [1] : vector<1x693xf32> to vector<1xf32>
    %broadcast_in_dim3A_2089 = vector.shape_cast %reduce_sum3A_2088 : vector<1xf32> to vector<1x1xf32>
    %div3A_2090 = arith.constant 6.930000e+02 : f32
    %div3A_2091 = vector.broadcast %div3A_2090 : f32 to vector<1x1xf32>
    %div3A_2092 = arith.divf %broadcast_in_dim3A_2089, %div3A_2091 : vector<1x1xf32>
    %mul3A_2093 = arith.mulf %div3A_2085, %div3A_2085 : vector<1x1xf32>
    %sub3A_2094 = arith.subf %div3A_2092, %mul3A_2093 : vector<1x1xf32>
    %sub3A_2095 = vector.broadcast %div3A_2085 : vector<1x1xf32> to vector<1x693xf32>
    %sub3A_2096 = arith.subf %max3A_2073, %sub3A_2095 : vector<1x693xf32>
    %add3A_2097 = arith.constant 9.99999974E-6 : f32
    %add3A_2098 = vector.broadcast %add3A_2097 : f32 to vector<1x1xf32>
    %add3A_2099 = arith.addf %sub3A_2094, %add3A_2098 : vector<1x1xf32>
    %rsqrt3A_2100 = math.rsqrt %add3A_2099 : vector<1x1xf32>
    %mul3A_2101 = vector.broadcast %rsqrt3A_2100 : vector<1x1xf32> to vector<1x693xf32>
    %mul3A_2102 = arith.mulf %sub3A_2096, %mul3A_2101 : vector<1x693xf32>
    %mul3A_2103 = arith.mulf %mul3A_2102, %get3A_2076 : vector<1x693xf32>
    %add3A_2104 = arith.addf %mul3A_2103, %get3A_2079 : vector<1x693xf32>
    %iota3A_2105 = tpu.iota {dimensions = array<i32: 1>} : vector<1600x128xi32>
    %eq3A_2106 = arith.constant 0 : i32
    %eq3A_2107 = vector.broadcast %eq3A_2106 : i32 to vector<1600x128xi32>
    %eq3A_2108 = arith.cmpi eq, %iota3A_2105, %eq3A_2107 : vector<1600x128xi32>
    %logistic3A_2109 = arith.negf %add3A_1939 : vector<1600x128xf32>
    %logistic3A_2110 = math.exp %logistic3A_2109 : vector<1600x128xf32>
    %logistic3A_2111 = arith.constant 1.000000e+00 : f32
    %logistic3A_2112 = vector.broadcast %logistic3A_2111 : f32 to vector<1600x128xf32>
    %logistic3A_2113 = arith.addf %logistic3A_2112, %logistic3A_2110 : vector<1600x128xf32>
    %logistic3A_2114 = arith.divf %logistic3A_2112, %logistic3A_2113 : vector<1600x128xf32>
    %select_n3A_2115 = arith.select %eq3A_2108, %logistic3A_2114, %add3A_1939 : vector<1600x128xi1>, vector<1600x128xf32>
    %swap3A_2116 = arith.constant 300 : index
    %swap3A_2117 = arith.constant 0 : index
    %swap3A_2118 = vector.load %arg53[%swap3A_2116, %swap3A_2117] : memref<400x128xf32, #tpu.memory_space<vmem>>, vector<100x128xf32>
    tpu.vector_store %arg53[%swap3A_2116, %swap3A_2117], %add3A_2026 {strides = array<i32>} : memref<400x128xf32, #tpu.memory_space<vmem>>, vector<100x128xf32>,
    %swap3A_2119 = arith.constant 4800 : index
    %swap3A_2120 = arith.constant 0 : index
    %swap3A_2121 = vector.load %arg54[%swap3A_2119, %swap3A_2120] : memref<6400x128xf32, #tpu.memory_space<vmem>>, vector<1600x128xf32>
    tpu.vector_store %arg54[%swap3A_2119, %swap3A_2120], %select_n3A_2115 {strides = array<i32>} : memref<6400x128xf32, #tpu.memory_space<vmem>>, vector<1600x128xf32>,
    %swap3A_2122 = arith.constant 3 : index
    %swap3A_2123 = arith.constant 0 : index
    %swap3A_2124 = arith.constant 0 : index
    %swap3A_2125 = vector.load %arg55[%swap3A_2122, %swap3A_2123, %swap3A_2124] : memref<4x1x693xf32, #tpu.memory_space<vmem>>, vector<1x1x693xf32>
    %swap3A_2126 = vector.shape_cast %swap3A_2125 : vector<1x1x693xf32> to vector<1x693xf32>
    %swap3A_2127 = vector.shape_cast %add3A_2104 : vector<1x693xf32> to vector<1x1x693xf32>
    tpu.vector_store %arg55[%swap3A_2122, %swap3A_2123, %swap3A_2124], %swap3A_2127 {strides = array<i32>} : memref<4x1x693xf32, #tpu.memory_space<vmem>>, vector<1x1x693xf32>,
    return
  }
  func.func @transform_0(%arg0: i32) -> (i32, i32) {
    %c0_i32 = arith.constant 0 : i32
    %c0_i32_0 = arith.constant 0 : i32
    return %arg0, %c0_i32 : i32, i32
  }
  func.func @transform_1(%arg0: i32) -> (i32, i32) {
    %c0_i32 = arith.constant 0 : i32
    %c0_i32_0 = arith.constant 0 : i32
    return %c0_i32, %arg0 : i32, i32
  }
  func.func @transform_2(%arg0: i32) -> (i32, i32, i32) {
    %c0_i32 = arith.constant 0 : i32
    %c0_i32_0 = arith.constant 0 : i32
    %c0_i32_1 = arith.constant 0 : i32
    return %arg0, %c0_i32, %c0_i32_0 : i32, i32, i32
  }
  func.func @transform_3(%arg0: i32) -> (i32, i32, i32) {
    %c0_i32 = arith.constant 0 : i32
    %c0_i32_0 = arith.constant 0 : i32
    %c0_i32_1 = arith.constant 0 : i32
    return %arg0, %c0_i32, %c0_i32_0 : i32, i32, i32
  }
  func.func @transform_4(%arg0: i32) -> (i32, i32) {
    %c0_i32 = arith.constant 0 : i32
    %c0_i32_0 = arith.constant 0 : i32
    return %arg0, %c0_i32 : i32, i32
  }
  func.func @transform_5(%arg0: i32) -> (i32, i32) {
    %c0_i32 = arith.constant 0 : i32
    %c0_i32_0 = arith.constant 0 : i32
    %c0_i32_1 = arith.constant 0 : i32
    return %c0_i32, %c0_i32_0 : i32, i32
  }
  func.func @transform_6(%arg0: i32) -> (i32, i32) {
    %c0_i32 = arith.constant 0 : i32
    %c0_i32_0 = arith.constant 0 : i32
    %c0_i32_1 = arith.constant 0 : i32
    return %c0_i32, %c0_i32_0 : i32, i32
  }
  func.func @transform_7(%arg0: i32) -> (i32, i32) {
    %c0_i32 = arith.constant 0 : i32
    %c0_i32_0 = arith.constant 0 : i32
    %c0_i32_1 = arith.constant 0 : i32
    return %c0_i32, %c0_i32_0 : i32, i32
  }
  func.func @transform_8(%arg0: i32) -> (i32, i32) {
    %c0_i32 = arith.constant 0 : i32
    %c0_i32_0 = arith.constant 0 : i32
    %c0_i32_1 = arith.constant 0 : i32
    return %c0_i32, %c0_i32_0 : i32, i32
  }
  func.func @transform_9(%arg0: i32) -> (i32, i32) {
    %c0_i32 = arith.constant 0 : i32
    %c0_i32_0 = arith.constant 0 : i32
    %c0_i32_1 = arith.constant 0 : i32
    return %c0_i32, %c0_i32_0 : i32, i32
  }
  func.func @transform_10(%arg0: i32) -> (i32, i32) {
    %c0_i32 = arith.constant 0 : i32
    %c0_i32_0 = arith.constant 0 : i32
    %c0_i32_1 = arith.constant 0 : i32
    return %c0_i32, %c0_i32_0 : i32, i32
  }
  func.func @transform_11(%arg0: i32) -> (i32, i32) {
    %c0_i32 = arith.constant 0 : i32
    %c0_i32_0 = arith.constant 0 : i32
    %c0_i32_1 = arith.constant 0 : i32
    return %c0_i32, %c0_i32_0 : i32, i32
  }
  func.func @transform_12(%arg0: i32) -> (i32, i32) {
    %c0_i32 = arith.constant 0 : i32
    %c0_i32_0 = arith.constant 0 : i32
    %c0_i32_1 = arith.constant 0 : i32
    return %c0_i32, %c0_i32_0 : i32, i32
  }
  func.func @transform_13(%arg0: i32) -> (i32, i32) {
    %c0_i32 = arith.constant 0 : i32
    %c0_i32_0 = arith.constant 0 : i32
    %c0_i32_1 = arith.constant 0 : i32
    return %c0_i32, %c0_i32_0 : i32, i32
  }
  func.func @transform_14(%arg0: i32) -> (i32, i32) {
    %c0_i32 = arith.constant 0 : i32
    %c0_i32_0 = arith.constant 0 : i32
    %c0_i32_1 = arith.constant 0 : i32
    return %c0_i32, %c0_i32_0 : i32, i32
  }
  func.func @transform_15(%arg0: i32) -> (i32, i32) {
    %c0_i32 = arith.constant 0 : i32
    %c0_i32_0 = arith.constant 0 : i32
    %c0_i32_1 = arith.constant 0 : i32
    return %c0_i32, %c0_i32_0 : i32, i32
  }
  func.func @transform_16(%arg0: i32) -> (i32, i32) {
    %c0_i32 = arith.constant 0 : i32
    %c0_i32_0 = arith.constant 0 : i32
    %c0_i32_1 = arith.constant 0 : i32
    return %c0_i32, %c0_i32_0 : i32, i32
  }
  func.func @transform_17(%arg0: i32) -> (i32, i32) {
    %c0_i32 = arith.constant 0 : i32
    %c0_i32_0 = arith.constant 0 : i32
    %c0_i32_1 = arith.constant 0 : i32
    return %c0_i32, %c0_i32_0 : i32, i32
  }
  func.func @transform_18(%arg0: i32) -> (i32, i32) {
    %c0_i32 = arith.constant 0 : i32
    %c0_i32_0 = arith.constant 0 : i32
    %c0_i32_1 = arith.constant 0 : i32
    return %c0_i32, %c0_i32_0 : i32, i32
  }
  func.func @transform_19(%arg0: i32) -> (i32, i32) {
    %c0_i32 = arith.constant 0 : i32
    %c0_i32_0 = arith.constant 0 : i32
    %c0_i32_1 = arith.constant 0 : i32
    return %c0_i32, %c0_i32_0 : i32, i32
  }
  func.func @transform_20(%arg0: i32) -> (i32, i32) {
    %c0_i32 = arith.constant 0 : i32
    %c0_i32_0 = arith.constant 0 : i32
    %c0_i32_1 = arith.constant 0 : i32
    return %c0_i32, %c0_i32_0 : i32, i32
  }
  func.func @transform_21(%arg0: i32) -> (i32, i32) {
    %c0_i32 = arith.constant 0 : i32
    %c0_i32_0 = arith.constant 0 : i32
    %c0_i32_1 = arith.constant 0 : i32
    return %c0_i32, %c0_i32_0 : i32, i32
  }
  func.func @transform_22(%arg0: i32) -> (i32, i32) {
    %c0_i32 = arith.constant 0 : i32
    %c0_i32_0 = arith.constant 0 : i32
    %c0_i32_1 = arith.constant 0 : i32
    return %c0_i32, %c0_i32_0 : i32, i32
  }
  func.func @transform_23(%arg0: i32) -> (i32, i32) {
    %c0_i32 = arith.constant 0 : i32
    %c0_i32_0 = arith.constant 0 : i32
    %c0_i32_1 = arith.constant 0 : i32
    return %c0_i32, %c0_i32_0 : i32, i32
  }
  func.func @transform_24(%arg0: i32) -> (i32, i32) {
    %c0_i32 = arith.constant 0 : i32
    %c0_i32_0 = arith.constant 0 : i32
    %c0_i32_1 = arith.constant 0 : i32
    return %c0_i32, %c0_i32_0 : i32, i32
  }
  func.func @transform_25(%arg0: i32) -> (i32, i32) {
    %c0_i32 = arith.constant 0 : i32
    %c0_i32_0 = arith.constant 0 : i32
    %c0_i32_1 = arith.constant 0 : i32
    return %c0_i32, %c0_i32_0 : i32, i32
  }
  func.func @transform_26(%arg0: i32) -> (i32, i32) {
    %c0_i32 = arith.constant 0 : i32
    %c0_i32_0 = arith.constant 0 : i32
    %c0_i32_1 = arith.constant 0 : i32
    return %c0_i32, %c0_i32_0 : i32, i32
  }
  func.func @transform_27(%arg0: i32) -> (i32, i32) {
    %c0_i32 = arith.constant 0 : i32
    %c0_i32_0 = arith.constant 0 : i32
    %c0_i32_1 = arith.constant 0 : i32
    return %c0_i32, %c0_i32_0 : i32, i32
  }
  func.func @transform_28(%arg0: i32) -> (i32, i32) {
    %c0_i32 = arith.constant 0 : i32
    %c0_i32_0 = arith.constant 0 : i32
    %c0_i32_1 = arith.constant 0 : i32
    return %c0_i32, %c0_i32_0 : i32, i32
  }
  func.func @transform_29(%arg0: i32) -> (i32, i32) {
    %c0_i32 = arith.constant 0 : i32
    %c0_i32_0 = arith.constant 0 : i32
    %c0_i32_1 = arith.constant 0 : i32
    return %c0_i32, %c0_i32_0 : i32, i32
  }
  func.func @transform_30(%arg0: i32) -> (i32, i32) {
    %c0_i32 = arith.constant 0 : i32
    %c0_i32_0 = arith.constant 0 : i32
    %c0_i32_1 = arith.constant 0 : i32
    return %c0_i32, %c0_i32_0 : i32, i32
  }
  func.func @transform_31(%arg0: i32) -> (i32, i32) {
    %c0_i32 = arith.constant 0 : i32
    %c0_i32_0 = arith.constant 0 : i32
    %c0_i32_1 = arith.constant 0 : i32
    return %c0_i32, %c0_i32_0 : i32, i32
  }
  func.func @transform_32(%arg0: i32) -> (i32, i32) {
    %c0_i32 = arith.constant 0 : i32
    %c0_i32_0 = arith.constant 0 : i32
    %c0_i32_1 = arith.constant 0 : i32
    return %c0_i32, %c0_i32_0 : i32, i32
  }
  func.func @transform_33(%arg0: i32) -> (i32, i32) {
    %c0_i32 = arith.constant 0 : i32
    %c0_i32_0 = arith.constant 0 : i32
    %c0_i32_1 = arith.constant 0 : i32
    return %c0_i32, %c0_i32_0 : i32, i32
  }
  func.func @transform_34(%arg0: i32) -> (i32, i32) {
    %c0_i32 = arith.constant 0 : i32
    %c0_i32_0 = arith.constant 0 : i32
    %c0_i32_1 = arith.constant 0 : i32
    return %c0_i32, %c0_i32_0 : i32, i32
  }
  func.func @transform_35(%arg0: i32) -> (i32, i32) {
    %c0_i32 = arith.constant 0 : i32
    %c0_i32_0 = arith.constant 0 : i32
    %c0_i32_1 = arith.constant 0 : i32
    return %c0_i32, %c0_i32_0 : i32, i32
  }
  func.func @transform_36(%arg0: i32) -> (i32, i32) {
    %c0_i32 = arith.constant 0 : i32
    %c0_i32_0 = arith.constant 0 : i32
    %c0_i32_1 = arith.constant 0 : i32
    return %c0_i32, %c0_i32_0 : i32, i32
  }
  func.func @transform_37(%arg0: i32) -> (i32, i32) {
    %c0_i32 = arith.constant 0 : i32
    %c0_i32_0 = arith.constant 0 : i32
    %c0_i32_1 = arith.constant 0 : i32
    return %c0_i32, %c0_i32_0 : i32, i32
  }
  func.func @transform_38(%arg0: i32) -> (i32, i32) {
    %c0_i32 = arith.constant 0 : i32
    %c0_i32_0 = arith.constant 0 : i32
    %c0_i32_1 = arith.constant 0 : i32
    return %c0_i32, %c0_i32_0 : i32, i32
  }
  func.func @transform_39(%arg0: i32) -> (i32, i32) {
    %c0_i32 = arith.constant 0 : i32
    %c0_i32_0 = arith.constant 0 : i32
    %c0_i32_1 = arith.constant 0 : i32
    return %c0_i32, %c0_i32_0 : i32, i32
  }
  func.func @transform_40(%arg0: i32) -> (i32, i32) {
    %c0_i32 = arith.constant 0 : i32
    %c0_i32_0 = arith.constant 0 : i32
    %c0_i32_1 = arith.constant 0 : i32
    return %c0_i32, %c0_i32_0 : i32, i32
  }
  func.func @transform_41(%arg0: i32) -> (i32, i32) {
    %c0_i32 = arith.constant 0 : i32
    %c0_i32_0 = arith.constant 0 : i32
    %c0_i32_1 = arith.constant 0 : i32
    return %c0_i32, %c0_i32_0 : i32, i32
  }
  func.func @transform_42(%arg0: i32) -> (i32, i32) {
    %c0_i32 = arith.constant 0 : i32
    %c0_i32_0 = arith.constant 0 : i32
    %c0_i32_1 = arith.constant 0 : i32
    return %c0_i32, %c0_i32_0 : i32, i32
  }
  func.func @transform_43(%arg0: i32) -> (i32, i32) {
    %c0_i32 = arith.constant 0 : i32
    %c0_i32_0 = arith.constant 0 : i32
    %c0_i32_1 = arith.constant 0 : i32
    return %c0_i32, %c0_i32_0 : i32, i32
  }
  func.func @transform_44(%arg0: i32) -> (i32, i32) {
    %c0_i32 = arith.constant 0 : i32
    %c0_i32_0 = arith.constant 0 : i32
    %c0_i32_1 = arith.constant 0 : i32
    return %c0_i32, %c0_i32_0 : i32, i32
  }
  func.func @transform_45(%arg0: i32) -> (i32, i32) {
    %c0_i32 = arith.constant 0 : i32
    %c0_i32_0 = arith.constant 0 : i32
    %c0_i32_1 = arith.constant 0 : i32
    return %c0_i32, %c0_i32_0 : i32, i32
  }
  func.func @transform_46(%arg0: i32) -> (i32, i32) {
    %c0_i32 = arith.constant 0 : i32
    %c0_i32_0 = arith.constant 0 : i32
    %c0_i32_1 = arith.constant 0 : i32
    return %c0_i32, %c0_i32_0 : i32, i32
  }
  func.func @transform_47(%arg0: i32) -> (i32, i32) {
    %c0_i32 = arith.constant 0 : i32
    %c0_i32_0 = arith.constant 0 : i32
    %c0_i32_1 = arith.constant 0 : i32
    return %c0_i32, %c0_i32_0 : i32, i32
  }
  func.func @transform_48(%arg0: i32) -> (i32, i32) {
    %c0_i32 = arith.constant 0 : i32
    %c0_i32_0 = arith.constant 0 : i32
    %c0_i32_1 = arith.constant 0 : i32
    return %c0_i32, %c0_i32_0 : i32, i32
  }
  func.func @transform_49(%arg0: i32) -> (i32, i32) {
    %c0_i32 = arith.constant 0 : i32
    %c0_i32_0 = arith.constant 0 : i32
    %c0_i32_1 = arith.constant 0 : i32
    return %c0_i32, %c0_i32_0 : i32, i32
  }
  func.func @transform_50(%arg0: i32) -> (i32, i32) {
    %c0_i32 = arith.constant 0 : i32
    %c0_i32_0 = arith.constant 0 : i32
    %c0_i32_1 = arith.constant 0 : i32
    return %c0_i32, %c0_i32_0 : i32, i32
  }
  func.func @transform_51(%arg0: i32) -> (i32, i32) {
    %c0_i32 = arith.constant 0 : i32
    %c0_i32_0 = arith.constant 0 : i32
    %c0_i32_1 = arith.constant 0 : i32
    return %c0_i32, %c0_i32_0 : i32, i32
  }
  func.func @transform_52(%arg0: i32) -> (i32, i32) {
    %c0_i32 = arith.constant 0 : i32
    %c0_i32_0 = arith.constant 0 : i32
    return %arg0, %c0_i32 : i32, i32
  }
  func.func @transform_53(%arg0: i32) -> (i32, i32) {
    %c0_i32 = arith.constant 0 : i32
    %c0_i32_0 = arith.constant 0 : i32
    return %arg0, %c0_i32 : i32, i32
  }
  func.func @transform_54(%arg0: i32) -> (i32, i32, i32) {
    %c0_i32 = arith.constant 0 : i32
    %c0_i32_0 = arith.constant 0 : i32
    %c0_i32_1 = arith.constant 0 : i32
    return %arg0, %c0_i32, %c0_i32_0 : i32, i32, i32
  }
}

</mosaic_0001>

<sc_bundles>
// kernel: kernel.5.cloned.1.call-start
scs
__scs_entry_jumppad:
0x0: {  	(pc) =	sbr.rel $0x88, $3  }
0x1: {  	(tag) =	ssettag $0x0;
	lr =	simm.s32 $0x1  }
0x2: {  	[smem:$0x3F6C] =	sst lr;
	_ =	strace $0xD0000000  }
0x3: {  	_ = 	snop  }
0x4: {  	_ = 	snop  }
0x5: {  	_ = 	snop  }
0x6: {  	_ = 	snop  }
0x7: {  	_ = 	snop  }
__scs_overlays_trampoline_lowered:
0x8: {  	[smem:$0x3F7B] =	sst s0  }
0x9: {  	[smem:$0x3F7C] =	sst s1  }
0xa: {  	[smem:$0x3F7D] =	sst s2  }
0xb: {  	[smem:$0x3F7E] =	sst s3  }
0xc: {  	[smem:$0x3F7F] =	sst s4  }
0xd: {  	[smem:$0x3F80] =	sst s5  }
0xe: {  	[smem:$0x3F81] =	sst s6  }
0xf: {  	[smem:$0x3F82] =	sst s7  }
0x10: {  	[smem:$0x3F83] =	sst s8  }
0x11: {  	[smem:$0x3F84] =	sst s9;
	s0 =	simm.s32 @!p0 $0x0  }
0x12: {  	s1 =	sld [smem:$0x3F6A];
	s0 =	simm.s32 @p0 $0x1  }
0x13: {  	[smem:$0x3F85] =	sst s0;
	s0 =	simm.s32 @!p1 $0x0  }
0x14: {  	s2 =	sld [smem:$0x3F69];
	s0 =	simm.s32 @p1 $0x1  }
0x15: {  	[smem:$0x3F86] =	sst s0;
	s0 =	simm.s32 @!p2 $0x0  }
0x16: {  	s3 =	sld [smem:$0x3FDB];
	s0 =	simm.s32 @p2 $0x1  }
0x17: {  	s4 =	simm.s32 $0x1BF5;
	[smem:$0x3F88] =	sst s0  }
0x18: {  	s0 =	sld [smem:$0x3F6B];
	_ =	swait.ge [sflag:s4], $0x0  }
0x19: {  	s7 =	sld [smem:$0x3F6C]  }
0x1a: {  	s8 =	sadd.s32 $0xFFFFE003, lr  }
0x1b: {  	s9 =	sadd.s32 $0xFFFFFEF7, lr;
	s5 =	simm.s32 $0xFFFFFFFF;
	p2 =	slt.u32 s8, $0xFFFFF086  }
0x1c: {  	p1 =	slt.u32 s9, $0xF7A;
	s5 =	simm.s32 @!p2 $0x0  }
0x1d: {  	s5 =	simm.s32 @p1 $0x1;
	p0 =	seq.s32 s7, s2  }
0x1e: {  	s7 =	smul.u32 @!p0 $0xF7A, s2;
	p2 =	seq.s32 @!p0 s5, $0x0  }
0x1f: {  	s9 =	smul.u32 $0xF7A, s1;
	s8 =	simm.s32 @!p0 $0x1BF5;
	p2 =	por !p2, p0  }
0x20: {  	[sflag:s8] =	ssyncset.s32 @!p0 $0xFFFFF086;
	s6 =	sadd.s32 @!p0 s3, s7;
	s7 =	simm.s32 @!p0 $0x108  }
0x21: {  	s3 =	sadd.s32 s3, s9;
	s6 =	sadd.s32 @!p0 $0x88, s6;
	s7 =	simm.s32 @p2 $0x1082  }
0x22: {  	[simem:s7], [sflag:s8] =	dma.local @!p0 [hbm:s6], $0xF7A  }
0x23: {  	s9 =	sor.u32 $0xD0000000, s2;
	s6 =	simm.s32 $0x108;
	_ =	swait.ge @!p0 [sflag:s8], $0x0  }
0x24: {  	s3 =	sadd.s32 $0x88, s3;
	s6 =	simm.s32 @!p1 $0x1082;
	[sflag:s4] =	ssyncset.s32 $0xFFFFF086  }
0x25: {  	[simem:s6], [sflag:s4] =	dma.local [hbm:s3], $0xF7A  }
0x26: {  	[smem:$0x3F6C] =	sst s1;
	(tag) =	ssettag s2;
	_ =	strace s9  }
0x27: {  	s1 =	sld [smem:$0x3F7C]  }
0x28: {  	s2 =	sld [smem:$0x3F7D]  }
0x29: {  	s4 =	sld [smem:$0x3F7F]  }
0x2a: {  	p0 =	seq.s32 s5, $0x0;
	s5 =	sld [smem:$0x3F80]  }
0x2b: {  	s6 =	sld [smem:$0x3F81]  }
0x2c: {  	s7 =	sld [smem:$0x3F82]  }
0x2d: {  	s3 =	simm.s32 $0x108;
	s8 =	sld [smem:$0x3F83]  }
0x2e: {  	s3 =	simm.s32 @!p0 $0x1082;
	s9 =	sld [smem:$0x3F84]  }
0x2f: {  	lr =	sadd.s32 s0, s3;
	s0 =	sld [smem:$0x3F7B]  }
0x30: {  	s3 =	sld [smem:$0x3F7E]  }
0x31: {  	[smem:$0x3F87] =	sst s10  }
0x32: {  	s10 =	sld [smem:$0x3F85];
	_ =	sdelay $0x3  }
0x33: {  	p0 =	seq.s32 s10, $0x1;
	s10 =	sld [smem:$0x3F87];
	_ =	sdelay $0x3  }
0x34: {  	[smem:$0x3F87] =	sst s10  }
0x35: {  	s10 =	sld [smem:$0x3F86];
	_ =	sdelay $0x3  }
0x36: {  	p1 =	seq.s32 s10, $0x1;
	s10 =	sld [smem:$0x3F87];
	_ =	sdelay $0x3  }
0x37: {  	[smem:$0x3F87] =	sst s10  }
0x38: {  	s10 =	sld [smem:$0x3F88]  }
0x39: {  	_ = 	snop;
	(pc) =	sbr.ind lr, $3  }
0x3a: {  	_ = 	snop  }
0x3b: {  	_ = 	snop  }
0x3c: {  	p2 =	seq.s32 s10, $0x1;
	s10 =	sld [smem:$0x3F87]  }
0x3d: {  	_ =	shalt  }
0x3e: {  	_ =	shalt  }
0x3f: {  	_ =	shalt  }
0x40: {  	_ =	shalt  }
0x41: {  	_ =	shalt  }
0x42: {  	_ =	shalt  }
0x43: {  	_ =	shalt  }
0x44: {  	_ =	shalt  }
0x45: {  	_ =	shalt  }
0x46: {  	_ =	shalt  }
0x47: {  	_ =	shalt  }
0x48: {  	_ =	shalt  }
0x49: {  	_ =	shalt  }
0x4a: {  	_ =	shalt  }
0x4b: {  	_ =	shalt  }
0x4c: {  	_ =	shalt  }
0x4d: {  	_ =	shalt  }
0x4e: {  	_ =	shalt  }
0x4f: {  	_ =	shalt  }
0x50: {  	_ =	shalt  }
0x51: {  	_ =	shalt  }
0x52: {  	_ =	shalt  }
0x53: {  	_ =	shalt  }
0x54: {  	_ =	shalt  }
0x55: {  	_ =	shalt  }
0x56: {  	_ =	shalt  }
0x57: {  	_ =	shalt  }
0x58: {  	_ =	shalt  }
0x59: {  	_ =	shalt  }
0x5a: {  	_ =	shalt  }
0x5b: {  	_ =	shalt  }
0x5c: {  	_ =	shalt  }
0x5d: {  	_ =	shalt  }
0x5e: {  	_ =	shalt  }
0x5f: {  	_ =	shalt  }
0x60: {  	_ =	shalt  }
0x61: {  	_ =	shalt  }
0x62: {  	_ =	shalt  }
0x63: {  	_ =	shalt  }
0x64: {  	_ =	shalt  }
0x65: {  	_ =	shalt  }
0x66: {  	_ =	shalt  }
0x67: {  	_ =	shalt  }
0x68: {  	_ =	shalt  }
0x69: {  	_ =	shalt  }
0x6a: {  	_ =	shalt  }
0x6b: {  	_ =	shalt  }
0x6c: {  	_ =	shalt  }
0x6d: {  	_ =	shalt  }
0x6e: {  	_ =	shalt  }
0x6f: {  	_ =	shalt  }
0x70: {  	_ =	shalt  }
0x71: {  	_ =	shalt  }
0x72: {  	_ =	shalt  }
0x73: {  	_ =	shalt  }
0x74: {  	_ =	shalt  }
0x75: {  	_ =	shalt  }
0x76: {  	_ =	shalt  }
0x77: {  	_ =	shalt  }
0x78: {  	_ =	shalt  }
0x79: {  	_ =	shalt  }
0x7a: {  	_ =	shalt  }
0x7b: {  	_ =	shalt  }
0x7c: {  	_ =	shalt  }
0x7d: {  	_ =	shalt  }
0x7e: {  	_ =	shalt  }
0x7f: {  	_ =	shalt  }
0x80: {  	_ =	shalt  }
0x81: {  	_ =	shalt  }
0x82: {  	_ =	shalt  }
0x83: {  	_ =	shalt  }
0x84: {  	_ =	shalt  }
0x85: {  	_ =	shalt  }
0x86: {  	_ =	shalt  }
0x87: {  	_ =	shalt  }
.Lfunc_end0:
.L_simem_size_0:
called_computation_lowered:
.L_overlay_start_0:
0x88: {  	s2 =	sld [smem:$0x3FD9]  }
0x89: {  	s3 =	sld [smem:$0x3FFE];
	_ =	sdelay $0x1  }
0x8a: {  	s1 =	srdreg.scid  }
0x8b: {  	s0 =	sand.u32 $0x1, s1  }
0x8c: {  	s14 =	sshll.u32 s0, $0xA;
	s2 =	sadd.s32 s3, s2  }
0x8d: {  	s2 =	sadd.s32 s2, s14  }
0x8e: {  	[smem:$0x3F93] =	sst s2  }
0x8f: {  	_ = 	snop  }
0x90: {  	s2 =	sld [smem:$0x3FD0];
	_ =	sdelay $0x2  }
0x91: {  	s4 =	simm.s32 $0xA;
	s5 =	simm.s32 $0x10;
	s15 =	sld [smem:$0x3FC6]  }
0x92: {  	[smem:s5], [sflag:s4] =	dma.local [hbm:s2], $0x1  }
0x93: {  	_ =	swait.eq [sflag:s4], $0x1  }
0x94: {  	[sflag:s4] =	ssyncset.done $0x0  }
0x95: {  	[sflag:s4] =	ssyncadd.s32 $0xFFFFFFFF  }
0x96: {  	s16 =	sld [smem:$0x10];
	(tm) =	ssettm $0x1  }
0x97: {  	s17 =	sld [smem:$0x3FFB];
	_ =	sdelay $0x3  }
0x98: {  	_ =	strace s17  }
0x99: {  	s4 =	sld [smem:$0x3FFC];
	_ =	sdelay $0x3  }
0x9a: {  	_ =	strace s4  }
0x9b: {  	s4 =	sld [smem:$0x3FFD];
	_ =	sdelay $0x3  }
0x9c: {  	_ =	strace s4  }
0x9d: {  	_ =	strace $0x8FFFFFFF  }
0x9e: {  	s18 =	sld [smem:$0x3FDB];
	_ =	sdelay $0x1  }
0x9f: {  	s19 =	simm.s32 $_scs_section_size  }
0xa0: {  	s6 =	simm.s32 $_size__tile_overlayer_lowered;
	s7 =	simm.s32 $_tile_overlayer_lowered  }
0xa1: {  	s22 =	simm.s32 $0x1BFF;
	s21 =	sshll.u32 s7, $0x1;
	s4 =	sadd.s32 s19, s18  }
0xa2: {  	s8 =	simm.s32 $0x0;
	s20 =	sshll.u32 s6, $0x1;
	s6 =	sadd.s32 s21, s4  }
0xa3: {  	[timem:s8], [sflag:s22] =	dma.local [hbm:s6], s20  }
0xa4: {  	_ =	swait.ge [sflag:s22], s20  }
0xa5: {  	s5 =	ssub.s32 $0x0, s20;
	[sflag:s22] =	ssyncset.done $0x0  }
0xa6: {  	[sflag:s22] =	ssyncadd.s32 s5;
	_ =	sdelay $0x1  }
0xa7: {  	s23 =	simm.s32 $0x1B8B  }
0xa8: {  	_ =	swait.ge [sflag:s23], $0x1  }
0xa9: {  	[sflag:s23] =	ssyncset.done $0x0  }
0xaa: {  	s25 =	simm.s32 $0x1B8E;
	s24 =	sld [smem:$0x3FFE];
	[sflag:s23] =	ssyncadd.s32 $0xFFFFFFFF  }
0xab: {  	s26 =	simm.s32 $execute0_lowered;
	[smem:$0x3FD2] =	sst s25  }
0xac: {  	s6 =	sshll.u32 s26, $0x1;
	_ =	strace $0x80000046;
	[dreg:$0x1] =	wrdreg $0xFFFFFFFF  }
0xad: {  	s28 =	simm.s32 $_size_execute0_lowered;
	s4 =	sadd.s32 s4, s6;
	[dreg:$0x0] =	wrdreg $0x0  }
0xae: {  	s6 =	sshll.u32 s28, $0x1;
	[dreg:$0x2] =	wrdreg s4  }
0xaf: {  	[dreg:$0x3] =	wrdreg s6  }
0xb0: {  	[dreg:$0x4] =	wrdreg $0xC0  }
0xb1: {  	_ =	task [dreg:s8], $0x5FFFF  }
0xb2: {  	[dreg:$0x1] =	wrdreg $0xFFFFFFFF  }
0xb3: {  	[dreg:$0x0] =	wrdreg $0x60  }
0xb4: {  	[dreg:$0x2] =	wrdreg s16  }
0xb5: {  	[dreg:$0x3] =	wrdreg s15  }
0xb6: {  	[dreg:$0x4] =	wrdreg s24  }
0xb7: {  	[dreg:$0x5] =	wrdreg $0x9  }
0xb8: {  	_ =	task.clear_ibuf [dreg:s8], $0x6FFFF;
	_ =	strace $0x90000046  }
0xb9: {  	s29 =	simm.s32 $0x9;
	_ =	strace $0x80000048  }
0xba: {  	_ =	swait.ge [sflag:s29], $0x1  }
0xbb: {  	[sflag:s29] =	ssyncadd.s32 $0xFFFFFFFF  }
0xbc: {  	_ =	strace $0x90000048  }
0xbd: {  	_ =	sfence  }
0xbe: {  	s30 =	sld [smem:$0x0];
	_ =	sdelay $0x2  }
0xbf: {  	s31 =	sshll.u32 s1, $0xD;
	s1 =	sshrl.u32 s1, $0x2  }
0xc0: {  	s3 =	sand.u32 $0x4000, s31;
	s1 =	sadd.s32 s1, s30  }
0xc1: {  	s0 =	sor.u32 s3, s0;
	s1 =	sshll.u32 s1, $0x11  }
0xc2: {  	s0 =	sor.u32 s1, s0  }
0xc3: {  	s0 =	sadd.s32 $0x8F2B, s0  }
0xc4: {  	[sflag:s0] =	ssyncadd.remote.s32 $0x1  }
0xc5: {  	_ =	sfence.sel $0xFFFF  }
0xc6: {  	[dreg:$0x0] =	wrdreg $0xFFFFFFFF;
	(pc) =	sbr.abs _section_cstart, $3  }
0xc7: {  	[dreg:$0x1] =	wrdreg $0xFFFFFFFF  }
0xc8: {  	_ =	task.clear_ibuf [dreg:s8], $0x2FFFF;
	_ =	strace $0x9FFFFFFF  }
0xc9: {  	(tm) =	ssettm $0x7FFFFFFF  }
tec
execute0_lowered:
.L_overlay_start_1:
0x0: {  	(tag) =	ssettag $0x1  }
0x1: {  	s2 =	rddreg [dreg:$0x0]  }
0x2: {  	s6 =	rddreg [dreg:$0x1]  }
0x3: {  	s4 =	rddreg [dreg:$0x2]  }
0x4: {  	s0 =	rddreg [dreg:$0x3];
	s1 =	stileid.u32  }
0x5: {  	s7 =	srdreg.scid;
	s5 =	smul.u32 $0x32000, s1  }
0x6: {  	s3 =	simm.s32 $0x0;
	s7 =	sand.u32 $0x1, s7;
	s8 =	smul.u32 $0x3200, s1  }
0x7: {  	[smem:$0x7FF] =	sst s3;
	s9 =	ssub.s32 $0x2, s7;
	s10 =	smul.u32 $0x1900, s7  }
0x8: {  	s7 =	smul.u32 $0x19000, s7;
	_ =	strace $0x80000047;
	s30 =	sshrl.u32 s9, $0x1  }
0x9: {  	s5 =	sadd.s32 s5, s4;
	s4 =	ssub.s32 s9, s30;
	s8 =	sadd.s32 s10, s8  }
0xa: {  	s5 =	sadd.s32 s7, s5;
	s7 =	simm.s32 $0x2;
	s9 =	simm.s32 $0x1  }
0xb: {  	s10 =	simm.s32 $0x0;
	s4 =	smax.u32 s4, $0x1;
	s31 =	sshrl.u32 s8, $0x3  }
0xc: {  	s5 =	sadd.s32 $0x8C00, s5;
	s8 =	simm.s32 $0x80;
	s6 =	sadd.s32 s31, s6  }
.LBB2_1:
0xd: {  	s11 =	sadd.s32 $0x0, s6  }
0xe: {  	[tilespmem:s3], [sflag:$0x2] =	stream.linear.gather [hbm4b:s11+s3], $0x80, $0x38;
	[tilespmem:$0x4080] =	vst v63  }
0xf: {  	_ =	swait.ge [sflag:s7], $0x80  }
0x10: {  	[sflag:s7] =	ssyncset.done $0x0  }
0x11: {  	[sflag:s7] =	ssyncadd.s32 $0xFFFFFF80  }
0x12: {  	[tilespmem:s8], [sflag:$0x1] =	stream.indirect.gather [hbm4b:s2+s8], $0x80, s3, s8, $0xb8;
	[tilespmem:$0x4080] =	vst v63  }
0x13: {  	_ =	swait.ge [sflag:s9], $0x4000  }
0x14: {  	[sflag:s9] =	ssyncset.done $0x0  }
0x15: {  	[sflag:s9] =	ssyncadd.s32 $0xFFFFC000  }
0x16: {  	[hbm4b:s5+s3] =	stream.linear.scatter [tilespmem:s8], [sflag:$0x2], $0x4000, $0x38;
	[tilespmem:$0x4080] =	vst v63  }
0x17: {  	s12 =	simm.s32 $0x10;
	_ =	swait.ge [sflag:s7], $0x4000  }
0x18: {  	s13 =	simm.s32 $0x20;
	s11 =	sadd.s32 $0x800, s5;
	[sflag:s7] =	ssyncset.done $0x0  }
.LBB2_2:
0x19: {  	s14 =	sadd.s32 s12, s6  }
0x1a: {  	[sflag:s7] =	ssyncadd.s32 $0xFFFFC000;
	s12 =	smov.u32 s13;
	s15 =	sadd.s32 $0x10, s13  }
0x1b: {  	[tilespmem:s3], [sflag:$0x2] =	stream.linear.gather [hbm4b:s14+s3], $0x80, $0x38;
	[tilespmem:$0x4080] =	vst v63  }
0x1c: {  	p0 =	sne.s32 s13, $0x310;
	_ =	swait.ge [sflag:s7], $0x80  }
0x1d: {  	[sflag:s7] =	ssyncset.done $0x0  }
0x1e: {  	[sflag:s7] =	ssyncadd.s32 $0xFFFFFF80  }
0x1f: {  	[tilespmem:s8], [sflag:$0x1] =	stream.indirect.gather [hbm4b:s2+s8], $0x80, s3, s8, $0xb8;
	[tilespmem:$0x4080] =	vst v63  }
0x20: {  	_ =	swait.ge [sflag:s9], $0x4000  }
.Ltmp0:
0x21: {  	[sflag:s9] =	ssyncset.done $0x0;
	(pc) =	sbr.rel @p0 .LBB2_2-.Ltmp0, $4  }
0x22: {  	[sflag:s9] =	ssyncadd.s32 $0xFFFFC000  }
0x23: {  	[hbm4b:s11+s3] =	stream.linear.scatter [tilespmem:s8], [sflag:$0x2], $0x4000, $0x38;
	[tilespmem:$0x4080] =	vst v63  }
0x24: {  	_ =	swait.ge [sflag:s7], $0x4000  }
0x25: {  	s13 =	smov.u32 s15;
	s11 =	sadd.s32 $0x800, s11;
	[sflag:s7] =	ssyncset.done $0x0  }
0x26: {  	s12 =	sadd.s32 s12, s6;
	[sflag:s7] =	ssyncadd.s32 $0xFFFFC000  }
0x27: {  	[tilespmem:s3], [sflag:$0x2] =	stream.linear.gather [hbm4b:s12+s3], $0x80, $0x38;
	[tilespmem:$0x4080] =	vst v63  }
0x28: {  	_ =	swait.ge [sflag:s7], $0x80  }
0x29: {  	[sflag:s7] =	ssyncset.done $0x0  }
0x2a: {  	[sflag:s7] =	ssyncadd.s32 $0xFFFFFF80  }
0x2b: {  	[tilespmem:s8], [sflag:$0x1] =	stream.indirect.gather [hbm4b:s2+s8], $0x80, s3, s8, $0xb8;
	[tilespmem:$0x4080] =	vst v63  }
0x2c: {  	s10 =	sadd.s32 $0x1, s10;
	_ =	swait.ge [sflag:s9], $0x4000  }
0x2d: {  	p0 =	sne.s32 s10, s4;
	[sflag:s9] =	ssyncset.done $0x0  }
.Ltmp1:
0x2e: {  	[sflag:s9] =	ssyncadd.s32 $0xFFFFC000;
	(pc) =	sbr.rel @p0 .LBB2_1-.Ltmp1, $4  }
0x2f: {  	[hbm4b:s11+s3] =	stream.linear.scatter [tilespmem:s8], [sflag:$0x2], $0x4000, $0x38;
	[tilespmem:$0x4080] =	vst v63  }
0x30: {  	_ =	swait.ge [sflag:s7], $0x4000  }
0x31: {  	[sflag:s7] =	ssyncset.done $0x0  }
0x32: {  	[sflag:s7] =	ssyncadd.s32 $0xFFFFC000  }
0x33: {  	_ =	sfence.sel $0x180000  }
0x34: {  	[bflag:$0x0] =	sbarrier.arrive $0xFFFF  }
0x35: {  	p0 =	sne.s32 s1, $0x0;
	_ =	strace $0x90000047  }
0x36: {  	s0 =	sadd.s32 @!p0 $0x100000, s0;
	[bflag:$0x2] =	sbarrier.arrive $0xFFFF  }
0x37: {  	[sflag:s0] =	ssyncadd.tile.s32 @!p0 $0x1;
	_ =	shalt  }
.Lfunc_end2:
_tile_overlayer_lowered:
.L_overlay_start_2:
0x38: {  	(tag) =	ssettag $0x2  }
0x39: {  	s0 =	rddreg [dreg:$0x0];
	s2 =	stileid.u32  }
0x3a: {  	s1 =	rddreg [dreg:$0x1];
	p0 =	sne.s32 s2, $0x0  }
0x3b: {  	s3 =	rddreg [dreg:$0x2];
	[bflag:$0x3] =	sbarrier.arrive $0xFFFF;
	s2 =	simm.s32 @!p0 $0x1C02  }
0x3c: {  	[timem:s3], [sflag:s2] =	dma.local @!p0 [hbm:s0], s1  }
0x3d: {  	s0 =	simm.s32 @!p0 $0x2  }
0x3e: {  	_ =	swait.ge @!p0 [sflag:s0], s1  }
0x3f: {  	s1 =	ssub.s32 @!p0 $0x0, s1;
	[sflag:s0] =	ssyncset.done @!p0 $0x0  }
0x40: {  	[sflag:s0] =	ssyncadd.s32 @!p0 s1  }
0x41: {  	[bflag:$0x3] =	sbarrier.arrive $0xFFFF  }
0x42: {  	_ =	shalt  }

</sc_bundles>
